<compile_context>
chip_gen: v7x
topology: tpu7x:2x2x1
jax: 0.10.2.dev20260603
libtpu: 0.0.44.dev20260713+nightly
codegen_flags: <defaults>
</compile_context>

<pallas_src>
import jax
import jax.numpy as jnp
from jax import lax
from jax.experimental import pallas as pl
from jax.experimental.pallas import tpu as pltpu
from jax.experimental.pallas import tpu_sc as plsc

_N = 10000
_E = 320000
_D = 128
_CHUNK = 80
_NC, _NS = 2, 16
_CPT = _E // _NS // _CHUNK
_HALF = _N // _NC
_ACC = _HALF + 8
_RPT = 312
_ZROWS = _ACC - (_NS - 1) * _RPT
_R = 1000


def _remap(to_v, lo, c):
    for k in range(_CHUNK // 16):
        t = to_v[c, pl.ds(k * 16, 16)]
        loc = t - lo
        ok = (t >= lo) & (t < lo + _HALF)
        to_v[c, pl.ds(k * 16, 16)] = jnp.where(ok, loc, _HALF)


def _seg_body(h_hbm, fro_hbm, to_hbm, z_hbm, out_hbm,
              fro_v, to_v, rows0, rows1, acc_sh, sem0, sem1):
    cid = lax.axis_index("c")
    sid = lax.axis_index("s")
    lo = cid * _HALF
    r0 = sid * _RPT

    pltpu.sync_copy(z_hbm.at[pl.ds(0, _RPT)], acc_sh.at[pl.ds(r0, _RPT)])

    @pl.when(sid == _NS - 1)
    def _zero_rem():
        rr = _NS * _RPT
        pltpu.sync_copy(z_hbm.at[pl.ds(0, _ACC - rr)],
                        acc_sh.at[pl.ds(rr, _ACC - rr)])

    pltpu.sync_copy(fro_hbm.at[sid], fro_v)
    pltpu.sync_copy(to_hbm.at[sid], to_v)

    def remap_body(c, carry):
        _remap(to_v, lo, c)
        return carry

    lax.fori_loop(0, _CPT, remap_body, 0)
    plsc.subcore_barrier()

    def start(c, rows, sem):
        pltpu.async_copy(h_hbm.at[fro_v.at[c]], rows, sem)

    def wait(c, rows, sem):
        pltpu.make_async_copy(h_hbm.at[fro_v.at[c]], rows, sem).wait()

    def scat(c, rows):
        pltpu.sync_copy(rows, acc_sh.at[to_v.at[c]], add=True)

    start(0, rows0, sem0)

    def body(g, carry):
        c = 2 * g
        start(c + 1, rows1, sem1)
        wait(c, rows0, sem0)
        scat(c, rows0)
        start(c + 2, rows0, sem0)
        wait(c + 1, rows1, sem1)
        scat(c + 1, rows1)
        return carry

    lax.fori_loop(0, _CPT // 2 - 1, body, 0)
    c = _CPT - 2
    start(c + 1, rows1, sem1)
    wait(c, rows0, sem0)
    scat(c, rows0)
    wait(c + 1, rows1, sem1)
    scat(c + 1, rows1)

    plsc.subcore_barrier()
    pltpu.sync_copy(acc_sh.at[pl.ds(r0, _RPT)],
                    out_hbm.at[pl.ds(cid * _HALF + r0, _RPT)])

    @pl.when(sid == _NS - 1)
    def _out_rem():
        rr = _NS * _RPT
        pltpu.sync_copy(acc_sh.at[pl.ds(rr, _HALF - rr)],
                        out_hbm.at[pl.ds(cid * _HALF + rr, _HALF - rr)])


_seg_kernel = pl.kernel(
    _seg_body,
    out_type=jax.ShapeDtypeStruct((_N, _D), jnp.float32),
    mesh=plsc.VectorSubcoreMesh(core_axis_name="c", subcore_axis_name="s"),
    scratch_types=[
        pltpu.VMEM((_CPT, _CHUNK), jnp.int32),
        pltpu.VMEM((_CPT, _CHUNK), jnp.int32),
        pltpu.VMEM((_CHUNK, _D), jnp.float32),
        pltpu.VMEM((_CHUNK, _D), jnp.float32),
        pltpu.VMEM_SHARED((_ACC, _D), jnp.float32),
        pltpu.SemaphoreType.DMA,
        pltpu.SemaphoreType.DMA,
    ],
    name="seg_sum",
)


def _cnt_body(to_hbm, z16_hbm, ones_hbm, cnt_hbm, to_v, ones_v, cnt_sh, csem):
    cid = lax.axis_index("c")
    sid = lax.axis_index("s")
    lo = cid * _HALF
    r0 = sid * _RPT

    pltpu.sync_copy(z16_hbm.at[pl.ds(0, _RPT)], cnt_sh.at[pl.ds(r0, _RPT)])

    @pl.when(sid == _NS - 1)
    def _zero_rem():
        rr = _NS * _RPT
        pltpu.sync_copy(z16_hbm.at[pl.ds(0, _ACC - rr)],
                        cnt_sh.at[pl.ds(rr, _ACC - rr)])

    pltpu.sync_copy(ones_hbm, ones_v)
    pltpu.sync_copy(to_hbm.at[sid], to_v)

    def remap_body(c, carry):
        _remap(to_v, lo, c)
        return carry

    lax.fori_loop(0, _CPT, remap_body, 0)
    plsc.subcore_barrier()

    for c in range(8):
        pltpu.async_copy(ones_v, cnt_sh.at[to_v.at[c]], csem, add=True)

    def fire(c, carry):
        pltpu.make_async_copy(ones_v, cnt_sh.at[to_v.at[c - 8]], csem).wait()
        pltpu.async_copy(ones_v, cnt_sh.at[to_v.at[c]], csem, add=True)
        return carry

    lax.fori_loop(8, _CPT, fire, 0)

    def drain(c, carry):
        pltpu.make_async_copy(ones_v, cnt_sh.at[to_v.at[c]], csem).wait()
        return carry

    lax.fori_loop(_CPT - 8, _CPT, drain, 0)

    plsc.subcore_barrier()
    pltpu.sync_copy(cnt_sh.at[pl.ds(r0, _RPT)],
                    cnt_hbm.at[pl.ds(cid * _HALF + r0, _RPT)])

    @pl.when(sid == _NS - 1)
    def _out_rem():
        rr = _NS * _RPT
        pltpu.sync_copy(cnt_sh.at[pl.ds(rr, _HALF - rr)],
                        cnt_hbm.at[pl.ds(cid * _HALF + rr, _HALF - rr)])


_cnt_kernel = pl.kernel(
    _cnt_body,
    out_type=jax.ShapeDtypeStruct((_N, 16), jnp.float32),
    mesh=plsc.VectorSubcoreMesh(core_axis_name="c", subcore_axis_name="s"),
    scratch_types=[
        pltpu.VMEM((_CPT, _CHUNK), jnp.int32),
        pltpu.VMEM((_CHUNK, 16), jnp.float32),
        pltpu.VMEM_SHARED((_ACC, 16), jnp.float32),
        pltpu.SemaphoreType.DMA,
    ],
    name="seg_counts",
)


def _init_body(x_ref, w_ref, b_ref, o_ref):
    o_ref[...] = jax.nn.relu(
        jnp.dot(x_ref[...], w_ref[...], preferred_element_type=jnp.float32)
        + b_ref[...])


def _combine_body(h_ref, p_ref, c_ref, ws_ref, wm_ref, b_ref, o_ref):
    agg = p_ref[...] / jnp.maximum(c_ref[:, 0:1], 1.0)
    o_ref[...] = jax.nn.relu(
        jnp.dot(h_ref[...], ws_ref[...], preferred_element_type=jnp.float32)
        + jnp.dot(agg, wm_ref[...], preferred_element_type=jnp.float32)
        + b_ref[...])


def _final_body(h_ref, p_ref, c_ref, ws_ref, wm_ref, b_ref, wo_ref, bo_ref,
                o_ref):
    agg = p_ref[...] / jnp.maximum(c_ref[:, 0:1], 1.0)
    h1 = jax.nn.relu(
        jnp.dot(h_ref[...], ws_ref[...], preferred_element_type=jnp.float32)
        + jnp.dot(agg, wm_ref[...], preferred_element_type=jnp.float32)
        + b_ref[...])
    o_ref[...] = (jnp.dot(h1, wo_ref[...], preferred_element_type=jnp.float32)
                  + bo_ref[...])


_row_spec = pl.BlockSpec((_R, _D), lambda i: (i, 0))
_c_spec = pl.BlockSpec((_R, 16), lambda i: (i, 0))
_w_spec = pl.BlockSpec((_D, _D), lambda i: (0, 0))
_b_spec = pl.BlockSpec((1, _D), lambda i: (0, 0))
_out_struct = jax.ShapeDtypeStruct((_N, _D), jnp.float32)

_init_mm = pl.pallas_call(
    _init_body,
    grid=(_N // _R,),
    in_specs=[_row_spec, _w_spec, _b_spec],
    out_specs=_row_spec,
    out_shape=_out_struct,
)

_combine_mm = pl.pallas_call(
    _combine_body,
    grid=(_N // _R,),
    in_specs=[_row_spec, _row_spec, _c_spec, _w_spec, _w_spec, _b_spec],
    out_specs=_row_spec,
    out_shape=_out_struct,
)

_final_mm = pl.pallas_call(
    _final_body,
    grid=(_N // _R,),
    in_specs=[_row_spec, _row_spec, _c_spec, _w_spec, _w_spec, _b_spec,
              _w_spec, _b_spec],
    out_specs=_row_spec,
    out_shape=_out_struct,
)


def kernel(nodes_feats, adj_list, W_init, b_init, W_self, W_msg, b_layers,
           W_out, b_out):
    fro = adj_list[:, 0].reshape(_NS, _CPT, _CHUNK)
    to = adj_list[:, 1].reshape(_NS, _CPT, _CHUNK)
    z128 = jnp.zeros((_ZROWS, _D), jnp.float32)
    z16 = jnp.zeros((_ZROWS, 16), jnp.float32)
    ones16 = jnp.ones((_CHUNK, 16), jnp.float32)

    cnts = _cnt_kernel(to, z16, ones16)
    h = _init_mm(nodes_feats, W_init, b_init.reshape(1, _D))
    parts = _seg_kernel(h, fro, to, z128)
    h = _combine_mm(h, parts, cnts, W_self[0], W_msg[0],
                    b_layers[0].reshape(1, _D))
    parts = _seg_kernel(h, fro, to, z128)
    return _final_mm(h, parts, cnts, W_self[1], W_msg[1],
                     b_layers[1].reshape(1, _D), W_out, b_out.reshape(1, _D))

# --- scband reference (transcript-rebuilt; emitter-appended) ---
"""Pipeline reference for scband-base-gnn-44289702756626 (READ-ONLY COPY).

The authoritative reference and input builder live on the scoring server;
editing this copy changes nothing except your own understanding.
"""

import jax, jax.numpy as jnp
import numpy as np

N = 10000
E = 320000
D_IN = 128
D_LAT = 128
D_OUT = 128
L = 2


def setup_inputs(seed: int = 0) -> dict:
    key = jax.random.key(seed)
    ks = jax.random.split(key, 10)
    nodes_feats = jax.random.normal(ks[0], (N, D_IN), dtype=jnp.float32)
    adj_list = jax.random.randint(ks[1], (E, 2), 0, N, dtype=jnp.int32)
    s_in = 1.0 / np.sqrt(D_IN)
    s_lat = 1.0 / np.sqrt(D_LAT)
    W_init = jax.random.normal(ks[2], (D_IN, D_LAT), dtype=jnp.float32) * s_in
    b_init = jnp.zeros((D_LAT,), dtype=jnp.float32)
    W_self = jax.random.normal(ks[3], (L, D_LAT, D_LAT), dtype=jnp.float32) * s_lat
    W_msg = jax.random.normal(ks[4], (L, D_LAT, D_LAT), dtype=jnp.float32) * s_lat
    b_layers = jnp.zeros((L, D_LAT), dtype=jnp.float32)
    W_out = jax.random.normal(ks[5], (D_LAT, D_OUT), dtype=jnp.float32) * s_lat
    b_out = jnp.zeros((D_OUT,), dtype=jnp.float32)
    return {
        "nodes_feats": nodes_feats,
        "adj_list": adj_list,
        "W_init": W_init,
        "b_init": b_init,
        "W_self": W_self,
        "W_msg": W_msg,
        "b_layers": b_layers,
        "W_out": W_out,
        "b_out": b_out,
    }


def reference(nodes_feats, adj_list, W_init, b_init, W_self, W_msg, b_layers, W_out, b_out):
    # initialize: project input features to latent space
    h = jax.nn.relu(nodes_feats @ W_init + b_init)
    fro = adj_list[:, 0]
    to = adj_list[:, 1]
    # in-degree counts for mean aggregation (friends stacked per dst node)
    counts = jnp.zeros((N,), dtype=jnp.float32).at[to].add(1.0)
    counts = jnp.maximum(counts, 1.0)
    for l in range(L):
        # gather source latent features along each edge (friends_combined[to].append(latent[fro]))
        msgs = jnp.take(h, fro, axis=0)
        # aggregate: mean over incoming messages per destination node
        agg = jax.ops.segment_sum(msgs, to, num_segments=N) / counts[:, None]
        # combine: per-layer transform of self feature and aggregated message
        h = jax.nn.relu(h @ W_self[l] + agg @ W_msg[l] + b_layers[l])
    # output: final projection to logits
    final_out = h @ W_out + b_out
    return final_out

if __name__ == "__main__":
    import jax
    _d = setup_inputs()
    print(jax.jit(kernel)(*tuple(_d.values())))

</pallas_src>

<mosaic_0001>
#map = affine_map<(d0, d1) -> (0, 0, 0)>
#map1 = affine_map<(d0, d1) -> (0, 0)>
module attributes {stable_mosaic.version = 14 : i64} {
  func.func @seg_counts(%arg0: i32, %arg1: i32, %arg2: memref<16x250x80xi32, #tpu.memory_space<hbm>>, %arg3: memref<328x16xf32, #tpu.memory_space<hbm>>, %arg4: memref<80x16xf32, #tpu.memory_space<hbm>>, %arg5: memref<10000x16xf32, #tpu.memory_space<hbm>>, %arg6: memref<250x80xi32, #tpu.memory_space<vmem>>, %arg7: memref<80x16xf32, #tpu.memory_space<vmem>>, %arg8: memref<5008x16xf32, #tpu.memory_space<vmem_shared>>, %arg9: memref<!tpu.dma_semaphore, #tpu.memory_space<semaphore_mem>>) attributes {dimension_semantics = [#tpu.dimension_semantics<core_parallel>, #tpu.dimension_semantics<subcore_parallel>], iteration_bounds = array<i64: 2, 16>, scalar_prefetch = 0 : i64, scratch_operands = 4 : i64, tpu.core_type = #tpu.core_type<sc_vector_subcore>, window_params = [{transform_indices = #map}, {transform_indices = #map1}, {transform_indices = #map1}, {transform_indices = #map1}]} {
    %mul3A = arith.constant 5000 : i32
    %mul3A_0 = arith.muli %arg0, %mul3A : i32
    %mul3A_1 = arith.constant 312 : i32
    %mul3A_2 = arith.muli %arg1, %mul3A_1 : i32
    "tpu.region"() ({
      %run_scoped3A = tpu.sem_alloc : memref<!tpu.dma_semaphore, #tpu.memory_space<semaphore_mem>>
      %dma_start3A_85 = arith.constant 0 : i32
      %dma_start3A_86 = tpu.memref_slice %arg8[%mul3A_2, %dma_start3A_85] : memref<5008x16xf32, #tpu.memory_space<vmem_shared>> -> memref<312x16xf32, #tpu.memory_space<vmem_shared>>
      %dma_start3A_87 = arith.constant 0 : i32
      %dma_start3A_88 = arith.constant 0 : i32
      %dma_start3A_89 = tpu.memref_slice %arg3[%dma_start3A_87, %dma_start3A_88] : memref<328x16xf32, #tpu.memory_space<hbm>> -> memref<312x16xf32, #tpu.memory_space<hbm>>
      tpu.enqueue_dma source(%dma_start3A_89 : memref<312x16xf32, #tpu.memory_space<hbm>>) target(%dma_start3A_86 : memref<312x16xf32, #tpu.memory_space<vmem_shared>>) target_semaphore(%run_scoped3A : memref<!tpu.dma_semaphore, #tpu.memory_space<semaphore_mem>>)
      %dma_wait3A = arith.constant 0 : i32
      %dma_wait3A_90 = tpu.memref_slice %arg8[%mul3A_2, %dma_wait3A] : memref<5008x16xf32, #tpu.memory_space<vmem_shared>> -> memref<312x16xf32, #tpu.memory_space<vmem_shared>>
      %dma_wait3A_91 = arith.constant 0 : i32
      %dma_wait3A_92 = arith.constant 0 : i32
      %dma_wait3A_93 = tpu.memref_slice %arg3[%dma_wait3A_91, %dma_wait3A_92] : memref<328x16xf32, #tpu.memory_space<hbm>> -> memref<312x16xf32, #tpu.memory_space<hbm>>
      tpu.wait_dma2 semaphore(%run_scoped3A : memref<!tpu.dma_semaphore, #tpu.memory_space<semaphore_mem>>) src(%dma_wait3A_93 : memref<312x16xf32, #tpu.memory_space<hbm>>) dst(%dma_wait3A_90 : memref<312x16xf32, #tpu.memory_space<vmem_shared>>)
      tpu.yield
    }) : () -> ()
    %eq3A = arith.constant 15 : i32
    %eq3A_3 = arith.cmpi eq, %arg1, %eq3A : i32
    %convert_element_type3A = arith.extui %eq3A_3 : i1 to i32
    %cond3A = arith.constant 0 : i32
    %cond3A_4 = arith.cmpi ne, %convert_element_type3A, %cond3A : i32
    scf.if %cond3A_4 {
      "tpu.region"() ({
        %run_scoped3A = tpu.sem_alloc : memref<!tpu.dma_semaphore, #tpu.memory_space<semaphore_mem>>
        %dma_start3A_85 = arith.constant 4992 : i32
        %dma_start3A_86 = arith.constant 0 : i32
        %dma_start3A_87 = tpu.memref_slice %arg8[%dma_start3A_85, %dma_start3A_86] : memref<5008x16xf32, #tpu.memory_space<vmem_shared>> -> memref<16x16xf32, #tpu.memory_space<vmem_shared>>
        %dma_start3A_88 = arith.constant 0 : i32
        %dma_start3A_89 = arith.constant 0 : i32
        %dma_start3A_90 = tpu.memref_slice %arg3[%dma_start3A_88, %dma_start3A_89] : memref<328x16xf32, #tpu.memory_space<hbm>> -> memref<16x16xf32, #tpu.memory_space<hbm>>
        tpu.enqueue_dma source(%dma_start3A_90 : memref<16x16xf32, #tpu.memory_space<hbm>>) target(%dma_start3A_87 : memref<16x16xf32, #tpu.memory_space<vmem_shared>>) target_semaphore(%run_scoped3A : memref<!tpu.dma_semaphore, #tpu.memory_space<semaphore_mem>>)
        %dma_wait3A = arith.constant 4992 : i32
        %dma_wait3A_91 = arith.constant 0 : i32
        %dma_wait3A_92 = tpu.memref_slice %arg8[%dma_wait3A, %dma_wait3A_91] : memref<5008x16xf32, #tpu.memory_space<vmem_shared>> -> memref<16x16xf32, #tpu.memory_space<vmem_shared>>
        %dma_wait3A_93 = arith.constant 0 : i32
        %dma_wait3A_94 = arith.constant 0 : i32
        %dma_wait3A_95 = tpu.memref_slice %arg3[%dma_wait3A_93, %dma_wait3A_94] : memref<328x16xf32, #tpu.memory_space<hbm>> -> memref<16x16xf32, #tpu.memory_space<hbm>>
        tpu.wait_dma2 semaphore(%run_scoped3A : memref<!tpu.dma_semaphore, #tpu.memory_space<semaphore_mem>>) src(%dma_wait3A_95 : memref<16x16xf32, #tpu.memory_space<hbm>>) dst(%dma_wait3A_92 : memref<16x16xf32, #tpu.memory_space<vmem_shared>>)
        tpu.yield
      }) : () -> ()
    } else {
    }
    "tpu.region"() ({
      %run_scoped3A = tpu.sem_alloc : memref<!tpu.dma_semaphore, #tpu.memory_space<semaphore_mem>>
      tpu.enqueue_dma source(%arg4 : memref<80x16xf32, #tpu.memory_space<hbm>>) target(%arg7 : memref<80x16xf32, #tpu.memory_space<vmem>>) target_semaphore(%run_scoped3A : memref<!tpu.dma_semaphore, #tpu.memory_space<semaphore_mem>>)
      tpu.wait_dma2 semaphore(%run_scoped3A : memref<!tpu.dma_semaphore, #tpu.memory_space<semaphore_mem>>) src(%arg4 : memref<80x16xf32, #tpu.memory_space<hbm>>) dst(%arg7 : memref<80x16xf32, #tpu.memory_space<vmem>>)
      tpu.yield
    }) : () -> ()
    "tpu.region"() ({
      %run_scoped3A = tpu.sem_alloc : memref<!tpu.dma_semaphore, #tpu.memory_space<semaphore_mem>>
      %dma_start3A_85 = arith.constant 0 : i32
      %dma_start3A_86 = arith.constant 0 : i32
      %dma_start3A_87 = tpu.memref_slice %arg2[%arg1, %dma_start3A_85, %dma_start3A_86] : memref<16x250x80xi32, #tpu.memory_space<hbm>> -> memref<1x250x80xi32, #tpu.memory_space<hbm>>
      %dma_start3A_88 = tpu.memref_squeeze %dma_start3A_87 : memref<1x250x80xi32, #tpu.memory_space<hbm>> -> memref<250x80xi32, #tpu.memory_space<hbm>>
      %dma_start3A_89 = arith.constant 0 : i32
      %dma_start3A_90 = arith.constant 0 : i32
      %dma_start3A_91 = tpu.memref_slice %arg2[%arg1, %dma_start3A_89, %dma_start3A_90] : memref<16x250x80xi32, #tpu.memory_space<hbm>> -> memref<1x250x80xi32, #tpu.memory_space<hbm>>
      %dma_start3A_92 = tpu.memref_squeeze %dma_start3A_91 : memref<1x250x80xi32, #tpu.memory_space<hbm>> -> memref<250x80xi32, #tpu.memory_space<hbm>>
      tpu.enqueue_dma source(%dma_start3A_92 : memref<250x80xi32, #tpu.memory_space<hbm>>) target(%arg6 : memref<250x80xi32, #tpu.memory_space<vmem>>) target_semaphore(%run_scoped3A : memref<!tpu.dma_semaphore, #tpu.memory_space<semaphore_mem>>)
      %dma_wait3A = arith.constant 0 : i32
      %dma_wait3A_93 = arith.constant 0 : i32
      %dma_wait3A_94 = tpu.memref_slice %arg2[%arg1, %dma_wait3A, %dma_wait3A_93] : memref<16x250x80xi32, #tpu.memory_space<hbm>> -> memref<1x250x80xi32, #tpu.memory_space<hbm>>
      %dma_wait3A_95 = tpu.memref_squeeze %dma_wait3A_94 : memref<1x250x80xi32, #tpu.memory_space<hbm>> -> memref<250x80xi32, #tpu.memory_space<hbm>>
      %dma_wait3A_96 = arith.constant 0 : i32
      %dma_wait3A_97 = arith.constant 0 : i32
      %dma_wait3A_98 = tpu.memref_slice %arg2[%arg1, %dma_wait3A_96, %dma_wait3A_97] : memref<16x250x80xi32, #tpu.memory_space<hbm>> -> memref<1x250x80xi32, #tpu.memory_space<hbm>>
      %dma_wait3A_99 = tpu.memref_squeeze %dma_wait3A_98 : memref<1x250x80xi32, #tpu.memory_space<hbm>> -> memref<250x80xi32, #tpu.memory_space<hbm>>
      tpu.wait_dma2 semaphore(%run_scoped3A : memref<!tpu.dma_semaphore, #tpu.memory_space<semaphore_mem>>) src(%dma_wait3A_99 : memref<250x80xi32, #tpu.memory_space<hbm>>) dst(%arg6 : memref<250x80xi32, #tpu.memory_space<vmem>>)
      tpu.yield
    }) : () -> ()
    %scan3A = arith.constant 0 : i32
    %scan3A_5 = arith.constant 0 : i32
    %scan3A_6 = arith.constant 250 : i32
    %scan3A_7 = arith.addi %scan3A_5, %scan3A_6 : i32
    %scan3A_8 = arith.constant 1 : i32
    scf.for %scan3A_85 = %scan3A_5 to %scan3A_7 step %scan3A_8  : i32 {
      %get3A = arith.index_cast %scan3A_85 : i32 to index
      %get3A_86 = arith.constant 0 : index
      %get3A_87 = tpu.vector_load %arg6[%get3A, %get3A_86] {strides = array<i32>} : memref<250x80xi32, #tpu.memory_space<vmem>>, vector<1x16xi32>,
      %get3A_88 = vector.shape_cast %get3A_87 : vector<1x16xi32> to vector<16xi32>
      %sub3A = vector.broadcast %mul3A_0 : i32 to vector<16xi32>
      %sub3A_89 = arith.subi %get3A_88, %sub3A : vector<16xi32>
      %ge3A = vector.broadcast %mul3A_0 : i32 to vector<16xi32>
      %ge3A_90 = arith.cmpi sge, %get3A_88, %ge3A : vector<16xi32>
      %add3A_91 = arith.constant 5000 : i32
      %add3A_92 = arith.addi %mul3A_0, %add3A_91 : i32
      %lt3A = vector.broadcast %add3A_92 : i32 to vector<16xi32>
      %lt3A_93 = arith.cmpi slt, %get3A_88, %lt3A : vector<16xi32>
      %and3A = arith.andi %ge3A_90, %lt3A_93 : vector<16xi1>
      %jit3A = arith.constant 5000 : i32
      %broadcast_in_dim3A = vector.broadcast %jit3A : i32 to vector<16xi32>
      %select_n3A = arith.select %and3A, %sub3A_89, %broadcast_in_dim3A : vector<16xi1>, vector<16xi32>
      %swap3A = arith.index_cast %scan3A_85 : i32 to index
      %swap3A_94 = arith.constant 0 : index
      %swap3A_95 = tpu.vector_load %arg6[%swap3A, %swap3A_94] {strides = array<i32>} : memref<250x80xi32, #tpu.memory_space<vmem>>, vector<1x16xi32>,
      %swap3A_96 = vector.shape_cast %swap3A_95 : vector<1x16xi32> to vector<16xi32>
      %swap3A_97 = vector.shape_cast %select_n3A : vector<16xi32> to vector<1x16xi32>
      tpu.vector_store %arg6[%swap3A, %swap3A_94], %swap3A_97 {strides = array<i32>} : memref<250x80xi32, #tpu.memory_space<vmem>>, vector<1x16xi32>,
      %get3A_98 = arith.index_cast %scan3A_85 : i32 to index
      %get3A_99 = arith.constant 16 : index
      %get3A_100 = tpu.vector_load %arg6[%get3A_98, %get3A_99] {strides = array<i32>} : memref<250x80xi32, #tpu.memory_space<vmem>>, vector<1x16xi32>,
      %get3A_101 = vector.shape_cast %get3A_100 : vector<1x16xi32> to vector<16xi32>
      %sub3A_102 = vector.broadcast %mul3A_0 : i32 to vector<16xi32>
      %sub3A_103 = arith.subi %get3A_101, %sub3A_102 : vector<16xi32>
      %ge3A_104 = vector.broadcast %mul3A_0 : i32 to vector<16xi32>
      %ge3A_105 = arith.cmpi sge, %get3A_101, %ge3A_104 : vector<16xi32>
      %add3A_106 = arith.constant 5000 : i32
      %add3A_107 = arith.addi %mul3A_0, %add3A_106 : i32
      %lt3A_108 = vector.broadcast %add3A_107 : i32 to vector<16xi32>
      %lt3A_109 = arith.cmpi slt, %get3A_101, %lt3A_108 : vector<16xi32>
      %and3A_110 = arith.andi %ge3A_105, %lt3A_109 : vector<16xi1>
      %jit3A_111 = arith.constant 5000 : i32
      %broadcast_in_dim3A_112 = vector.broadcast %jit3A_111 : i32 to vector<16xi32>
      %select_n3A_113 = arith.select %and3A_110, %sub3A_103, %broadcast_in_dim3A_112 : vector<16xi1>, vector<16xi32>
      %swap3A_114 = arith.index_cast %scan3A_85 : i32 to index
      %swap3A_115 = arith.constant 16 : index
      %swap3A_116 = tpu.vector_load %arg6[%swap3A_114, %swap3A_115] {strides = array<i32>} : memref<250x80xi32, #tpu.memory_space<vmem>>, vector<1x16xi32>,
      %swap3A_117 = vector.shape_cast %swap3A_116 : vector<1x16xi32> to vector<16xi32>
      %swap3A_118 = vector.shape_cast %select_n3A_113 : vector<16xi32> to vector<1x16xi32>
      tpu.vector_store %arg6[%swap3A_114, %swap3A_115], %swap3A_118 {strides = array<i32>} : memref<250x80xi32, #tpu.memory_space<vmem>>, vector<1x16xi32>,
      %get3A_119 = arith.index_cast %scan3A_85 : i32 to index
      %get3A_120 = arith.constant 32 : index
      %get3A_121 = tpu.vector_load %arg6[%get3A_119, %get3A_120] {strides = array<i32>} : memref<250x80xi32, #tpu.memory_space<vmem>>, vector<1x16xi32>,
      %get3A_122 = vector.shape_cast %get3A_121 : vector<1x16xi32> to vector<16xi32>
      %sub3A_123 = vector.broadcast %mul3A_0 : i32 to vector<16xi32>
      %sub3A_124 = arith.subi %get3A_122, %sub3A_123 : vector<16xi32>
      %ge3A_125 = vector.broadcast %mul3A_0 : i32 to vector<16xi32>
      %ge3A_126 = arith.cmpi sge, %get3A_122, %ge3A_125 : vector<16xi32>
      %add3A_127 = arith.constant 5000 : i32
      %add3A_128 = arith.addi %mul3A_0, %add3A_127 : i32
      %lt3A_129 = vector.broadcast %add3A_128 : i32 to vector<16xi32>
      %lt3A_130 = arith.cmpi slt, %get3A_122, %lt3A_129 : vector<16xi32>
      %and3A_131 = arith.andi %ge3A_126, %lt3A_130 : vector<16xi1>
      %jit3A_132 = arith.constant 5000 : i32
      %broadcast_in_dim3A_133 = vector.broadcast %jit3A_132 : i32 to vector<16xi32>
      %select_n3A_134 = arith.select %and3A_131, %sub3A_124, %broadcast_in_dim3A_133 : vector<16xi1>, vector<16xi32>
      %swap3A_135 = arith.index_cast %scan3A_85 : i32 to index
      %swap3A_136 = arith.constant 32 : index
      %swap3A_137 = tpu.vector_load %arg6[%swap3A_135, %swap3A_136] {strides = array<i32>} : memref<250x80xi32, #tpu.memory_space<vmem>>, vector<1x16xi32>,
      %swap3A_138 = vector.shape_cast %swap3A_137 : vector<1x16xi32> to vector<16xi32>
      %swap3A_139 = vector.shape_cast %select_n3A_134 : vector<16xi32> to vector<1x16xi32>
      tpu.vector_store %arg6[%swap3A_135, %swap3A_136], %swap3A_139 {strides = array<i32>} : memref<250x80xi32, #tpu.memory_space<vmem>>, vector<1x16xi32>,
      %get3A_140 = arith.index_cast %scan3A_85 : i32 to index
      %get3A_141 = arith.constant 48 : index
      %get3A_142 = tpu.vector_load %arg6[%get3A_140, %get3A_141] {strides = array<i32>} : memref<250x80xi32, #tpu.memory_space<vmem>>, vector<1x16xi32>,
      %get3A_143 = vector.shape_cast %get3A_142 : vector<1x16xi32> to vector<16xi32>
      %sub3A_144 = vector.broadcast %mul3A_0 : i32 to vector<16xi32>
      %sub3A_145 = arith.subi %get3A_143, %sub3A_144 : vector<16xi32>
      %ge3A_146 = vector.broadcast %mul3A_0 : i32 to vector<16xi32>
      %ge3A_147 = arith.cmpi sge, %get3A_143, %ge3A_146 : vector<16xi32>
      %add3A_148 = arith.constant 5000 : i32
      %add3A_149 = arith.addi %mul3A_0, %add3A_148 : i32
      %lt3A_150 = vector.broadcast %add3A_149 : i32 to vector<16xi32>
      %lt3A_151 = arith.cmpi slt, %get3A_143, %lt3A_150 : vector<16xi32>
      %and3A_152 = arith.andi %ge3A_147, %lt3A_151 : vector<16xi1>
      %jit3A_153 = arith.constant 5000 : i32
      %broadcast_in_dim3A_154 = vector.broadcast %jit3A_153 : i32 to vector<16xi32>
      %select_n3A_155 = arith.select %and3A_152, %sub3A_145, %broadcast_in_dim3A_154 : vector<16xi1>, vector<16xi32>
      %swap3A_156 = arith.index_cast %scan3A_85 : i32 to index
      %swap3A_157 = arith.constant 48 : index
      %swap3A_158 = tpu.vector_load %arg6[%swap3A_156, %swap3A_157] {strides = array<i32>} : memref<250x80xi32, #tpu.memory_space<vmem>>, vector<1x16xi32>,
      %swap3A_159 = vector.shape_cast %swap3A_158 : vector<1x16xi32> to vector<16xi32>
      %swap3A_160 = vector.shape_cast %select_n3A_155 : vector<16xi32> to vector<1x16xi32>
      tpu.vector_store %arg6[%swap3A_156, %swap3A_157], %swap3A_160 {strides = array<i32>} : memref<250x80xi32, #tpu.memory_space<vmem>>, vector<1x16xi32>,
      %get3A_161 = arith.index_cast %scan3A_85 : i32 to index
      %get3A_162 = arith.constant 64 : index
      %get3A_163 = tpu.vector_load %arg6[%get3A_161, %get3A_162] {strides = array<i32>} : memref<250x80xi32, #tpu.memory_space<vmem>>, vector<1x16xi32>,
      %get3A_164 = vector.shape_cast %get3A_163 : vector<1x16xi32> to vector<16xi32>
      %sub3A_165 = vector.broadcast %mul3A_0 : i32 to vector<16xi32>
      %sub3A_166 = arith.subi %get3A_164, %sub3A_165 : vector<16xi32>
      %ge3A_167 = vector.broadcast %mul3A_0 : i32 to vector<16xi32>
      %ge3A_168 = arith.cmpi sge, %get3A_164, %ge3A_167 : vector<16xi32>
      %add3A_169 = arith.constant 5000 : i32
      %add3A_170 = arith.addi %mul3A_0, %add3A_169 : i32
      %lt3A_171 = vector.broadcast %add3A_170 : i32 to vector<16xi32>
      %lt3A_172 = arith.cmpi slt, %get3A_164, %lt3A_171 : vector<16xi32>
      %and3A_173 = arith.andi %ge3A_168, %lt3A_172 : vector<16xi1>
      %jit3A_174 = arith.constant 5000 : i32
      %broadcast_in_dim3A_175 = vector.broadcast %jit3A_174 : i32 to vector<16xi32>
      %select_n3A_176 = arith.select %and3A_173, %sub3A_166, %broadcast_in_dim3A_175 : vector<16xi1>, vector<16xi32>
      %swap3A_177 = arith.index_cast %scan3A_85 : i32 to index
      %swap3A_178 = arith.constant 64 : index
      %swap3A_179 = tpu.vector_load %arg6[%swap3A_177, %swap3A_178] {strides = array<i32>} : memref<250x80xi32, #tpu.memory_space<vmem>>, vector<1x16xi32>,
      %swap3A_180 = vector.shape_cast %swap3A_179 : vector<1x16xi32> to vector<16xi32>
      %swap3A_181 = vector.shape_cast %select_n3A_176 : vector<16xi32> to vector<1x16xi32>
      tpu.vector_store %arg6[%swap3A_177, %swap3A_178], %swap3A_181 {strides = array<i32>} : memref<250x80xi32, #tpu.memory_space<vmem>>, vector<1x16xi32>,
    }
    %scan3A_9 = arith.constant 250 : i32
    %barrier3A = arith.constant 0 : index
    tpu.barrier barrier_id(%barrier3A)
    %dma_start3A = arith.constant 0 : i32
    %dma_start3A_10 = arith.constant 0 : i32
    %dma_start3A_11 = tpu.memref_slice %arg6[%dma_start3A, %dma_start3A_10] : memref<250x80xi32, #tpu.memory_space<vmem>> -> memref<1x80xi32, #tpu.memory_space<vmem>>
    %dma_start3A_12 = tpu.memref_squeeze %dma_start3A_11 : memref<1x80xi32, #tpu.memory_space<vmem>> -> memref<80xi32, #tpu.memory_space<vmem>>
    %dma_start3A_13 = arith.constant 0 : i32
    %dma_start3A_14 = arith.constant 0 : i32
    %dma_start3A_15 = tpu.memref_slice %arg8[%dma_start3A_13, %dma_start3A_14] : memref<5008x16xf32, #tpu.memory_space<vmem_shared>> -> memref<5008x16xf32, #tpu.memory_space<vmem_shared>>
    tpu.enqueue_indirect_dma source(%arg7 : memref<80x16xf32, #tpu.memory_space<vmem>>) target(%dma_start3A_15 : memref<5008x16xf32, #tpu.memory_space<vmem_shared>>) offsets(%dma_start3A_12 : memref<80xi32, #tpu.memory_space<vmem>>) semaphore(%arg9 : memref<!tpu.dma_semaphore, #tpu.memory_space<semaphore_mem>>) {add = true}
    %dma_start3A_16 = arith.constant 1 : i32
    %dma_start3A_17 = arith.constant 0 : i32
    %dma_start3A_18 = tpu.memref_slice %arg6[%dma_start3A_16, %dma_start3A_17] : memref<250x80xi32, #tpu.memory_space<vmem>> -> memref<1x80xi32, #tpu.memory_space<vmem>>
    %dma_start3A_19 = tpu.memref_squeeze %dma_start3A_18 : memref<1x80xi32, #tpu.memory_space<vmem>> -> memref<80xi32, #tpu.memory_space<vmem>>
    %dma_start3A_20 = arith.constant 0 : i32
    %dma_start3A_21 = arith.constant 0 : i32
    %dma_start3A_22 = tpu.memref_slice %arg8[%dma_start3A_20, %dma_start3A_21] : memref<5008x16xf32, #tpu.memory_space<vmem_shared>> -> memref<5008x16xf32, #tpu.memory_space<vmem_shared>>
    tpu.enqueue_indirect_dma source(%arg7 : memref<80x16xf32, #tpu.memory_space<vmem>>) target(%dma_start3A_22 : memref<5008x16xf32, #tpu.memory_space<vmem_shared>>) offsets(%dma_start3A_19 : memref<80xi32, #tpu.memory_space<vmem>>) semaphore(%arg9 : memref<!tpu.dma_semaphore, #tpu.memory_space<semaphore_mem>>) {add = true}
    %dma_start3A_23 = arith.constant 2 : i32
    %dma_start3A_24 = arith.constant 0 : i32
    %dma_start3A_25 = tpu.memref_slice %arg6[%dma_start3A_23, %dma_start3A_24] : memref<250x80xi32, #tpu.memory_space<vmem>> -> memref<1x80xi32, #tpu.memory_space<vmem>>
    %dma_start3A_26 = tpu.memref_squeeze %dma_start3A_25 : memref<1x80xi32, #tpu.memory_space<vmem>> -> memref<80xi32, #tpu.memory_space<vmem>>
    %dma_start3A_27 = arith.constant 0 : i32
    %dma_start3A_28 = arith.constant 0 : i32
    %dma_start3A_29 = tpu.memref_slice %arg8[%dma_start3A_27, %dma_start3A_28] : memref<5008x16xf32, #tpu.memory_space<vmem_shared>> -> memref<5008x16xf32, #tpu.memory_space<vmem_shared>>
    tpu.enqueue_indirect_dma source(%arg7 : memref<80x16xf32, #tpu.memory_space<vmem>>) target(%dma_start3A_29 : memref<5008x16xf32, #tpu.memory_space<vmem_shared>>) offsets(%dma_start3A_26 : memref<80xi32, #tpu.memory_space<vmem>>) semaphore(%arg9 : memref<!tpu.dma_semaphore, #tpu.memory_space<semaphore_mem>>) {add = true}
    %dma_start3A_30 = arith.constant 3 : i32
    %dma_start3A_31 = arith.constant 0 : i32
    %dma_start3A_32 = tpu.memref_slice %arg6[%dma_start3A_30, %dma_start3A_31] : memref<250x80xi32, #tpu.memory_space<vmem>> -> memref<1x80xi32, #tpu.memory_space<vmem>>
    %dma_start3A_33 = tpu.memref_squeeze %dma_start3A_32 : memref<1x80xi32, #tpu.memory_space<vmem>> -> memref<80xi32, #tpu.memory_space<vmem>>
    %dma_start3A_34 = arith.constant 0 : i32
    %dma_start3A_35 = arith.constant 0 : i32
    %dma_start3A_36 = tpu.memref_slice %arg8[%dma_start3A_34, %dma_start3A_35] : memref<5008x16xf32, #tpu.memory_space<vmem_shared>> -> memref<5008x16xf32, #tpu.memory_space<vmem_shared>>
    tpu.enqueue_indirect_dma source(%arg7 : memref<80x16xf32, #tpu.memory_space<vmem>>) target(%dma_start3A_36 : memref<5008x16xf32, #tpu.memory_space<vmem_shared>>) offsets(%dma_start3A_33 : memref<80xi32, #tpu.memory_space<vmem>>) semaphore(%arg9 : memref<!tpu.dma_semaphore, #tpu.memory_space<semaphore_mem>>) {add = true}
    %dma_start3A_37 = arith.constant 4 : i32
    %dma_start3A_38 = arith.constant 0 : i32
    %dma_start3A_39 = tpu.memref_slice %arg6[%dma_start3A_37, %dma_start3A_38] : memref<250x80xi32, #tpu.memory_space<vmem>> -> memref<1x80xi32, #tpu.memory_space<vmem>>
    %dma_start3A_40 = tpu.memref_squeeze %dma_start3A_39 : memref<1x80xi32, #tpu.memory_space<vmem>> -> memref<80xi32, #tpu.memory_space<vmem>>
    %dma_start3A_41 = arith.constant 0 : i32
    %dma_start3A_42 = arith.constant 0 : i32
    %dma_start3A_43 = tpu.memref_slice %arg8[%dma_start3A_41, %dma_start3A_42] : memref<5008x16xf32, #tpu.memory_space<vmem_shared>> -> memref<5008x16xf32, #tpu.memory_space<vmem_shared>>
    tpu.enqueue_indirect_dma source(%arg7 : memref<80x16xf32, #tpu.memory_space<vmem>>) target(%dma_start3A_43 : memref<5008x16xf32, #tpu.memory_space<vmem_shared>>) offsets(%dma_start3A_40 : memref<80xi32, #tpu.memory_space<vmem>>) semaphore(%arg9 : memref<!tpu.dma_semaphore, #tpu.memory_space<semaphore_mem>>) {add = true}
    %dma_start3A_44 = arith.constant 5 : i32
    %dma_start3A_45 = arith.constant 0 : i32
    %dma_start3A_46 = tpu.memref_slice %arg6[%dma_start3A_44, %dma_start3A_45] : memref<250x80xi32, #tpu.memory_space<vmem>> -> memref<1x80xi32, #tpu.memory_space<vmem>>
    %dma_start3A_47 = tpu.memref_squeeze %dma_start3A_46 : memref<1x80xi32, #tpu.memory_space<vmem>> -> memref<80xi32, #tpu.memory_space<vmem>>
    %dma_start3A_48 = arith.constant 0 : i32
    %dma_start3A_49 = arith.constant 0 : i32
    %dma_start3A_50 = tpu.memref_slice %arg8[%dma_start3A_48, %dma_start3A_49] : memref<5008x16xf32, #tpu.memory_space<vmem_shared>> -> memref<5008x16xf32, #tpu.memory_space<vmem_shared>>
    tpu.enqueue_indirect_dma source(%arg7 : memref<80x16xf32, #tpu.memory_space<vmem>>) target(%dma_start3A_50 : memref<5008x16xf32, #tpu.memory_space<vmem_shared>>) offsets(%dma_start3A_47 : memref<80xi32, #tpu.memory_space<vmem>>) semaphore(%arg9 : memref<!tpu.dma_semaphore, #tpu.memory_space<semaphore_mem>>) {add = true}
    %dma_start3A_51 = arith.constant 6 : i32
    %dma_start3A_52 = arith.constant 0 : i32
    %dma_start3A_53 = tpu.memref_slice %arg6[%dma_start3A_51, %dma_start3A_52] : memref<250x80xi32, #tpu.memory_space<vmem>> -> memref<1x80xi32, #tpu.memory_space<vmem>>
    %dma_start3A_54 = tpu.memref_squeeze %dma_start3A_53 : memref<1x80xi32, #tpu.memory_space<vmem>> -> memref<80xi32, #tpu.memory_space<vmem>>
    %dma_start3A_55 = arith.constant 0 : i32
    %dma_start3A_56 = arith.constant 0 : i32
    %dma_start3A_57 = tpu.memref_slice %arg8[%dma_start3A_55, %dma_start3A_56] : memref<5008x16xf32, #tpu.memory_space<vmem_shared>> -> memref<5008x16xf32, #tpu.memory_space<vmem_shared>>
    tpu.enqueue_indirect_dma source(%arg7 : memref<80x16xf32, #tpu.memory_space<vmem>>) target(%dma_start3A_57 : memref<5008x16xf32, #tpu.memory_space<vmem_shared>>) offsets(%dma_start3A_54 : memref<80xi32, #tpu.memory_space<vmem>>) semaphore(%arg9 : memref<!tpu.dma_semaphore, #tpu.memory_space<semaphore_mem>>) {add = true}
    %dma_start3A_58 = arith.constant 7 : i32
    %dma_start3A_59 = arith.constant 0 : i32
    %dma_start3A_60 = tpu.memref_slice %arg6[%dma_start3A_58, %dma_start3A_59] : memref<250x80xi32, #tpu.memory_space<vmem>> -> memref<1x80xi32, #tpu.memory_space<vmem>>
    %dma_start3A_61 = tpu.memref_squeeze %dma_start3A_60 : memref<1x80xi32, #tpu.memory_space<vmem>> -> memref<80xi32, #tpu.memory_space<vmem>>
    %dma_start3A_62 = arith.constant 0 : i32
    %dma_start3A_63 = arith.constant 0 : i32
    %dma_start3A_64 = tpu.memref_slice %arg8[%dma_start3A_62, %dma_start3A_63] : memref<5008x16xf32, #tpu.memory_space<vmem_shared>> -> memref<5008x16xf32, #tpu.memory_space<vmem_shared>>
    tpu.enqueue_indirect_dma source(%arg7 : memref<80x16xf32, #tpu.memory_space<vmem>>) target(%dma_start3A_64 : memref<5008x16xf32, #tpu.memory_space<vmem_shared>>) offsets(%dma_start3A_61 : memref<80xi32, #tpu.memory_space<vmem>>) semaphore(%arg9 : memref<!tpu.dma_semaphore, #tpu.memory_space<semaphore_mem>>) {add = true}
    %scan3A_65 = arith.constant 0 : i32
    %scan3A_66 = arith.constant 8 : i32
    %scan3A_67 = arith.constant 242 : i32
    %scan3A_68 = arith.addi %scan3A_66, %scan3A_67 : i32
    %scan3A_69 = arith.constant 1 : i32
    scf.for %scan3A_85 = %scan3A_66 to %scan3A_68 step %scan3A_69  : i32 {
      %sub3A = arith.constant 8 : i32
      %sub3A_86 = arith.subi %scan3A_85, %sub3A : i32
      %dma_wait3A = arith.constant 0 : i32
      %dma_wait3A_87 = tpu.memref_slice %arg6[%sub3A_86, %dma_wait3A] : memref<250x80xi32, #tpu.memory_space<vmem>> -> memref<1x80xi32, #tpu.memory_space<vmem>>
      %dma_wait3A_88 = tpu.memref_squeeze %dma_wait3A_87 : memref<1x80xi32, #tpu.memory_space<vmem>> -> memref<80xi32, #tpu.memory_space<vmem>>
      %dma_wait3A_89 = arith.constant 0 : i32
      %dma_wait3A_90 = arith.constant 0 : i32
      %dma_wait3A_91 = tpu.memref_slice %arg8[%dma_wait3A_89, %dma_wait3A_90] : memref<5008x16xf32, #tpu.memory_space<vmem_shared>> -> memref<5008x16xf32, #tpu.memory_space<vmem_shared>>
      tpu.wait_indirect_dma semaphore(%arg9 : memref<!tpu.dma_semaphore, #tpu.memory_space<semaphore_mem>>) src(%arg7 : memref<80x16xf32, #tpu.memory_space<vmem>>) dst(%dma_wait3A_91 : memref<5008x16xf32, #tpu.memory_space<vmem_shared>>)
      %dma_start3A_92 = arith.constant 0 : i32
      %dma_start3A_93 = tpu.memref_slice %arg6[%scan3A_85, %dma_start3A_92] : memref<250x80xi32, #tpu.memory_space<vmem>> -> memref<1x80xi32, #tpu.memory_space<vmem>>
      %dma_start3A_94 = tpu.memref_squeeze %dma_start3A_93 : memref<1x80xi32, #tpu.memory_space<vmem>> -> memref<80xi32, #tpu.memory_space<vmem>>
      %dma_start3A_95 = arith.constant 0 : i32
      %dma_start3A_96 = arith.constant 0 : i32
      %dma_start3A_97 = tpu.memref_slice %arg8[%dma_start3A_95, %dma_start3A_96] : memref<5008x16xf32, #tpu.memory_space<vmem_shared>> -> memref<5008x16xf32, #tpu.memory_space<vmem_shared>>
      tpu.enqueue_indirect_dma source(%arg7 : memref<80x16xf32, #tpu.memory_space<vmem>>) target(%dma_start3A_97 : memref<5008x16xf32, #tpu.memory_space<vmem_shared>>) offsets(%dma_start3A_94 : memref<80xi32, #tpu.memory_space<vmem>>) semaphore(%arg9 : memref<!tpu.dma_semaphore, #tpu.memory_space<semaphore_mem>>) {add = true}
    }
    %scan3A_70 = arith.constant 242 : i32
    %scan3A_71 = arith.constant 0 : i32
    %scan3A_72 = arith.constant 242 : i32
    %scan3A_73 = arith.constant 8 : i32
    %scan3A_74 = arith.addi %scan3A_72, %scan3A_73 : i32
    %scan3A_75 = arith.constant 1 : i32
    scf.for %scan3A_85 = %scan3A_72 to %scan3A_74 step %scan3A_75  : i32 {
      %dma_wait3A = arith.constant 0 : i32
      %dma_wait3A_86 = tpu.memref_slice %arg6[%scan3A_85, %dma_wait3A] : memref<250x80xi32, #tpu.memory_space<vmem>> -> memref<1x80xi32, #tpu.memory_space<vmem>>
      %dma_wait3A_87 = tpu.memref_squeeze %dma_wait3A_86 : memref<1x80xi32, #tpu.memory_space<vmem>> -> memref<80xi32, #tpu.memory_space<vmem>>
      %dma_wait3A_88 = arith.constant 0 : i32
      %dma_wait3A_89 = arith.constant 0 : i32
      %dma_wait3A_90 = tpu.memref_slice %arg8[%dma_wait3A_88, %dma_wait3A_89] : memref<5008x16xf32, #tpu.memory_space<vmem_shared>> -> memref<5008x16xf32, #tpu.memory_space<vmem_shared>>
      tpu.wait_indirect_dma semaphore(%arg9 : memref<!tpu.dma_semaphore, #tpu.memory_space<semaphore_mem>>) src(%arg7 : memref<80x16xf32, #tpu.memory_space<vmem>>) dst(%dma_wait3A_90 : memref<5008x16xf32, #tpu.memory_space<vmem_shared>>)
    }
    %scan3A_76 = arith.constant 8 : i32
    %barrier3A_77 = arith.constant 0 : index
    tpu.barrier barrier_id(%barrier3A_77)
    %mul3A_78 = arith.constant 5000 : i32
    %mul3A_79 = arith.muli %arg0, %mul3A_78 : i32
    %add3A = arith.addi %mul3A_79, %mul3A_2 : i32
    "tpu.region"() ({
      %run_scoped3A = tpu.sem_alloc : memref<!tpu.dma_semaphore, #tpu.memory_space<semaphore_mem>>
      %dma_start3A_85 = arith.constant 0 : i32
      %dma_start3A_86 = tpu.memref_slice %arg5[%add3A, %dma_start3A_85] : memref<10000x16xf32, #tpu.memory_space<hbm>> -> memref<312x16xf32, #tpu.memory_space<hbm>>
      %dma_start3A_87 = arith.constant 0 : i32
      %dma_start3A_88 = tpu.memref_slice %arg8[%mul3A_2, %dma_start3A_87] : memref<5008x16xf32, #tpu.memory_space<vmem_shared>> -> memref<312x16xf32, #tpu.memory_space<vmem_shared>>
      tpu.enqueue_dma source(%dma_start3A_88 : memref<312x16xf32, #tpu.memory_space<vmem_shared>>) target(%dma_start3A_86 : memref<312x16xf32, #tpu.memory_space<hbm>>) target_semaphore(%run_scoped3A : memref<!tpu.dma_semaphore, #tpu.memory_space<semaphore_mem>>)
      %dma_wait3A = arith.constant 0 : i32
      %dma_wait3A_89 = tpu.memref_slice %arg5[%add3A, %dma_wait3A] : memref<10000x16xf32, #tpu.memory_space<hbm>> -> memref<312x16xf32, #tpu.memory_space<hbm>>
      %dma_wait3A_90 = arith.constant 0 : i32
      %dma_wait3A_91 = tpu.memref_slice %arg8[%mul3A_2, %dma_wait3A_90] : memref<5008x16xf32, #tpu.memory_space<vmem_shared>> -> memref<312x16xf32, #tpu.memory_space<vmem_shared>>
      tpu.wait_dma2 semaphore(%run_scoped3A : memref<!tpu.dma_semaphore, #tpu.memory_space<semaphore_mem>>) src(%dma_wait3A_91 : memref<312x16xf32, #tpu.memory_space<vmem_shared>>) dst(%dma_wait3A_89 : memref<312x16xf32, #tpu.memory_space<hbm>>)
      tpu.yield
    }) : () -> ()
    %eq3A_80 = arith.constant 15 : i32
    %eq3A_81 = arith.cmpi eq, %arg1, %eq3A_80 : i32
    %convert_element_type3A_82 = arith.extui %eq3A_81 : i1 to i32
    %cond3A_83 = arith.constant 0 : i32
    %cond3A_84 = arith.cmpi ne, %convert_element_type3A_82, %cond3A_83 : i32
    scf.if %cond3A_84 {
      %mul3A_85 = arith.constant 5000 : i32
      %mul3A_86 = arith.muli %arg0, %mul3A_85 : i32
      %add3A_87 = arith.constant 4992 : i32
      %add3A_88 = arith.addi %mul3A_86, %add3A_87 : i32
      "tpu.region"() ({
        %run_scoped3A = tpu.sem_alloc : memref<!tpu.dma_semaphore, #tpu.memory_space<semaphore_mem>>
        %dma_start3A_89 = arith.constant 0 : i32
        %dma_start3A_90 = tpu.memref_slice %arg5[%add3A_88, %dma_start3A_89] : memref<10000x16xf32, #tpu.memory_space<hbm>> -> memref<8x16xf32, #tpu.memory_space<hbm>>
        %dma_start3A_91 = arith.constant 4992 : i32
        %dma_start3A_92 = arith.constant 0 : i32
        %dma_start3A_93 = tpu.memref_slice %arg8[%dma_start3A_91, %dma_start3A_92] : memref<5008x16xf32, #tpu.memory_space<vmem_shared>> -> memref<8x16xf32, #tpu.memory_space<vmem_shared>>
        tpu.enqueue_dma source(%dma_start3A_93 : memref<8x16xf32, #tpu.memory_space<vmem_shared>>) target(%dma_start3A_90 : memref<8x16xf32, #tpu.memory_space<hbm>>) target_semaphore(%run_scoped3A : memref<!tpu.dma_semaphore, #tpu.memory_space<semaphore_mem>>)
        %dma_wait3A = arith.constant 0 : i32
        %dma_wait3A_94 = tpu.memref_slice %arg5[%add3A_88, %dma_wait3A] : memref<10000x16xf32, #tpu.memory_space<hbm>> -> memref<8x16xf32, #tpu.memory_space<hbm>>
        %dma_wait3A_95 = arith.constant 4992 : i32
        %dma_wait3A_96 = arith.constant 0 : i32
        %dma_wait3A_97 = tpu.memref_slice %arg8[%dma_wait3A_95, %dma_wait3A_96] : memref<5008x16xf32, #tpu.memory_space<vmem_shared>> -> memref<8x16xf32, #tpu.memory_space<vmem_shared>>
        tpu.wait_dma2 semaphore(%run_scoped3A : memref<!tpu.dma_semaphore, #tpu.memory_space<semaphore_mem>>) src(%dma_wait3A_97 : memref<8x16xf32, #tpu.memory_space<vmem_shared>>) dst(%dma_wait3A_94 : memref<8x16xf32, #tpu.memory_space<hbm>>)
        tpu.yield
      }) : () -> ()
    } else {
    }
    return
  }
}

#map = affine_map<(d0, d1) -> (0, 0)>
#map1 = affine_map<(d0, d1) -> (0, 0, 0)>
module attributes {stable_mosaic.version = 14 : i64} {
  func.func @seg_sum(%arg0: i32, %arg1: i32, %arg2: memref<10000x128xf32, #tpu.memory_space<hbm>>, %arg3: memref<16x250x80xi32, #tpu.memory_space<hbm>>, %arg4: memref<16x250x80xi32, #tpu.memory_space<hbm>>, %arg5: memref<328x128xf32, #tpu.memory_space<hbm>>, %arg6: memref<10000x128xf32, #tpu.memory_space<hbm>>, %arg7: memref<250x80xi32, #tpu.memory_space<vmem>>, %arg8: memref<250x80xi32, #tpu.memory_space<vmem>>, %arg9: memref<80x128xf32, #tpu.memory_space<vmem>>, %arg10: memref<80x128xf32, #tpu.memory_space<vmem>>, %arg11: memref<5008x128xf32, #tpu.memory_space<vmem_shared>>, %arg12: memref<!tpu.dma_semaphore, #tpu.memory_space<semaphore_mem>>, %arg13: memref<!tpu.dma_semaphore, #tpu.memory_space<semaphore_mem>>) attributes {dimension_semantics = [#tpu.dimension_semantics<core_parallel>, #tpu.dimension_semantics<subcore_parallel>], iteration_bounds = array<i64: 2, 16>, scalar_prefetch = 0 : i64, scratch_operands = 7 : i64, tpu.core_type = #tpu.core_type<sc_vector_subcore>, window_params = [{transform_indices = #map}, {transform_indices = #map1}, {transform_indices = #map1}, {transform_indices = #map}, {transform_indices = #map}]} {
    %mul3A = arith.constant 5000 : i32
    %mul3A_0 = arith.muli %arg0, %mul3A : i32
    %mul3A_1 = arith.constant 312 : i32
    %mul3A_2 = arith.muli %arg1, %mul3A_1 : i32
    "tpu.region"() ({
      %run_scoped3A_51 = tpu.sem_alloc : memref<!tpu.dma_semaphore, #tpu.memory_space<semaphore_mem>>
      %dma_start3A_52 = arith.constant 0 : i32
      %dma_start3A_53 = tpu.memref_slice %arg11[%mul3A_2, %dma_start3A_52] : memref<5008x128xf32, #tpu.memory_space<vmem_shared>> -> memref<312x128xf32, #tpu.memory_space<vmem_shared>>
      %dma_start3A_54 = arith.constant 0 : i32
      %dma_start3A_55 = arith.constant 0 : i32
      %dma_start3A_56 = tpu.memref_slice %arg5[%dma_start3A_54, %dma_start3A_55] : memref<328x128xf32, #tpu.memory_space<hbm>> -> memref<312x128xf32, #tpu.memory_space<hbm>>
      tpu.enqueue_dma source(%dma_start3A_56 : memref<312x128xf32, #tpu.memory_space<hbm>>) target(%dma_start3A_53 : memref<312x128xf32, #tpu.memory_space<vmem_shared>>) target_semaphore(%run_scoped3A_51 : memref<!tpu.dma_semaphore, #tpu.memory_space<semaphore_mem>>)
      %dma_wait3A_57 = arith.constant 0 : i32
      %dma_wait3A_58 = tpu.memref_slice %arg11[%mul3A_2, %dma_wait3A_57] : memref<5008x128xf32, #tpu.memory_space<vmem_shared>> -> memref<312x128xf32, #tpu.memory_space<vmem_shared>>
      %dma_wait3A_59 = arith.constant 0 : i32
      %dma_wait3A_60 = arith.constant 0 : i32
      %dma_wait3A_61 = tpu.memref_slice %arg5[%dma_wait3A_59, %dma_wait3A_60] : memref<328x128xf32, #tpu.memory_space<hbm>> -> memref<312x128xf32, #tpu.memory_space<hbm>>
      tpu.wait_dma2 semaphore(%run_scoped3A_51 : memref<!tpu.dma_semaphore, #tpu.memory_space<semaphore_mem>>) src(%dma_wait3A_61 : memref<312x128xf32, #tpu.memory_space<hbm>>) dst(%dma_wait3A_58 : memref<312x128xf32, #tpu.memory_space<vmem_shared>>)
      tpu.yield
    }) : () -> ()
    %eq3A = arith.constant 15 : i32
    %eq3A_3 = arith.cmpi eq, %arg1, %eq3A : i32
    %convert_element_type3A = arith.extui %eq3A_3 : i1 to i32
    %cond3A = arith.constant 0 : i32
    %cond3A_4 = arith.cmpi ne, %convert_element_type3A, %cond3A : i32
    scf.if %cond3A_4 {
      "tpu.region"() ({
        %run_scoped3A_51 = tpu.sem_alloc : memref<!tpu.dma_semaphore, #tpu.memory_space<semaphore_mem>>
        %dma_start3A_52 = arith.constant 4992 : i32
        %dma_start3A_53 = arith.constant 0 : i32
        %dma_start3A_54 = tpu.memref_slice %arg11[%dma_start3A_52, %dma_start3A_53] : memref<5008x128xf32, #tpu.memory_space<vmem_shared>> -> memref<16x128xf32, #tpu.memory_space<vmem_shared>>
        %dma_start3A_55 = arith.constant 0 : i32
        %dma_start3A_56 = arith.constant 0 : i32
        %dma_start3A_57 = tpu.memref_slice %arg5[%dma_start3A_55, %dma_start3A_56] : memref<328x128xf32, #tpu.memory_space<hbm>> -> memref<16x128xf32, #tpu.memory_space<hbm>>
        tpu.enqueue_dma source(%dma_start3A_57 : memref<16x128xf32, #tpu.memory_space<hbm>>) target(%dma_start3A_54 : memref<16x128xf32, #tpu.memory_space<vmem_shared>>) target_semaphore(%run_scoped3A_51 : memref<!tpu.dma_semaphore, #tpu.memory_space<semaphore_mem>>)
        %dma_wait3A_58 = arith.constant 4992 : i32
        %dma_wait3A_59 = arith.constant 0 : i32
        %dma_wait3A_60 = tpu.memref_slice %arg11[%dma_wait3A_58, %dma_wait3A_59] : memref<5008x128xf32, #tpu.memory_space<vmem_shared>> -> memref<16x128xf32, #tpu.memory_space<vmem_shared>>
        %dma_wait3A_61 = arith.constant 0 : i32
        %dma_wait3A_62 = arith.constant 0 : i32
        %dma_wait3A_63 = tpu.memref_slice %arg5[%dma_wait3A_61, %dma_wait3A_62] : memref<328x128xf32, #tpu.memory_space<hbm>> -> memref<16x128xf32, #tpu.memory_space<hbm>>
        tpu.wait_dma2 semaphore(%run_scoped3A_51 : memref<!tpu.dma_semaphore, #tpu.memory_space<semaphore_mem>>) src(%dma_wait3A_63 : memref<16x128xf32, #tpu.memory_space<hbm>>) dst(%dma_wait3A_60 : memref<16x128xf32, #tpu.memory_space<vmem_shared>>)
        tpu.yield
      }) : () -> ()
    } else {
    }
    "tpu.region"() ({
      %run_scoped3A_51 = tpu.sem_alloc : memref<!tpu.dma_semaphore, #tpu.memory_space<semaphore_mem>>
      %dma_start3A_52 = arith.constant 0 : i32
      %dma_start3A_53 = arith.constant 0 : i32
      %dma_start3A_54 = tpu.memref_slice %arg3[%arg1, %dma_start3A_52, %dma_start3A_53] : memref<16x250x80xi32, #tpu.memory_space<hbm>> -> memref<1x250x80xi32, #tpu.memory_space<hbm>>
      %dma_start3A_55 = tpu.memref_squeeze %dma_start3A_54 : memref<1x250x80xi32, #tpu.memory_space<hbm>> -> memref<250x80xi32, #tpu.memory_space<hbm>>
      %dma_start3A_56 = arith.constant 0 : i32
      %dma_start3A_57 = arith.constant 0 : i32
      %dma_start3A_58 = tpu.memref_slice %arg3[%arg1, %dma_start3A_56, %dma_start3A_57] : memref<16x250x80xi32, #tpu.memory_space<hbm>> -> memref<1x250x80xi32, #tpu.memory_space<hbm>>
      %dma_start3A_59 = tpu.memref_squeeze %dma_start3A_58 : memref<1x250x80xi32, #tpu.memory_space<hbm>> -> memref<250x80xi32, #tpu.memory_space<hbm>>
      tpu.enqueue_dma source(%dma_start3A_59 : memref<250x80xi32, #tpu.memory_space<hbm>>) target(%arg7 : memref<250x80xi32, #tpu.memory_space<vmem>>) target_semaphore(%run_scoped3A_51 : memref<!tpu.dma_semaphore, #tpu.memory_space<semaphore_mem>>)
      %dma_wait3A_60 = arith.constant 0 : i32
      %dma_wait3A_61 = arith.constant 0 : i32
      %dma_wait3A_62 = tpu.memref_slice %arg3[%arg1, %dma_wait3A_60, %dma_wait3A_61] : memref<16x250x80xi32, #tpu.memory_space<hbm>> -> memref<1x250x80xi32, #tpu.memory_space<hbm>>
      %dma_wait3A_63 = tpu.memref_squeeze %dma_wait3A_62 : memref<1x250x80xi32, #tpu.memory_space<hbm>> -> memref<250x80xi32, #tpu.memory_space<hbm>>
      %dma_wait3A_64 = arith.constant 0 : i32
      %dma_wait3A_65 = arith.constant 0 : i32
      %dma_wait3A_66 = tpu.memref_slice %arg3[%arg1, %dma_wait3A_64, %dma_wait3A_65] : memref<16x250x80xi32, #tpu.memory_space<hbm>> -> memref<1x250x80xi32, #tpu.memory_space<hbm>>
      %dma_wait3A_67 = tpu.memref_squeeze %dma_wait3A_66 : memref<1x250x80xi32, #tpu.memory_space<hbm>> -> memref<250x80xi32, #tpu.memory_space<hbm>>
      tpu.wait_dma2 semaphore(%run_scoped3A_51 : memref<!tpu.dma_semaphore, #tpu.memory_space<semaphore_mem>>) src(%dma_wait3A_67 : memref<250x80xi32, #tpu.memory_space<hbm>>) dst(%arg7 : memref<250x80xi32, #tpu.memory_space<vmem>>)
      tpu.yield
    }) : () -> ()
    "tpu.region"() ({
      %run_scoped3A_51 = tpu.sem_alloc : memref<!tpu.dma_semaphore, #tpu.memory_space<semaphore_mem>>
      %dma_start3A_52 = arith.constant 0 : i32
      %dma_start3A_53 = arith.constant 0 : i32
      %dma_start3A_54 = tpu.memref_slice %arg4[%arg1, %dma_start3A_52, %dma_start3A_53] : memref<16x250x80xi32, #tpu.memory_space<hbm>> -> memref<1x250x80xi32, #tpu.memory_space<hbm>>
      %dma_start3A_55 = tpu.memref_squeeze %dma_start3A_54 : memref<1x250x80xi32, #tpu.memory_space<hbm>> -> memref<250x80xi32, #tpu.memory_space<hbm>>
      %dma_start3A_56 = arith.constant 0 : i32
      %dma_start3A_57 = arith.constant 0 : i32
      %dma_start3A_58 = tpu.memref_slice %arg4[%arg1, %dma_start3A_56, %dma_start3A_57] : memref<16x250x80xi32, #tpu.memory_space<hbm>> -> memref<1x250x80xi32, #tpu.memory_space<hbm>>
      %dma_start3A_59 = tpu.memref_squeeze %dma_start3A_58 : memref<1x250x80xi32, #tpu.memory_space<hbm>> -> memref<250x80xi32, #tpu.memory_space<hbm>>
      tpu.enqueue_dma source(%dma_start3A_59 : memref<250x80xi32, #tpu.memory_space<hbm>>) target(%arg8 : memref<250x80xi32, #tpu.memory_space<vmem>>) target_semaphore(%run_scoped3A_51 : memref<!tpu.dma_semaphore, #tpu.memory_space<semaphore_mem>>)
      %dma_wait3A_60 = arith.constant 0 : i32
      %dma_wait3A_61 = arith.constant 0 : i32
      %dma_wait3A_62 = tpu.memref_slice %arg4[%arg1, %dma_wait3A_60, %dma_wait3A_61] : memref<16x250x80xi32, #tpu.memory_space<hbm>> -> memref<1x250x80xi32, #tpu.memory_space<hbm>>
      %dma_wait3A_63 = tpu.memref_squeeze %dma_wait3A_62 : memref<1x250x80xi32, #tpu.memory_space<hbm>> -> memref<250x80xi32, #tpu.memory_space<hbm>>
      %dma_wait3A_64 = arith.constant 0 : i32
      %dma_wait3A_65 = arith.constant 0 : i32
      %dma_wait3A_66 = tpu.memref_slice %arg4[%arg1, %dma_wait3A_64, %dma_wait3A_65] : memref<16x250x80xi32, #tpu.memory_space<hbm>> -> memref<1x250x80xi32, #tpu.memory_space<hbm>>
      %dma_wait3A_67 = tpu.memref_squeeze %dma_wait3A_66 : memref<1x250x80xi32, #tpu.memory_space<hbm>> -> memref<250x80xi32, #tpu.memory_space<hbm>>
      tpu.wait_dma2 semaphore(%run_scoped3A_51 : memref<!tpu.dma_semaphore, #tpu.memory_space<semaphore_mem>>) src(%dma_wait3A_67 : memref<250x80xi32, #tpu.memory_space<hbm>>) dst(%arg8 : memref<250x80xi32, #tpu.memory_space<vmem>>)
      tpu.yield
    }) : () -> ()
    %scan3A = arith.constant 0 : i32
    %scan3A_5 = arith.constant 0 : i32
    %scan3A_6 = arith.constant 250 : i32
    %scan3A_7 = arith.addi %scan3A_5, %scan3A_6 : i32
    %scan3A_8 = arith.constant 1 : i32
    scf.for %scan3A_51 = %scan3A_5 to %scan3A_7 step %scan3A_8  : i32 {
      %get3A = arith.index_cast %scan3A_51 : i32 to index
      %get3A_52 = arith.constant 0 : index
      %get3A_53 = tpu.vector_load %arg8[%get3A, %get3A_52] {strides = array<i32>} : memref<250x80xi32, #tpu.memory_space<vmem>>, vector<1x16xi32>,
      %get3A_54 = vector.shape_cast %get3A_53 : vector<1x16xi32> to vector<16xi32>
      %sub3A = vector.broadcast %mul3A_0 : i32 to vector<16xi32>
      %sub3A_55 = arith.subi %get3A_54, %sub3A : vector<16xi32>
      %ge3A = vector.broadcast %mul3A_0 : i32 to vector<16xi32>
      %ge3A_56 = arith.cmpi sge, %get3A_54, %ge3A : vector<16xi32>
      %add3A_57 = arith.constant 5000 : i32
      %add3A_58 = arith.addi %mul3A_0, %add3A_57 : i32
      %lt3A = vector.broadcast %add3A_58 : i32 to vector<16xi32>
      %lt3A_59 = arith.cmpi slt, %get3A_54, %lt3A : vector<16xi32>
      %and3A = arith.andi %ge3A_56, %lt3A_59 : vector<16xi1>
      %jit3A = arith.constant 5000 : i32
      %broadcast_in_dim3A = vector.broadcast %jit3A : i32 to vector<16xi32>
      %select_n3A = arith.select %and3A, %sub3A_55, %broadcast_in_dim3A : vector<16xi1>, vector<16xi32>
      %swap3A = arith.index_cast %scan3A_51 : i32 to index
      %swap3A_60 = arith.constant 0 : index
      %swap3A_61 = tpu.vector_load %arg8[%swap3A, %swap3A_60] {strides = array<i32>} : memref<250x80xi32, #tpu.memory_space<vmem>>, vector<1x16xi32>,
      %swap3A_62 = vector.shape_cast %swap3A_61 : vector<1x16xi32> to vector<16xi32>
      %swap3A_63 = vector.shape_cast %select_n3A : vector<16xi32> to vector<1x16xi32>
      tpu.vector_store %arg8[%swap3A, %swap3A_60], %swap3A_63 {strides = array<i32>} : memref<250x80xi32, #tpu.memory_space<vmem>>, vector<1x16xi32>,
      %get3A_64 = arith.index_cast %scan3A_51 : i32 to index
      %get3A_65 = arith.constant 16 : index
      %get3A_66 = tpu.vector_load %arg8[%get3A_64, %get3A_65] {strides = array<i32>} : memref<250x80xi32, #tpu.memory_space<vmem>>, vector<1x16xi32>,
      %get3A_67 = vector.shape_cast %get3A_66 : vector<1x16xi32> to vector<16xi32>
      %sub3A_68 = vector.broadcast %mul3A_0 : i32 to vector<16xi32>
      %sub3A_69 = arith.subi %get3A_67, %sub3A_68 : vector<16xi32>
      %ge3A_70 = vector.broadcast %mul3A_0 : i32 to vector<16xi32>
      %ge3A_71 = arith.cmpi sge, %get3A_67, %ge3A_70 : vector<16xi32>
      %add3A_72 = arith.constant 5000 : i32
      %add3A_73 = arith.addi %mul3A_0, %add3A_72 : i32
      %lt3A_74 = vector.broadcast %add3A_73 : i32 to vector<16xi32>
      %lt3A_75 = arith.cmpi slt, %get3A_67, %lt3A_74 : vector<16xi32>
      %and3A_76 = arith.andi %ge3A_71, %lt3A_75 : vector<16xi1>
      %jit3A_77 = arith.constant 5000 : i32
      %broadcast_in_dim3A_78 = vector.broadcast %jit3A_77 : i32 to vector<16xi32>
      %select_n3A_79 = arith.select %and3A_76, %sub3A_69, %broadcast_in_dim3A_78 : vector<16xi1>, vector<16xi32>
      %swap3A_80 = arith.index_cast %scan3A_51 : i32 to index
      %swap3A_81 = arith.constant 16 : index
      %swap3A_82 = tpu.vector_load %arg8[%swap3A_80, %swap3A_81] {strides = array<i32>} : memref<250x80xi32, #tpu.memory_space<vmem>>, vector<1x16xi32>,
      %swap3A_83 = vector.shape_cast %swap3A_82 : vector<1x16xi32> to vector<16xi32>
      %swap3A_84 = vector.shape_cast %select_n3A_79 : vector<16xi32> to vector<1x16xi32>
      tpu.vector_store %arg8[%swap3A_80, %swap3A_81], %swap3A_84 {strides = array<i32>} : memref<250x80xi32, #tpu.memory_space<vmem>>, vector<1x16xi32>,
      %get3A_85 = arith.index_cast %scan3A_51 : i32 to index
      %get3A_86 = arith.constant 32 : index
      %get3A_87 = tpu.vector_load %arg8[%get3A_85, %get3A_86] {strides = array<i32>} : memref<250x80xi32, #tpu.memory_space<vmem>>, vector<1x16xi32>,
      %get3A_88 = vector.shape_cast %get3A_87 : vector<1x16xi32> to vector<16xi32>
      %sub3A_89 = vector.broadcast %mul3A_0 : i32 to vector<16xi32>
      %sub3A_90 = arith.subi %get3A_88, %sub3A_89 : vector<16xi32>
      %ge3A_91 = vector.broadcast %mul3A_0 : i32 to vector<16xi32>
      %ge3A_92 = arith.cmpi sge, %get3A_88, %ge3A_91 : vector<16xi32>
      %add3A_93 = arith.constant 5000 : i32
      %add3A_94 = arith.addi %mul3A_0, %add3A_93 : i32
      %lt3A_95 = vector.broadcast %add3A_94 : i32 to vector<16xi32>
      %lt3A_96 = arith.cmpi slt, %get3A_88, %lt3A_95 : vector<16xi32>
      %and3A_97 = arith.andi %ge3A_92, %lt3A_96 : vector<16xi1>
      %jit3A_98 = arith.constant 5000 : i32
      %broadcast_in_dim3A_99 = vector.broadcast %jit3A_98 : i32 to vector<16xi32>
      %select_n3A_100 = arith.select %and3A_97, %sub3A_90, %broadcast_in_dim3A_99 : vector<16xi1>, vector<16xi32>
      %swap3A_101 = arith.index_cast %scan3A_51 : i32 to index
      %swap3A_102 = arith.constant 32 : index
      %swap3A_103 = tpu.vector_load %arg8[%swap3A_101, %swap3A_102] {strides = array<i32>} : memref<250x80xi32, #tpu.memory_space<vmem>>, vector<1x16xi32>,
      %swap3A_104 = vector.shape_cast %swap3A_103 : vector<1x16xi32> to vector<16xi32>
      %swap3A_105 = vector.shape_cast %select_n3A_100 : vector<16xi32> to vector<1x16xi32>
      tpu.vector_store %arg8[%swap3A_101, %swap3A_102], %swap3A_105 {strides = array<i32>} : memref<250x80xi32, #tpu.memory_space<vmem>>, vector<1x16xi32>,
      %get3A_106 = arith.index_cast %scan3A_51 : i32 to index
      %get3A_107 = arith.constant 48 : index
      %get3A_108 = tpu.vector_load %arg8[%get3A_106, %get3A_107] {strides = array<i32>} : memref<250x80xi32, #tpu.memory_space<vmem>>, vector<1x16xi32>,
      %get3A_109 = vector.shape_cast %get3A_108 : vector<1x16xi32> to vector<16xi32>
      %sub3A_110 = vector.broadcast %mul3A_0 : i32 to vector<16xi32>
      %sub3A_111 = arith.subi %get3A_109, %sub3A_110 : vector<16xi32>
      %ge3A_112 = vector.broadcast %mul3A_0 : i32 to vector<16xi32>
      %ge3A_113 = arith.cmpi sge, %get3A_109, %ge3A_112 : vector<16xi32>
      %add3A_114 = arith.constant 5000 : i32
      %add3A_115 = arith.addi %mul3A_0, %add3A_114 : i32
      %lt3A_116 = vector.broadcast %add3A_115 : i32 to vector<16xi32>
      %lt3A_117 = arith.cmpi slt, %get3A_109, %lt3A_116 : vector<16xi32>
      %and3A_118 = arith.andi %ge3A_113, %lt3A_117 : vector<16xi1>
      %jit3A_119 = arith.constant 5000 : i32
      %broadcast_in_dim3A_120 = vector.broadcast %jit3A_119 : i32 to vector<16xi32>
      %select_n3A_121 = arith.select %and3A_118, %sub3A_111, %broadcast_in_dim3A_120 : vector<16xi1>, vector<16xi32>
      %swap3A_122 = arith.index_cast %scan3A_51 : i32 to index
      %swap3A_123 = arith.constant 48 : index
      %swap3A_124 = tpu.vector_load %arg8[%swap3A_122, %swap3A_123] {strides = array<i32>} : memref<250x80xi32, #tpu.memory_space<vmem>>, vector<1x16xi32>,
      %swap3A_125 = vector.shape_cast %swap3A_124 : vector<1x16xi32> to vector<16xi32>
      %swap3A_126 = vector.shape_cast %select_n3A_121 : vector<16xi32> to vector<1x16xi32>
      tpu.vector_store %arg8[%swap3A_122, %swap3A_123], %swap3A_126 {strides = array<i32>} : memref<250x80xi32, #tpu.memory_space<vmem>>, vector<1x16xi32>,
      %get3A_127 = arith.index_cast %scan3A_51 : i32 to index
      %get3A_128 = arith.constant 64 : index
      %get3A_129 = tpu.vector_load %arg8[%get3A_127, %get3A_128] {strides = array<i32>} : memref<250x80xi32, #tpu.memory_space<vmem>>, vector<1x16xi32>,
      %get3A_130 = vector.shape_cast %get3A_129 : vector<1x16xi32> to vector<16xi32>
      %sub3A_131 = vector.broadcast %mul3A_0 : i32 to vector<16xi32>
      %sub3A_132 = arith.subi %get3A_130, %sub3A_131 : vector<16xi32>
      %ge3A_133 = vector.broadcast %mul3A_0 : i32 to vector<16xi32>
      %ge3A_134 = arith.cmpi sge, %get3A_130, %ge3A_133 : vector<16xi32>
      %add3A_135 = arith.constant 5000 : i32
      %add3A_136 = arith.addi %mul3A_0, %add3A_135 : i32
      %lt3A_137 = vector.broadcast %add3A_136 : i32 to vector<16xi32>
      %lt3A_138 = arith.cmpi slt, %get3A_130, %lt3A_137 : vector<16xi32>
      %and3A_139 = arith.andi %ge3A_134, %lt3A_138 : vector<16xi1>
      %jit3A_140 = arith.constant 5000 : i32
      %broadcast_in_dim3A_141 = vector.broadcast %jit3A_140 : i32 to vector<16xi32>
      %select_n3A_142 = arith.select %and3A_139, %sub3A_132, %broadcast_in_dim3A_141 : vector<16xi1>, vector<16xi32>
      %swap3A_143 = arith.index_cast %scan3A_51 : i32 to index
      %swap3A_144 = arith.constant 64 : index
      %swap3A_145 = tpu.vector_load %arg8[%swap3A_143, %swap3A_144] {strides = array<i32>} : memref<250x80xi32, #tpu.memory_space<vmem>>, vector<1x16xi32>,
      %swap3A_146 = vector.shape_cast %swap3A_145 : vector<1x16xi32> to vector<16xi32>
      %swap3A_147 = vector.shape_cast %select_n3A_142 : vector<16xi32> to vector<1x16xi32>
      tpu.vector_store %arg8[%swap3A_143, %swap3A_144], %swap3A_147 {strides = array<i32>} : memref<250x80xi32, #tpu.memory_space<vmem>>, vector<1x16xi32>,
    }
    %scan3A_9 = arith.constant 250 : i32
    %barrier3A = arith.constant 0 : index
    tpu.barrier barrier_id(%barrier3A)
    %dma_start3A = arith.constant 0 : i32
    %dma_start3A_10 = arith.constant 0 : i32
    %dma_start3A_11 = tpu.memref_slice %arg7[%dma_start3A, %dma_start3A_10] : memref<250x80xi32, #tpu.memory_space<vmem>> -> memref<1x80xi32, #tpu.memory_space<vmem>>
    %dma_start3A_12 = tpu.memref_squeeze %dma_start3A_11 : memref<1x80xi32, #tpu.memory_space<vmem>> -> memref<80xi32, #tpu.memory_space<vmem>>
    %dma_start3A_13 = arith.constant 0 : i32
    %dma_start3A_14 = arith.constant 0 : i32
    %dma_start3A_15 = tpu.memref_slice %arg2[%dma_start3A_13, %dma_start3A_14] : memref<10000x128xf32, #tpu.memory_space<hbm>> -> memref<10000x128xf32, #tpu.memory_space<hbm>>
    tpu.enqueue_indirect_dma source(%dma_start3A_15 : memref<10000x128xf32, #tpu.memory_space<hbm>>) target(%arg9 : memref<80x128xf32, #tpu.memory_space<vmem>>) offsets(%dma_start3A_12 : memref<80xi32, #tpu.memory_space<vmem>>) semaphore(%arg12 : memref<!tpu.dma_semaphore, #tpu.memory_space<semaphore_mem>>)
    %scan3A_16 = arith.constant 0 : i32
    %scan3A_17 = arith.constant 0 : i32
    %scan3A_18 = arith.constant 124 : i32
    %scan3A_19 = arith.addi %scan3A_17, %scan3A_18 : i32
    %scan3A_20 = arith.constant 1 : i32
    scf.for %scan3A_51 = %scan3A_17 to %scan3A_19 step %scan3A_20  : i32 {
      %mul3A_52 = arith.constant 2 : i32
      %mul3A_53 = arith.muli %mul3A_52, %scan3A_51 : i32
      %add3A_54 = arith.constant 1 : i32
      %add3A_55 = arith.addi %mul3A_53, %add3A_54 : i32
      %dma_start3A_56 = arith.constant 0 : i32
      %dma_start3A_57 = tpu.memref_slice %arg7[%add3A_55, %dma_start3A_56] : memref<250x80xi32, #tpu.memory_space<vmem>> -> memref<1x80xi32, #tpu.memory_space<vmem>>
      %dma_start3A_58 = tpu.memref_squeeze %dma_start3A_57 : memref<1x80xi32, #tpu.memory_space<vmem>> -> memref<80xi32, #tpu.memory_space<vmem>>
      %dma_start3A_59 = arith.constant 0 : i32
      %dma_start3A_60 = arith.constant 0 : i32
      %dma_start3A_61 = tpu.memref_slice %arg2[%dma_start3A_59, %dma_start3A_60] : memref<10000x128xf32, #tpu.memory_space<hbm>> -> memref<10000x128xf32, #tpu.memory_space<hbm>>
      tpu.enqueue_indirect_dma source(%dma_start3A_61 : memref<10000x128xf32, #tpu.memory_space<hbm>>) target(%arg10 : memref<80x128xf32, #tpu.memory_space<vmem>>) offsets(%dma_start3A_58 : memref<80xi32, #tpu.memory_space<vmem>>) semaphore(%arg13 : memref<!tpu.dma_semaphore, #tpu.memory_space<semaphore_mem>>)
      %dma_wait3A_62 = arith.constant 0 : i32
      %dma_wait3A_63 = tpu.memref_slice %arg7[%mul3A_53, %dma_wait3A_62] : memref<250x80xi32, #tpu.memory_space<vmem>> -> memref<1x80xi32, #tpu.memory_space<vmem>>
      %dma_wait3A_64 = tpu.memref_squeeze %dma_wait3A_63 : memref<1x80xi32, #tpu.memory_space<vmem>> -> memref<80xi32, #tpu.memory_space<vmem>>
      %dma_wait3A_65 = arith.constant 0 : i32
      %dma_wait3A_66 = arith.constant 0 : i32
      %dma_wait3A_67 = tpu.memref_slice %arg2[%dma_wait3A_65, %dma_wait3A_66] : memref<10000x128xf32, #tpu.memory_space<hbm>> -> memref<10000x128xf32, #tpu.memory_space<hbm>>
      tpu.wait_indirect_dma semaphore(%arg12 : memref<!tpu.dma_semaphore, #tpu.memory_space<semaphore_mem>>) src(%dma_wait3A_67 : memref<10000x128xf32, #tpu.memory_space<hbm>>) dst(%arg9 : memref<80x128xf32, #tpu.memory_space<vmem>>)
      "tpu.region"() ({
        %run_scoped3A_86 = tpu.sem_alloc : memref<!tpu.dma_semaphore, #tpu.memory_space<semaphore_mem>>
        %dma_start3A_87 = arith.constant 0 : i32
        %dma_start3A_88 = tpu.memref_slice %arg8[%mul3A_53, %dma_start3A_87] : memref<250x80xi32, #tpu.memory_space<vmem>> -> memref<1x80xi32, #tpu.memory_space<vmem>>
        %dma_start3A_89 = tpu.memref_squeeze %dma_start3A_88 : memref<1x80xi32, #tpu.memory_space<vmem>> -> memref<80xi32, #tpu.memory_space<vmem>>
        %dma_start3A_90 = arith.constant 0 : i32
        %dma_start3A_91 = arith.constant 0 : i32
        %dma_start3A_92 = tpu.memref_slice %arg11[%dma_start3A_90, %dma_start3A_91] : memref<5008x128xf32, #tpu.memory_space<vmem_shared>> -> memref<5008x128xf32, #tpu.memory_space<vmem_shared>>
        tpu.enqueue_indirect_dma source(%arg9 : memref<80x128xf32, #tpu.memory_space<vmem>>) target(%dma_start3A_92 : memref<5008x128xf32, #tpu.memory_space<vmem_shared>>) offsets(%dma_start3A_89 : memref<80xi32, #tpu.memory_space<vmem>>) semaphore(%run_scoped3A_86 : memref<!tpu.dma_semaphore, #tpu.memory_space<semaphore_mem>>) {add = true}
        %dma_wait3A_93 = arith.constant 0 : i32
        %dma_wait3A_94 = tpu.memref_slice %arg8[%mul3A_53, %dma_wait3A_93] : memref<250x80xi32, #tpu.memory_space<vmem>> -> memref<1x80xi32, #tpu.memory_space<vmem>>
        %dma_wait3A_95 = tpu.memref_squeeze %dma_wait3A_94 : memref<1x80xi32, #tpu.memory_space<vmem>> -> memref<80xi32, #tpu.memory_space<vmem>>
        %dma_wait3A_96 = arith.constant 0 : i32
        %dma_wait3A_97 = arith.constant 0 : i32
        %dma_wait3A_98 = tpu.memref_slice %arg11[%dma_wait3A_96, %dma_wait3A_97] : memref<5008x128xf32, #tpu.memory_space<vmem_shared>> -> memref<5008x128xf32, #tpu.memory_space<vmem_shared>>
        tpu.wait_indirect_dma semaphore(%run_scoped3A_86 : memref<!tpu.dma_semaphore, #tpu.memory_space<semaphore_mem>>) src(%arg9 : memref<80x128xf32, #tpu.memory_space<vmem>>) dst(%dma_wait3A_98 : memref<5008x128xf32, #tpu.memory_space<vmem_shared>>)
        tpu.yield
      }) : () -> ()
      %add3A_68 = arith.constant 2 : i32
      %add3A_69 = arith.addi %mul3A_53, %add3A_68 : i32
      %dma_start3A_70 = arith.constant 0 : i32
      %dma_start3A_71 = tpu.memref_slice %arg7[%add3A_69, %dma_start3A_70] : memref<250x80xi32, #tpu.memory_space<vmem>> -> memref<1x80xi32, #tpu.memory_space<vmem>>
      %dma_start3A_72 = tpu.memref_squeeze %dma_start3A_71 : memref<1x80xi32, #tpu.memory_space<vmem>> -> memref<80xi32, #tpu.memory_space<vmem>>
      %dma_start3A_73 = arith.constant 0 : i32
      %dma_start3A_74 = arith.constant 0 : i32
      %dma_start3A_75 = tpu.memref_slice %arg2[%dma_start3A_73, %dma_start3A_74] : memref<10000x128xf32, #tpu.memory_space<hbm>> -> memref<10000x128xf32, #tpu.memory_space<hbm>>
      tpu.enqueue_indirect_dma source(%dma_start3A_75 : memref<10000x128xf32, #tpu.memory_space<hbm>>) target(%arg9 : memref<80x128xf32, #tpu.memory_space<vmem>>) offsets(%dma_start3A_72 : memref<80xi32, #tpu.memory_space<vmem>>) semaphore(%arg12 : memref<!tpu.dma_semaphore, #tpu.memory_space<semaphore_mem>>)
      %add3A_76 = arith.constant 1 : i32
      %add3A_77 = arith.addi %mul3A_53, %add3A_76 : i32
      %dma_wait3A_78 = arith.constant 0 : i32
      %dma_wait3A_79 = tpu.memref_slice %arg7[%add3A_77, %dma_wait3A_78] : memref<250x80xi32, #tpu.memory_space<vmem>> -> memref<1x80xi32, #tpu.memory_space<vmem>>
      %dma_wait3A_80 = tpu.memref_squeeze %dma_wait3A_79 : memref<1x80xi32, #tpu.memory_space<vmem>> -> memref<80xi32, #tpu.memory_space<vmem>>
      %dma_wait3A_81 = arith.constant 0 : i32
      %dma_wait3A_82 = arith.constant 0 : i32
      %dma_wait3A_83 = tpu.memref_slice %arg2[%dma_wait3A_81, %dma_wait3A_82] : memref<10000x128xf32, #tpu.memory_space<hbm>> -> memref<10000x128xf32, #tpu.memory_space<hbm>>
      tpu.wait_indirect_dma semaphore(%arg13 : memref<!tpu.dma_semaphore, #tpu.memory_space<semaphore_mem>>) src(%dma_wait3A_83 : memref<10000x128xf32, #tpu.memory_space<hbm>>) dst(%arg10 : memref<80x128xf32, #tpu.memory_space<vmem>>)
      %add3A_84 = arith.constant 1 : i32
      %add3A_85 = arith.addi %mul3A_53, %add3A_84 : i32
      "tpu.region"() ({
        %run_scoped3A_86 = tpu.sem_alloc : memref<!tpu.dma_semaphore, #tpu.memory_space<semaphore_mem>>
        %dma_start3A_87 = arith.constant 0 : i32
        %dma_start3A_88 = tpu.memref_slice %arg8[%add3A_85, %dma_start3A_87] : memref<250x80xi32, #tpu.memory_space<vmem>> -> memref<1x80xi32, #tpu.memory_space<vmem>>
        %dma_start3A_89 = tpu.memref_squeeze %dma_start3A_88 : memref<1x80xi32, #tpu.memory_space<vmem>> -> memref<80xi32, #tpu.memory_space<vmem>>
        %dma_start3A_90 = arith.constant 0 : i32
        %dma_start3A_91 = arith.constant 0 : i32
        %dma_start3A_92 = tpu.memref_slice %arg11[%dma_start3A_90, %dma_start3A_91] : memref<5008x128xf32, #tpu.memory_space<vmem_shared>> -> memref<5008x128xf32, #tpu.memory_space<vmem_shared>>
        tpu.enqueue_indirect_dma source(%arg10 : memref<80x128xf32, #tpu.memory_space<vmem>>) target(%dma_start3A_92 : memref<5008x128xf32, #tpu.memory_space<vmem_shared>>) offsets(%dma_start3A_89 : memref<80xi32, #tpu.memory_space<vmem>>) semaphore(%run_scoped3A_86 : memref<!tpu.dma_semaphore, #tpu.memory_space<semaphore_mem>>) {add = true}
        %dma_wait3A_93 = arith.constant 0 : i32
        %dma_wait3A_94 = tpu.memref_slice %arg8[%add3A_85, %dma_wait3A_93] : memref<250x80xi32, #tpu.memory_space<vmem>> -> memref<1x80xi32, #tpu.memory_space<vmem>>
        %dma_wait3A_95 = tpu.memref_squeeze %dma_wait3A_94 : memref<1x80xi32, #tpu.memory_space<vmem>> -> memref<80xi32, #tpu.memory_space<vmem>>
        %dma_wait3A_96 = arith.constant 0 : i32
        %dma_wait3A_97 = arith.constant 0 : i32
        %dma_wait3A_98 = tpu.memref_slice %arg11[%dma_wait3A_96, %dma_wait3A_97] : memref<5008x128xf32, #tpu.memory_space<vmem_shared>> -> memref<5008x128xf32, #tpu.memory_space<vmem_shared>>
        tpu.wait_indirect_dma semaphore(%run_scoped3A_86 : memref<!tpu.dma_semaphore, #tpu.memory_space<semaphore_mem>>) src(%arg10 : memref<80x128xf32, #tpu.memory_space<vmem>>) dst(%dma_wait3A_98 : memref<5008x128xf32, #tpu.memory_space<vmem_shared>>)
        tpu.yield
      }) : () -> ()
    }
    %scan3A_21 = arith.constant 124 : i32
    %dma_start3A_22 = arith.constant 249 : i32
    %dma_start3A_23 = arith.constant 0 : i32
    %dma_start3A_24 = tpu.memref_slice %arg7[%dma_start3A_22, %dma_start3A_23] : memref<250x80xi32, #tpu.memory_space<vmem>> -> memref<1x80xi32, #tpu.memory_space<vmem>>
    %dma_start3A_25 = tpu.memref_squeeze %dma_start3A_24 : memref<1x80xi32, #tpu.memory_space<vmem>> -> memref<80xi32, #tpu.memory_space<vmem>>
    %dma_start3A_26 = arith.constant 0 : i32
    %dma_start3A_27 = arith.constant 0 : i32
    %dma_start3A_28 = tpu.memref_slice %arg2[%dma_start3A_26, %dma_start3A_27] : memref<10000x128xf32, #tpu.memory_space<hbm>> -> memref<10000x128xf32, #tpu.memory_space<hbm>>
    tpu.enqueue_indirect_dma source(%dma_start3A_28 : memref<10000x128xf32, #tpu.memory_space<hbm>>) target(%arg10 : memref<80x128xf32, #tpu.memory_space<vmem>>) offsets(%dma_start3A_25 : memref<80xi32, #tpu.memory_space<vmem>>) semaphore(%arg13 : memref<!tpu.dma_semaphore, #tpu.memory_space<semaphore_mem>>)
    %dma_wait3A = arith.constant 248 : i32
    %dma_wait3A_29 = arith.constant 0 : i32
    %dma_wait3A_30 = tpu.memref_slice %arg7[%dma_wait3A, %dma_wait3A_29] : memref<250x80xi32, #tpu.memory_space<vmem>> -> memref<1x80xi32, #tpu.memory_space<vmem>>
    %dma_wait3A_31 = tpu.memref_squeeze %dma_wait3A_30 : memref<1x80xi32, #tpu.memory_space<vmem>> -> memref<80xi32, #tpu.memory_space<vmem>>
    %dma_wait3A_32 = arith.constant 0 : i32
    %dma_wait3A_33 = arith.constant 0 : i32
    %dma_wait3A_34 = tpu.memref_slice %arg2[%dma_wait3A_32, %dma_wait3A_33] : memref<10000x128xf32, #tpu.memory_space<hbm>> -> memref<10000x128xf32, #tpu.memory_space<hbm>>
    tpu.wait_indirect_dma semaphore(%arg12 : memref<!tpu.dma_semaphore, #tpu.memory_space<semaphore_mem>>) src(%dma_wait3A_34 : memref<10000x128xf32, #tpu.memory_space<hbm>>) dst(%arg9 : memref<80x128xf32, #tpu.memory_space<vmem>>)
    %run_scoped3A = arith.constant 248 : i32
    "tpu.region"() ({
      %run_scoped3A_51 = tpu.sem_alloc : memref<!tpu.dma_semaphore, #tpu.memory_space<semaphore_mem>>
      %dma_start3A_52 = arith.constant 0 : i32
      %dma_start3A_53 = tpu.memref_slice %arg8[%run_scoped3A, %dma_start3A_52] : memref<250x80xi32, #tpu.memory_space<vmem>> -> memref<1x80xi32, #tpu.memory_space<vmem>>
      %dma_start3A_54 = tpu.memref_squeeze %dma_start3A_53 : memref<1x80xi32, #tpu.memory_space<vmem>> -> memref<80xi32, #tpu.memory_space<vmem>>
      %dma_start3A_55 = arith.constant 0 : i32
      %dma_start3A_56 = arith.constant 0 : i32
      %dma_start3A_57 = tpu.memref_slice %arg11[%dma_start3A_55, %dma_start3A_56] : memref<5008x128xf32, #tpu.memory_space<vmem_shared>> -> memref<5008x128xf32, #tpu.memory_space<vmem_shared>>
      tpu.enqueue_indirect_dma source(%arg9 : memref<80x128xf32, #tpu.memory_space<vmem>>) target(%dma_start3A_57 : memref<5008x128xf32, #tpu.memory_space<vmem_shared>>) offsets(%dma_start3A_54 : memref<80xi32, #tpu.memory_space<vmem>>) semaphore(%run_scoped3A_51 : memref<!tpu.dma_semaphore, #tpu.memory_space<semaphore_mem>>) {add = true}
      %dma_wait3A_58 = arith.constant 0 : i32
      %dma_wait3A_59 = tpu.memref_slice %arg8[%run_scoped3A, %dma_wait3A_58] : memref<250x80xi32, #tpu.memory_space<vmem>> -> memref<1x80xi32, #tpu.memory_space<vmem>>
      %dma_wait3A_60 = tpu.memref_squeeze %dma_wait3A_59 : memref<1x80xi32, #tpu.memory_space<vmem>> -> memref<80xi32, #tpu.memory_space<vmem>>
      %dma_wait3A_61 = arith.constant 0 : i32
      %dma_wait3A_62 = arith.constant 0 : i32
      %dma_wait3A_63 = tpu.memref_slice %arg11[%dma_wait3A_61, %dma_wait3A_62] : memref<5008x128xf32, #tpu.memory_space<vmem_shared>> -> memref<5008x128xf32, #tpu.memory_space<vmem_shared>>
      tpu.wait_indirect_dma semaphore(%run_scoped3A_51 : memref<!tpu.dma_semaphore, #tpu.memory_space<semaphore_mem>>) src(%arg9 : memref<80x128xf32, #tpu.memory_space<vmem>>) dst(%dma_wait3A_63 : memref<5008x128xf32, #tpu.memory_space<vmem_shared>>)
      tpu.yield
    }) : () -> ()
    %dma_wait3A_35 = arith.constant 249 : i32
    %dma_wait3A_36 = arith.constant 0 : i32
    %dma_wait3A_37 = tpu.memref_slice %arg7[%dma_wait3A_35, %dma_wait3A_36] : memref<250x80xi32, #tpu.memory_space<vmem>> -> memref<1x80xi32, #tpu.memory_space<vmem>>
    %dma_wait3A_38 = tpu.memref_squeeze %dma_wait3A_37 : memref<1x80xi32, #tpu.memory_space<vmem>> -> memref<80xi32, #tpu.memory_space<vmem>>
    %dma_wait3A_39 = arith.constant 0 : i32
    %dma_wait3A_40 = arith.constant 0 : i32
    %dma_wait3A_41 = tpu.memref_slice %arg2[%dma_wait3A_39, %dma_wait3A_40] : memref<10000x128xf32, #tpu.memory_space<hbm>> -> memref<10000x128xf32, #tpu.memory_space<hbm>>
    tpu.wait_indirect_dma semaphore(%arg13 : memref<!tpu.dma_semaphore, #tpu.memory_space<semaphore_mem>>) src(%dma_wait3A_41 : memref<10000x128xf32, #tpu.memory_space<hbm>>) dst(%arg10 : memref<80x128xf32, #tpu.memory_space<vmem>>)
    %run_scoped3A_42 = arith.constant 249 : i32
    "tpu.region"() ({
      %run_scoped3A_51 = tpu.sem_alloc : memref<!tpu.dma_semaphore, #tpu.memory_space<semaphore_mem>>
      %dma_start3A_52 = arith.constant 0 : i32
      %dma_start3A_53 = tpu.memref_slice %arg8[%run_scoped3A_42, %dma_start3A_52] : memref<250x80xi32, #tpu.memory_space<vmem>> -> memref<1x80xi32, #tpu.memory_space<vmem>>
      %dma_start3A_54 = tpu.memref_squeeze %dma_start3A_53 : memref<1x80xi32, #tpu.memory_space<vmem>> -> memref<80xi32, #tpu.memory_space<vmem>>
      %dma_start3A_55 = arith.constant 0 : i32
      %dma_start3A_56 = arith.constant 0 : i32
      %dma_start3A_57 = tpu.memref_slice %arg11[%dma_start3A_55, %dma_start3A_56] : memref<5008x128xf32, #tpu.memory_space<vmem_shared>> -> memref<5008x128xf32, #tpu.memory_space<vmem_shared>>
      tpu.enqueue_indirect_dma source(%arg10 : memref<80x128xf32, #tpu.memory_space<vmem>>) target(%dma_start3A_57 : memref<5008x128xf32, #tpu.memory_space<vmem_shared>>) offsets(%dma_start3A_54 : memref<80xi32, #tpu.memory_space<vmem>>) semaphore(%run_scoped3A_51 : memref<!tpu.dma_semaphore, #tpu.memory_space<semaphore_mem>>) {add = true}
      %dma_wait3A_58 = arith.constant 0 : i32
      %dma_wait3A_59 = tpu.memref_slice %arg8[%run_scoped3A_42, %dma_wait3A_58] : memref<250x80xi32, #tpu.memory_space<vmem>> -> memref<1x80xi32, #tpu.memory_space<vmem>>
      %dma_wait3A_60 = tpu.memref_squeeze %dma_wait3A_59 : memref<1x80xi32, #tpu.memory_space<vmem>> -> memref<80xi32, #tpu.memory_space<vmem>>
      %dma_wait3A_61 = arith.constant 0 : i32
      %dma_wait3A_62 = arith.constant 0 : i32
      %dma_wait3A_63 = tpu.memref_slice %arg11[%dma_wait3A_61, %dma_wait3A_62] : memref<5008x128xf32, #tpu.memory_space<vmem_shared>> -> memref<5008x128xf32, #tpu.memory_space<vmem_shared>>
      tpu.wait_indirect_dma semaphore(%run_scoped3A_51 : memref<!tpu.dma_semaphore, #tpu.memory_space<semaphore_mem>>) src(%arg10 : memref<80x128xf32, #tpu.memory_space<vmem>>) dst(%dma_wait3A_63 : memref<5008x128xf32, #tpu.memory_space<vmem_shared>>)
      tpu.yield
    }) : () -> ()
    %barrier3A_43 = arith.constant 0 : index
    tpu.barrier barrier_id(%barrier3A_43)
    %mul3A_44 = arith.constant 5000 : i32
    %mul3A_45 = arith.muli %arg0, %mul3A_44 : i32
    %add3A = arith.addi %mul3A_45, %mul3A_2 : i32
    "tpu.region"() ({
      %run_scoped3A_51 = tpu.sem_alloc : memref<!tpu.dma_semaphore, #tpu.memory_space<semaphore_mem>>
      %dma_start3A_52 = arith.constant 0 : i32
      %dma_start3A_53 = tpu.memref_slice %arg6[%add3A, %dma_start3A_52] : memref<10000x128xf32, #tpu.memory_space<hbm>> -> memref<312x128xf32, #tpu.memory_space<hbm>>
      %dma_start3A_54 = arith.constant 0 : i32
      %dma_start3A_55 = tpu.memref_slice %arg11[%mul3A_2, %dma_start3A_54] : memref<5008x128xf32, #tpu.memory_space<vmem_shared>> -> memref<312x128xf32, #tpu.memory_space<vmem_shared>>
      tpu.enqueue_dma source(%dma_start3A_55 : memref<312x128xf32, #tpu.memory_space<vmem_shared>>) target(%dma_start3A_53 : memref<312x128xf32, #tpu.memory_space<hbm>>) target_semaphore(%run_scoped3A_51 : memref<!tpu.dma_semaphore, #tpu.memory_space<semaphore_mem>>)
      %dma_wait3A_56 = arith.constant 0 : i32
      %dma_wait3A_57 = tpu.memref_slice %arg6[%add3A, %dma_wait3A_56] : memref<10000x128xf32, #tpu.memory_space<hbm>> -> memref<312x128xf32, #tpu.memory_space<hbm>>
      %dma_wait3A_58 = arith.constant 0 : i32
      %dma_wait3A_59 = tpu.memref_slice %arg11[%mul3A_2, %dma_wait3A_58] : memref<5008x128xf32, #tpu.memory_space<vmem_shared>> -> memref<312x128xf32, #tpu.memory_space<vmem_shared>>
      tpu.wait_dma2 semaphore(%run_scoped3A_51 : memref<!tpu.dma_semaphore, #tpu.memory_space<semaphore_mem>>) src(%dma_wait3A_59 : memref<312x128xf32, #tpu.memory_space<vmem_shared>>) dst(%dma_wait3A_57 : memref<312x128xf32, #tpu.memory_space<hbm>>)
      tpu.yield
    }) : () -> ()
    %eq3A_46 = arith.constant 15 : i32
    %eq3A_47 = arith.cmpi eq, %arg1, %eq3A_46 : i32
    %convert_element_type3A_48 = arith.extui %eq3A_47 : i1 to i32
    %cond3A_49 = arith.constant 0 : i32
    %cond3A_50 = arith.cmpi ne, %convert_element_type3A_48, %cond3A_49 : i32
    scf.if %cond3A_50 {
      %mul3A_51 = arith.constant 5000 : i32
      %mul3A_52 = arith.muli %arg0, %mul3A_51 : i32
      %add3A_53 = arith.constant 4992 : i32
      %add3A_54 = arith.addi %mul3A_52, %add3A_53 : i32
      "tpu.region"() ({
        %run_scoped3A_55 = tpu.sem_alloc : memref<!tpu.dma_semaphore, #tpu.memory_space<semaphore_mem>>
        %dma_start3A_56 = arith.constant 0 : i32
        %dma_start3A_57 = tpu.memref_slice %arg6[%add3A_54, %dma_start3A_56] : memref<10000x128xf32, #tpu.memory_space<hbm>> -> memref<8x128xf32, #tpu.memory_space<hbm>>
        %dma_start3A_58 = arith.constant 4992 : i32
        %dma_start3A_59 = arith.constant 0 : i32
        %dma_start3A_60 = tpu.memref_slice %arg11[%dma_start3A_58, %dma_start3A_59] : memref<5008x128xf32, #tpu.memory_space<vmem_shared>> -> memref<8x128xf32, #tpu.memory_space<vmem_shared>>
        tpu.enqueue_dma source(%dma_start3A_60 : memref<8x128xf32, #tpu.memory_space<vmem_shared>>) target(%dma_start3A_57 : memref<8x128xf32, #tpu.memory_space<hbm>>) target_semaphore(%run_scoped3A_55 : memref<!tpu.dma_semaphore, #tpu.memory_space<semaphore_mem>>)
        %dma_wait3A_61 = arith.constant 0 : i32
        %dma_wait3A_62 = tpu.memref_slice %arg6[%add3A_54, %dma_wait3A_61] : memref<10000x128xf32, #tpu.memory_space<hbm>> -> memref<8x128xf32, #tpu.memory_space<hbm>>
        %dma_wait3A_63 = arith.constant 4992 : i32
        %dma_wait3A_64 = arith.constant 0 : i32
        %dma_wait3A_65 = tpu.memref_slice %arg11[%dma_wait3A_63, %dma_wait3A_64] : memref<5008x128xf32, #tpu.memory_space<vmem_shared>> -> memref<8x128xf32, #tpu.memory_space<vmem_shared>>
        tpu.wait_dma2 semaphore(%run_scoped3A_55 : memref<!tpu.dma_semaphore, #tpu.memory_space<semaphore_mem>>) src(%dma_wait3A_65 : memref<8x128xf32, #tpu.memory_space<vmem_shared>>) dst(%dma_wait3A_62 : memref<8x128xf32, #tpu.memory_space<hbm>>)
        tpu.yield
      }) : () -> ()
    } else {
    }
    return
  }
}

#map = affine_map<(d0, d1) -> (0, 0)>
#map1 = affine_map<(d0, d1) -> (0, 0, 0)>
module attributes {stable_mosaic.version = 14 : i64} {
  func.func @seg_sum(%arg0: i32, %arg1: i32, %arg2: memref<10000x128xf32, #tpu.memory_space<hbm>>, %arg3: memref<16x250x80xi32, #tpu.memory_space<hbm>>, %arg4: memref<16x250x80xi32, #tpu.memory_space<hbm>>, %arg5: memref<328x128xf32, #tpu.memory_space<hbm>>, %arg6: memref<10000x128xf32, #tpu.memory_space<hbm>>, %arg7: memref<250x80xi32, #tpu.memory_space<vmem>>, %arg8: memref<250x80xi32, #tpu.memory_space<vmem>>, %arg9: memref<80x128xf32, #tpu.memory_space<vmem>>, %arg10: memref<80x128xf32, #tpu.memory_space<vmem>>, %arg11: memref<5008x128xf32, #tpu.memory_space<vmem_shared>>, %arg12: memref<!tpu.dma_semaphore, #tpu.memory_space<semaphore_mem>>, %arg13: memref<!tpu.dma_semaphore, #tpu.memory_space<semaphore_mem>>) attributes {dimension_semantics = [#tpu.dimension_semantics<core_parallel>, #tpu.dimension_semantics<subcore_parallel>], iteration_bounds = array<i64: 2, 16>, scalar_prefetch = 0 : i64, scratch_operands = 7 : i64, tpu.core_type = #tpu.core_type<sc_vector_subcore>, window_params = [{transform_indices = #map}, {transform_indices = #map1}, {transform_indices = #map1}, {transform_indices = #map}, {transform_indices = #map}]} {
    %mul3A = arith.constant 5000 : i32
    %mul3A_0 = arith.muli %arg0, %mul3A : i32
    %mul3A_1 = arith.constant 312 : i32
    %mul3A_2 = arith.muli %arg1, %mul3A_1 : i32
    "tpu.region"() ({
      %run_scoped3A_51 = tpu.sem_alloc : memref<!tpu.dma_semaphore, #tpu.memory_space<semaphore_mem>>
      %dma_start3A_52 = arith.constant 0 : i32
      %dma_start3A_53 = tpu.memref_slice %arg11[%mul3A_2, %dma_start3A_52] : memref<5008x128xf32, #tpu.memory_space<vmem_shared>> -> memref<312x128xf32, #tpu.memory_space<vmem_shared>>
      %dma_start3A_54 = arith.constant 0 : i32
      %dma_start3A_55 = arith.constant 0 : i32
      %dma_start3A_56 = tpu.memref_slice %arg5[%dma_start3A_54, %dma_start3A_55] : memref<328x128xf32, #tpu.memory_space<hbm>> -> memref<312x128xf32, #tpu.memory_space<hbm>>
      tpu.enqueue_dma source(%dma_start3A_56 : memref<312x128xf32, #tpu.memory_space<hbm>>) target(%dma_start3A_53 : memref<312x128xf32, #tpu.memory_space<vmem_shared>>) target_semaphore(%run_scoped3A_51 : memref<!tpu.dma_semaphore, #tpu.memory_space<semaphore_mem>>)
      %dma_wait3A_57 = arith.constant 0 : i32
      %dma_wait3A_58 = tpu.memref_slice %arg11[%mul3A_2, %dma_wait3A_57] : memref<5008x128xf32, #tpu.memory_space<vmem_shared>> -> memref<312x128xf32, #tpu.memory_space<vmem_shared>>
      %dma_wait3A_59 = arith.constant 0 : i32
      %dma_wait3A_60 = arith.constant 0 : i32
      %dma_wait3A_61 = tpu.memref_slice %arg5[%dma_wait3A_59, %dma_wait3A_60] : memref<328x128xf32, #tpu.memory_space<hbm>> -> memref<312x128xf32, #tpu.memory_space<hbm>>
      tpu.wait_dma2 semaphore(%run_scoped3A_51 : memref<!tpu.dma_semaphore, #tpu.memory_space<semaphore_mem>>) src(%dma_wait3A_61 : memref<312x128xf32, #tpu.memory_space<hbm>>) dst(%dma_wait3A_58 : memref<312x128xf32, #tpu.memory_space<vmem_shared>>)
      tpu.yield
    }) : () -> ()
    %eq3A = arith.constant 15 : i32
    %eq3A_3 = arith.cmpi eq, %arg1, %eq3A : i32
    %convert_element_type3A = arith.extui %eq3A_3 : i1 to i32
    %cond3A = arith.constant 0 : i32
    %cond3A_4 = arith.cmpi ne, %convert_element_type3A, %cond3A : i32
    scf.if %cond3A_4 {
      "tpu.region"() ({
        %run_scoped3A_51 = tpu.sem_alloc : memref<!tpu.dma_semaphore, #tpu.memory_space<semaphore_mem>>
        %dma_start3A_52 = arith.constant 4992 : i32
        %dma_start3A_53 = arith.constant 0 : i32
        %dma_start3A_54 = tpu.memref_slice %arg11[%dma_start3A_52, %dma_start3A_53] : memref<5008x128xf32, #tpu.memory_space<vmem_shared>> -> memref<16x128xf32, #tpu.memory_space<vmem_shared>>
        %dma_start3A_55 = arith.constant 0 : i32
        %dma_start3A_56 = arith.constant 0 : i32
        %dma_start3A_57 = tpu.memref_slice %arg5[%dma_start3A_55, %dma_start3A_56] : memref<328x128xf32, #tpu.memory_space<hbm>> -> memref<16x128xf32, #tpu.memory_space<hbm>>
        tpu.enqueue_dma source(%dma_start3A_57 : memref<16x128xf32, #tpu.memory_space<hbm>>) target(%dma_start3A_54 : memref<16x128xf32, #tpu.memory_space<vmem_shared>>) target_semaphore(%run_scoped3A_51 : memref<!tpu.dma_semaphore, #tpu.memory_space<semaphore_mem>>)
        %dma_wait3A_58 = arith.constant 4992 : i32
        %dma_wait3A_59 = arith.constant 0 : i32
        %dma_wait3A_60 = tpu.memref_slice %arg11[%dma_wait3A_58, %dma_wait3A_59] : memref<5008x128xf32, #tpu.memory_space<vmem_shared>> -> memref<16x128xf32, #tpu.memory_space<vmem_shared>>
        %dma_wait3A_61 = arith.constant 0 : i32
        %dma_wait3A_62 = arith.constant 0 : i32
        %dma_wait3A_63 = tpu.memref_slice %arg5[%dma_wait3A_61, %dma_wait3A_62] : memref<328x128xf32, #tpu.memory_space<hbm>> -> memref<16x128xf32, #tpu.memory_space<hbm>>
        tpu.wait_dma2 semaphore(%run_scoped3A_51 : memref<!tpu.dma_semaphore, #tpu.memory_space<semaphore_mem>>) src(%dma_wait3A_63 : memref<16x128xf32, #tpu.memory_space<hbm>>) dst(%dma_wait3A_60 : memref<16x128xf32, #tpu.memory_space<vmem_shared>>)
        tpu.yield
      }) : () -> ()
    } else {
    }
    "tpu.region"() ({
      %run_scoped3A_51 = tpu.sem_alloc : memref<!tpu.dma_semaphore, #tpu.memory_space<semaphore_mem>>
      %dma_start3A_52 = arith.constant 0 : i32
      %dma_start3A_53 = arith.constant 0 : i32
      %dma_start3A_54 = tpu.memref_slice %arg3[%arg1, %dma_start3A_52, %dma_start3A_53] : memref<16x250x80xi32, #tpu.memory_space<hbm>> -> memref<1x250x80xi32, #tpu.memory_space<hbm>>
      %dma_start3A_55 = tpu.memref_squeeze %dma_start3A_54 : memref<1x250x80xi32, #tpu.memory_space<hbm>> -> memref<250x80xi32, #tpu.memory_space<hbm>>
      %dma_start3A_56 = arith.constant 0 : i32
      %dma_start3A_57 = arith.constant 0 : i32
      %dma_start3A_58 = tpu.memref_slice %arg3[%arg1, %dma_start3A_56, %dma_start3A_57] : memref<16x250x80xi32, #tpu.memory_space<hbm>> -> memref<1x250x80xi32, #tpu.memory_space<hbm>>
      %dma_start3A_59 = tpu.memref_squeeze %dma_start3A_58 : memref<1x250x80xi32, #tpu.memory_space<hbm>> -> memref<250x80xi32, #tpu.memory_space<hbm>>
      tpu.enqueue_dma source(%dma_start3A_59 : memref<250x80xi32, #tpu.memory_space<hbm>>) target(%arg7 : memref<250x80xi32, #tpu.memory_space<vmem>>) target_semaphore(%run_scoped3A_51 : memref<!tpu.dma_semaphore, #tpu.memory_space<semaphore_mem>>)
      %dma_wait3A_60 = arith.constant 0 : i32
      %dma_wait3A_61 = arith.constant 0 : i32
      %dma_wait3A_62 = tpu.memref_slice %arg3[%arg1, %dma_wait3A_60, %dma_wait3A_61] : memref<16x250x80xi32, #tpu.memory_space<hbm>> -> memref<1x250x80xi32, #tpu.memory_space<hbm>>
      %dma_wait3A_63 = tpu.memref_squeeze %dma_wait3A_62 : memref<1x250x80xi32, #tpu.memory_space<hbm>> -> memref<250x80xi32, #tpu.memory_space<hbm>>
      %dma_wait3A_64 = arith.constant 0 : i32
      %dma_wait3A_65 = arith.constant 0 : i32
      %dma_wait3A_66 = tpu.memref_slice %arg3[%arg1, %dma_wait3A_64, %dma_wait3A_65] : memref<16x250x80xi32, #tpu.memory_space<hbm>> -> memref<1x250x80xi32, #tpu.memory_space<hbm>>
      %dma_wait3A_67 = tpu.memref_squeeze %dma_wait3A_66 : memref<1x250x80xi32, #tpu.memory_space<hbm>> -> memref<250x80xi32, #tpu.memory_space<hbm>>
      tpu.wait_dma2 semaphore(%run_scoped3A_51 : memref<!tpu.dma_semaphore, #tpu.memory_space<semaphore_mem>>) src(%dma_wait3A_67 : memref<250x80xi32, #tpu.memory_space<hbm>>) dst(%arg7 : memref<250x80xi32, #tpu.memory_space<vmem>>)
      tpu.yield
    }) : () -> ()
    "tpu.region"() ({
      %run_scoped3A_51 = tpu.sem_alloc : memref<!tpu.dma_semaphore, #tpu.memory_space<semaphore_mem>>
      %dma_start3A_52 = arith.constant 0 : i32
      %dma_start3A_53 = arith.constant 0 : i32
      %dma_start3A_54 = tpu.memref_slice %arg4[%arg1, %dma_start3A_52, %dma_start3A_53] : memref<16x250x80xi32, #tpu.memory_space<hbm>> -> memref<1x250x80xi32, #tpu.memory_space<hbm>>
      %dma_start3A_55 = tpu.memref_squeeze %dma_start3A_54 : memref<1x250x80xi32, #tpu.memory_space<hbm>> -> memref<250x80xi32, #tpu.memory_space<hbm>>
      %dma_start3A_56 = arith.constant 0 : i32
      %dma_start3A_57 = arith.constant 0 : i32
      %dma_start3A_58 = tpu.memref_slice %arg4[%arg1, %dma_start3A_56, %dma_start3A_57] : memref<16x250x80xi32, #tpu.memory_space<hbm>> -> memref<1x250x80xi32, #tpu.memory_space<hbm>>
      %dma_start3A_59 = tpu.memref_squeeze %dma_start3A_58 : memref<1x250x80xi32, #tpu.memory_space<hbm>> -> memref<250x80xi32, #tpu.memory_space<hbm>>
      tpu.enqueue_dma source(%dma_start3A_59 : memref<250x80xi32, #tpu.memory_space<hbm>>) target(%arg8 : memref<250x80xi32, #tpu.memory_space<vmem>>) target_semaphore(%run_scoped3A_51 : memref<!tpu.dma_semaphore, #tpu.memory_space<semaphore_mem>>)
      %dma_wait3A_60 = arith.constant 0 : i32
      %dma_wait3A_61 = arith.constant 0 : i32
      %dma_wait3A_62 = tpu.memref_slice %arg4[%arg1, %dma_wait3A_60, %dma_wait3A_61] : memref<16x250x80xi32, #tpu.memory_space<hbm>> -> memref<1x250x80xi32, #tpu.memory_space<hbm>>
      %dma_wait3A_63 = tpu.memref_squeeze %dma_wait3A_62 : memref<1x250x80xi32, #tpu.memory_space<hbm>> -> memref<250x80xi32, #tpu.memory_space<hbm>>
      %dma_wait3A_64 = arith.constant 0 : i32
      %dma_wait3A_65 = arith.constant 0 : i32
      %dma_wait3A_66 = tpu.memref_slice %arg4[%arg1, %dma_wait3A_64, %dma_wait3A_65] : memref<16x250x80xi32, #tpu.memory_space<hbm>> -> memref<1x250x80xi32, #tpu.memory_space<hbm>>
      %dma_wait3A_67 = tpu.memref_squeeze %dma_wait3A_66 : memref<1x250x80xi32, #tpu.memory_space<hbm>> -> memref<250x80xi32, #tpu.memory_space<hbm>>
      tpu.wait_dma2 semaphore(%run_scoped3A_51 : memref<!tpu.dma_semaphore, #tpu.memory_space<semaphore_mem>>) src(%dma_wait3A_67 : memref<250x80xi32, #tpu.memory_space<hbm>>) dst(%arg8 : memref<250x80xi32, #tpu.memory_space<vmem>>)
      tpu.yield
    }) : () -> ()
    %scan3A = arith.constant 0 : i32
    %scan3A_5 = arith.constant 0 : i32
    %scan3A_6 = arith.constant 250 : i32
    %scan3A_7 = arith.addi %scan3A_5, %scan3A_6 : i32
    %scan3A_8 = arith.constant 1 : i32
    scf.for %scan3A_51 = %scan3A_5 to %scan3A_7 step %scan3A_8  : i32 {
      %get3A = arith.index_cast %scan3A_51 : i32 to index
      %get3A_52 = arith.constant 0 : index
      %get3A_53 = tpu.vector_load %arg8[%get3A, %get3A_52] {strides = array<i32>} : memref<250x80xi32, #tpu.memory_space<vmem>>, vector<1x16xi32>,
      %get3A_54 = vector.shape_cast %get3A_53 : vector<1x16xi32> to vector<16xi32>
      %sub3A = vector.broadcast %mul3A_0 : i32 to vector<16xi32>
      %sub3A_55 = arith.subi %get3A_54, %sub3A : vector<16xi32>
      %ge3A = vector.broadcast %mul3A_0 : i32 to vector<16xi32>
      %ge3A_56 = arith.cmpi sge, %get3A_54, %ge3A : vector<16xi32>
      %add3A_57 = arith.constant 5000 : i32
      %add3A_58 = arith.addi %mul3A_0, %add3A_57 : i32
      %lt3A = vector.broadcast %add3A_58 : i32 to vector<16xi32>
      %lt3A_59 = arith.cmpi slt, %get3A_54, %lt3A : vector<16xi32>
      %and3A = arith.andi %ge3A_56, %lt3A_59 : vector<16xi1>
      %jit3A = arith.constant 5000 : i32
      %broadcast_in_dim3A = vector.broadcast %jit3A : i32 to vector<16xi32>
      %select_n3A = arith.select %and3A, %sub3A_55, %broadcast_in_dim3A : vector<16xi1>, vector<16xi32>
      %swap3A = arith.index_cast %scan3A_51 : i32 to index
      %swap3A_60 = arith.constant 0 : index
      %swap3A_61 = tpu.vector_load %arg8[%swap3A, %swap3A_60] {strides = array<i32>} : memref<250x80xi32, #tpu.memory_space<vmem>>, vector<1x16xi32>,
      %swap3A_62 = vector.shape_cast %swap3A_61 : vector<1x16xi32> to vector<16xi32>
      %swap3A_63 = vector.shape_cast %select_n3A : vector<16xi32> to vector<1x16xi32>
      tpu.vector_store %arg8[%swap3A, %swap3A_60], %swap3A_63 {strides = array<i32>} : memref<250x80xi32, #tpu.memory_space<vmem>>, vector<1x16xi32>,
      %get3A_64 = arith.index_cast %scan3A_51 : i32 to index
      %get3A_65 = arith.constant 16 : index
      %get3A_66 = tpu.vector_load %arg8[%get3A_64, %get3A_65] {strides = array<i32>} : memref<250x80xi32, #tpu.memory_space<vmem>>, vector<1x16xi32>,
      %get3A_67 = vector.shape_cast %get3A_66 : vector<1x16xi32> to vector<16xi32>
      %sub3A_68 = vector.broadcast %mul3A_0 : i32 to vector<16xi32>
      %sub3A_69 = arith.subi %get3A_67, %sub3A_68 : vector<16xi32>
      %ge3A_70 = vector.broadcast %mul3A_0 : i32 to vector<16xi32>
      %ge3A_71 = arith.cmpi sge, %get3A_67, %ge3A_70 : vector<16xi32>
      %add3A_72 = arith.constant 5000 : i32
      %add3A_73 = arith.addi %mul3A_0, %add3A_72 : i32
      %lt3A_74 = vector.broadcast %add3A_73 : i32 to vector<16xi32>
      %lt3A_75 = arith.cmpi slt, %get3A_67, %lt3A_74 : vector<16xi32>
      %and3A_76 = arith.andi %ge3A_71, %lt3A_75 : vector<16xi1>
      %jit3A_77 = arith.constant 5000 : i32
      %broadcast_in_dim3A_78 = vector.broadcast %jit3A_77 : i32 to vector<16xi32>
      %select_n3A_79 = arith.select %and3A_76, %sub3A_69, %broadcast_in_dim3A_78 : vector<16xi1>, vector<16xi32>
      %swap3A_80 = arith.index_cast %scan3A_51 : i32 to index
      %swap3A_81 = arith.constant 16 : index
      %swap3A_82 = tpu.vector_load %arg8[%swap3A_80, %swap3A_81] {strides = array<i32>} : memref<250x80xi32, #tpu.memory_space<vmem>>, vector<1x16xi32>,
      %swap3A_83 = vector.shape_cast %swap3A_82 : vector<1x16xi32> to vector<16xi32>
      %swap3A_84 = vector.shape_cast %select_n3A_79 : vector<16xi32> to vector<1x16xi32>
      tpu.vector_store %arg8[%swap3A_80, %swap3A_81], %swap3A_84 {strides = array<i32>} : memref<250x80xi32, #tpu.memory_space<vmem>>, vector<1x16xi32>,
      %get3A_85 = arith.index_cast %scan3A_51 : i32 to index
      %get3A_86 = arith.constant 32 : index
      %get3A_87 = tpu.vector_load %arg8[%get3A_85, %get3A_86] {strides = array<i32>} : memref<250x80xi32, #tpu.memory_space<vmem>>, vector<1x16xi32>,
      %get3A_88 = vector.shape_cast %get3A_87 : vector<1x16xi32> to vector<16xi32>
      %sub3A_89 = vector.broadcast %mul3A_0 : i32 to vector<16xi32>
      %sub3A_90 = arith.subi %get3A_88, %sub3A_89 : vector<16xi32>
      %ge3A_91 = vector.broadcast %mul3A_0 : i32 to vector<16xi32>
      %ge3A_92 = arith.cmpi sge, %get3A_88, %ge3A_91 : vector<16xi32>
      %add3A_93 = arith.constant 5000 : i32
      %add3A_94 = arith.addi %mul3A_0, %add3A_93 : i32
      %lt3A_95 = vector.broadcast %add3A_94 : i32 to vector<16xi32>
      %lt3A_96 = arith.cmpi slt, %get3A_88, %lt3A_95 : vector<16xi32>
      %and3A_97 = arith.andi %ge3A_92, %lt3A_96 : vector<16xi1>
      %jit3A_98 = arith.constant 5000 : i32
      %broadcast_in_dim3A_99 = vector.broadcast %jit3A_98 : i32 to vector<16xi32>
      %select_n3A_100 = arith.select %and3A_97, %sub3A_90, %broadcast_in_dim3A_99 : vector<16xi1>, vector<16xi32>
      %swap3A_101 = arith.index_cast %scan3A_51 : i32 to index
      %swap3A_102 = arith.constant 32 : index
      %swap3A_103 = tpu.vector_load %arg8[%swap3A_101, %swap3A_102] {strides = array<i32>} : memref<250x80xi32, #tpu.memory_space<vmem>>, vector<1x16xi32>,
      %swap3A_104 = vector.shape_cast %swap3A_103 : vector<1x16xi32> to vector<16xi32>
      %swap3A_105 = vector.shape_cast %select_n3A_100 : vector<16xi32> to vector<1x16xi32>
      tpu.vector_store %arg8[%swap3A_101, %swap3A_102], %swap3A_105 {strides = array<i32>} : memref<250x80xi32, #tpu.memory_space<vmem>>, vector<1x16xi32>,
      %get3A_106 = arith.index_cast %scan3A_51 : i32 to index
      %get3A_107 = arith.constant 48 : index
      %get3A_108 = tpu.vector_load %arg8[%get3A_106, %get3A_107] {strides = array<i32>} : memref<250x80xi32, #tpu.memory_space<vmem>>, vector<1x16xi32>,
      %get3A_109 = vector.shape_cast %get3A_108 : vector<1x16xi32> to vector<16xi32>
      %sub3A_110 = vector.broadcast %mul3A_0 : i32 to vector<16xi32>
      %sub3A_111 = arith.subi %get3A_109, %sub3A_110 : vector<16xi32>
      %ge3A_112 = vector.broadcast %mul3A_0 : i32 to vector<16xi32>
      %ge3A_113 = arith.cmpi sge, %get3A_109, %ge3A_112 : vector<16xi32>
      %add3A_114 = arith.constant 5000 : i32
      %add3A_115 = arith.addi %mul3A_0, %add3A_114 : i32
      %lt3A_116 = vector.broadcast %add3A_115 : i32 to vector<16xi32>
      %lt3A_117 = arith.cmpi slt, %get3A_109, %lt3A_116 : vector<16xi32>
      %and3A_118 = arith.andi %ge3A_113, %lt3A_117 : vector<16xi1>
      %jit3A_119 = arith.constant 5000 : i32
      %broadcast_in_dim3A_120 = vector.broadcast %jit3A_119 : i32 to vector<16xi32>
      %select_n3A_121 = arith.select %and3A_118, %sub3A_111, %broadcast_in_dim3A_120 : vector<16xi1>, vector<16xi32>
      %swap3A_122 = arith.index_cast %scan3A_51 : i32 to index
      %swap3A_123 = arith.constant 48 : index
      %swap3A_124 = tpu.vector_load %arg8[%swap3A_122, %swap3A_123] {strides = array<i32>} : memref<250x80xi32, #tpu.memory_space<vmem>>, vector<1x16xi32>,
      %swap3A_125 = vector.shape_cast %swap3A_124 : vector<1x16xi32> to vector<16xi32>
      %swap3A_126 = vector.shape_cast %select_n3A_121 : vector<16xi32> to vector<1x16xi32>
      tpu.vector_store %arg8[%swap3A_122, %swap3A_123], %swap3A_126 {strides = array<i32>} : memref<250x80xi32, #tpu.memory_space<vmem>>, vector<1x16xi32>,
      %get3A_127 = arith.index_cast %scan3A_51 : i32 to index
      %get3A_128 = arith.constant 64 : index
      %get3A_129 = tpu.vector_load %arg8[%get3A_127, %get3A_128] {strides = array<i32>} : memref<250x80xi32, #tpu.memory_space<vmem>>, vector<1x16xi32>,
      %get3A_130 = vector.shape_cast %get3A_129 : vector<1x16xi32> to vector<16xi32>
      %sub3A_131 = vector.broadcast %mul3A_0 : i32 to vector<16xi32>
      %sub3A_132 = arith.subi %get3A_130, %sub3A_131 : vector<16xi32>
      %ge3A_133 = vector.broadcast %mul3A_0 : i32 to vector<16xi32>
      %ge3A_134 = arith.cmpi sge, %get3A_130, %ge3A_133 : vector<16xi32>
      %add3A_135 = arith.constant 5000 : i32
      %add3A_136 = arith.addi %mul3A_0, %add3A_135 : i32
      %lt3A_137 = vector.broadcast %add3A_136 : i32 to vector<16xi32>
      %lt3A_138 = arith.cmpi slt, %get3A_130, %lt3A_137 : vector<16xi32>
      %and3A_139 = arith.andi %ge3A_134, %lt3A_138 : vector<16xi1>
      %jit3A_140 = arith.constant 5000 : i32
      %broadcast_in_dim3A_141 = vector.broadcast %jit3A_140 : i32 to vector<16xi32>
      %select_n3A_142 = arith.select %and3A_139, %sub3A_132, %broadcast_in_dim3A_141 : vector<16xi1>, vector<16xi32>
      %swap3A_143 = arith.index_cast %scan3A_51 : i32 to index
      %swap3A_144 = arith.constant 64 : index
      %swap3A_145 = tpu.vector_load %arg8[%swap3A_143, %swap3A_144] {strides = array<i32>} : memref<250x80xi32, #tpu.memory_space<vmem>>, vector<1x16xi32>,
      %swap3A_146 = vector.shape_cast %swap3A_145 : vector<1x16xi32> to vector<16xi32>
      %swap3A_147 = vector.shape_cast %select_n3A_142 : vector<16xi32> to vector<1x16xi32>
      tpu.vector_store %arg8[%swap3A_143, %swap3A_144], %swap3A_147 {strides = array<i32>} : memref<250x80xi32, #tpu.memory_space<vmem>>, vector<1x16xi32>,
    }
    %scan3A_9 = arith.constant 250 : i32
    %barrier3A = arith.constant 0 : index
    tpu.barrier barrier_id(%barrier3A)
    %dma_start3A = arith.constant 0 : i32
    %dma_start3A_10 = arith.constant 0 : i32
    %dma_start3A_11 = tpu.memref_slice %arg7[%dma_start3A, %dma_start3A_10] : memref<250x80xi32, #tpu.memory_space<vmem>> -> memref<1x80xi32, #tpu.memory_space<vmem>>
    %dma_start3A_12 = tpu.memref_squeeze %dma_start3A_11 : memref<1x80xi32, #tpu.memory_space<vmem>> -> memref<80xi32, #tpu.memory_space<vmem>>
    %dma_start3A_13 = arith.constant 0 : i32
    %dma_start3A_14 = arith.constant 0 : i32
    %dma_start3A_15 = tpu.memref_slice %arg2[%dma_start3A_13, %dma_start3A_14] : memref<10000x128xf32, #tpu.memory_space<hbm>> -> memref<10000x128xf32, #tpu.memory_space<hbm>>
    tpu.enqueue_indirect_dma source(%dma_start3A_15 : memref<10000x128xf32, #tpu.memory_space<hbm>>) target(%arg9 : memref<80x128xf32, #tpu.memory_space<vmem>>) offsets(%dma_start3A_12 : memref<80xi32, #tpu.memory_space<vmem>>) semaphore(%arg12 : memref<!tpu.dma_semaphore, #tpu.memory_space<semaphore_mem>>)
    %scan3A_16 = arith.constant 0 : i32
    %scan3A_17 = arith.constant 0 : i32
    %scan3A_18 = arith.constant 124 : i32
    %scan3A_19 = arith.addi %scan3A_17, %scan3A_18 : i32
    %scan3A_20 = arith.constant 1 : i32
    scf.for %scan3A_51 = %scan3A_17 to %scan3A_19 step %scan3A_20  : i32 {
      %mul3A_52 = arith.constant 2 : i32
      %mul3A_53 = arith.muli %mul3A_52, %scan3A_51 : i32
      %add3A_54 = arith.constant 1 : i32
      %add3A_55 = arith.addi %mul3A_53, %add3A_54 : i32
      %dma_start3A_56 = arith.constant 0 : i32
      %dma_start3A_57 = tpu.memref_slice %arg7[%add3A_55, %dma_start3A_56] : memref<250x80xi32, #tpu.memory_space<vmem>> -> memref<1x80xi32, #tpu.memory_space<vmem>>
      %dma_start3A_58 = tpu.memref_squeeze %dma_start3A_57 : memref<1x80xi32, #tpu.memory_space<vmem>> -> memref<80xi32, #tpu.memory_space<vmem>>
      %dma_start3A_59 = arith.constant 0 : i32
      %dma_start3A_60 = arith.constant 0 : i32
      %dma_start3A_61 = tpu.memref_slice %arg2[%dma_start3A_59, %dma_start3A_60] : memref<10000x128xf32, #tpu.memory_space<hbm>> -> memref<10000x128xf32, #tpu.memory_space<hbm>>
      tpu.enqueue_indirect_dma source(%dma_start3A_61 : memref<10000x128xf32, #tpu.memory_space<hbm>>) target(%arg10 : memref<80x128xf32, #tpu.memory_space<vmem>>) offsets(%dma_start3A_58 : memref<80xi32, #tpu.memory_space<vmem>>) semaphore(%arg13 : memref<!tpu.dma_semaphore, #tpu.memory_space<semaphore_mem>>)
      %dma_wait3A_62 = arith.constant 0 : i32
      %dma_wait3A_63 = tpu.memref_slice %arg7[%mul3A_53, %dma_wait3A_62] : memref<250x80xi32, #tpu.memory_space<vmem>> -> memref<1x80xi32, #tpu.memory_space<vmem>>
      %dma_wait3A_64 = tpu.memref_squeeze %dma_wait3A_63 : memref<1x80xi32, #tpu.memory_space<vmem>> -> memref<80xi32, #tpu.memory_space<vmem>>
      %dma_wait3A_65 = arith.constant 0 : i32
      %dma_wait3A_66 = arith.constant 0 : i32
      %dma_wait3A_67 = tpu.memref_slice %arg2[%dma_wait3A_65, %dma_wait3A_66] : memref<10000x128xf32, #tpu.memory_space<hbm>> -> memref<10000x128xf32, #tpu.memory_space<hbm>>
      tpu.wait_indirect_dma semaphore(%arg12 : memref<!tpu.dma_semaphore, #tpu.memory_space<semaphore_mem>>) src(%dma_wait3A_67 : memref<10000x128xf32, #tpu.memory_space<hbm>>) dst(%arg9 : memref<80x128xf32, #tpu.memory_space<vmem>>)
      "tpu.region"() ({
        %run_scoped3A_86 = tpu.sem_alloc : memref<!tpu.dma_semaphore, #tpu.memory_space<semaphore_mem>>
        %dma_start3A_87 = arith.constant 0 : i32
        %dma_start3A_88 = tpu.memref_slice %arg8[%mul3A_53, %dma_start3A_87] : memref<250x80xi32, #tpu.memory_space<vmem>> -> memref<1x80xi32, #tpu.memory_space<vmem>>
        %dma_start3A_89 = tpu.memref_squeeze %dma_start3A_88 : memref<1x80xi32, #tpu.memory_space<vmem>> -> memref<80xi32, #tpu.memory_space<vmem>>
        %dma_start3A_90 = arith.constant 0 : i32
        %dma_start3A_91 = arith.constant 0 : i32
        %dma_start3A_92 = tpu.memref_slice %arg11[%dma_start3A_90, %dma_start3A_91] : memref<5008x128xf32, #tpu.memory_space<vmem_shared>> -> memref<5008x128xf32, #tpu.memory_space<vmem_shared>>
        tpu.enqueue_indirect_dma source(%arg9 : memref<80x128xf32, #tpu.memory_space<vmem>>) target(%dma_start3A_92 : memref<5008x128xf32, #tpu.memory_space<vmem_shared>>) offsets(%dma_start3A_89 : memref<80xi32, #tpu.memory_space<vmem>>) semaphore(%run_scoped3A_86 : memref<!tpu.dma_semaphore, #tpu.memory_space<semaphore_mem>>) {add = true}
        %dma_wait3A_93 = arith.constant 0 : i32
        %dma_wait3A_94 = tpu.memref_slice %arg8[%mul3A_53, %dma_wait3A_93] : memref<250x80xi32, #tpu.memory_space<vmem>> -> memref<1x80xi32, #tpu.memory_space<vmem>>
        %dma_wait3A_95 = tpu.memref_squeeze %dma_wait3A_94 : memref<1x80xi32, #tpu.memory_space<vmem>> -> memref<80xi32, #tpu.memory_space<vmem>>
        %dma_wait3A_96 = arith.constant 0 : i32
        %dma_wait3A_97 = arith.constant 0 : i32
        %dma_wait3A_98 = tpu.memref_slice %arg11[%dma_wait3A_96, %dma_wait3A_97] : memref<5008x128xf32, #tpu.memory_space<vmem_shared>> -> memref<5008x128xf32, #tpu.memory_space<vmem_shared>>
        tpu.wait_indirect_dma semaphore(%run_scoped3A_86 : memref<!tpu.dma_semaphore, #tpu.memory_space<semaphore_mem>>) src(%arg9 : memref<80x128xf32, #tpu.memory_space<vmem>>) dst(%dma_wait3A_98 : memref<5008x128xf32, #tpu.memory_space<vmem_shared>>)
        tpu.yield
      }) : () -> ()
      %add3A_68 = arith.constant 2 : i32
      %add3A_69 = arith.addi %mul3A_53, %add3A_68 : i32
      %dma_start3A_70 = arith.constant 0 : i32
      %dma_start3A_71 = tpu.memref_slice %arg7[%add3A_69, %dma_start3A_70] : memref<250x80xi32, #tpu.memory_space<vmem>> -> memref<1x80xi32, #tpu.memory_space<vmem>>
      %dma_start3A_72 = tpu.memref_squeeze %dma_start3A_71 : memref<1x80xi32, #tpu.memory_space<vmem>> -> memref<80xi32, #tpu.memory_space<vmem>>
      %dma_start3A_73 = arith.constant 0 : i32
      %dma_start3A_74 = arith.constant 0 : i32
      %dma_start3A_75 = tpu.memref_slice %arg2[%dma_start3A_73, %dma_start3A_74] : memref<10000x128xf32, #tpu.memory_space<hbm>> -> memref<10000x128xf32, #tpu.memory_space<hbm>>
      tpu.enqueue_indirect_dma source(%dma_start3A_75 : memref<10000x128xf32, #tpu.memory_space<hbm>>) target(%arg9 : memref<80x128xf32, #tpu.memory_space<vmem>>) offsets(%dma_start3A_72 : memref<80xi32, #tpu.memory_space<vmem>>) semaphore(%arg12 : memref<!tpu.dma_semaphore, #tpu.memory_space<semaphore_mem>>)
      %add3A_76 = arith.constant 1 : i32
      %add3A_77 = arith.addi %mul3A_53, %add3A_76 : i32
      %dma_wait3A_78 = arith.constant 0 : i32
      %dma_wait3A_79 = tpu.memref_slice %arg7[%add3A_77, %dma_wait3A_78] : memref<250x80xi32, #tpu.memory_space<vmem>> -> memref<1x80xi32, #tpu.memory_space<vmem>>
      %dma_wait3A_80 = tpu.memref_squeeze %dma_wait3A_79 : memref<1x80xi32, #tpu.memory_space<vmem>> -> memref<80xi32, #tpu.memory_space<vmem>>
      %dma_wait3A_81 = arith.constant 0 : i32
      %dma_wait3A_82 = arith.constant 0 : i32
      %dma_wait3A_83 = tpu.memref_slice %arg2[%dma_wait3A_81, %dma_wait3A_82] : memref<10000x128xf32, #tpu.memory_space<hbm>> -> memref<10000x128xf32, #tpu.memory_space<hbm>>
      tpu.wait_indirect_dma semaphore(%arg13 : memref<!tpu.dma_semaphore, #tpu.memory_space<semaphore_mem>>) src(%dma_wait3A_83 : memref<10000x128xf32, #tpu.memory_space<hbm>>) dst(%arg10 : memref<80x128xf32, #tpu.memory_space<vmem>>)
      %add3A_84 = arith.constant 1 : i32
      %add3A_85 = arith.addi %mul3A_53, %add3A_84 : i32
      "tpu.region"() ({
        %run_scoped3A_86 = tpu.sem_alloc : memref<!tpu.dma_semaphore, #tpu.memory_space<semaphore_mem>>
        %dma_start3A_87 = arith.constant 0 : i32
        %dma_start3A_88 = tpu.memref_slice %arg8[%add3A_85, %dma_start3A_87] : memref<250x80xi32, #tpu.memory_space<vmem>> -> memref<1x80xi32, #tpu.memory_space<vmem>>
        %dma_start3A_89 = tpu.memref_squeeze %dma_start3A_88 : memref<1x80xi32, #tpu.memory_space<vmem>> -> memref<80xi32, #tpu.memory_space<vmem>>
        %dma_start3A_90 = arith.constant 0 : i32
        %dma_start3A_91 = arith.constant 0 : i32
        %dma_start3A_92 = tpu.memref_slice %arg11[%dma_start3A_90, %dma_start3A_91] : memref<5008x128xf32, #tpu.memory_space<vmem_shared>> -> memref<5008x128xf32, #tpu.memory_space<vmem_shared>>
        tpu.enqueue_indirect_dma source(%arg10 : memref<80x128xf32, #tpu.memory_space<vmem>>) target(%dma_start3A_92 : memref<5008x128xf32, #tpu.memory_space<vmem_shared>>) offsets(%dma_start3A_89 : memref<80xi32, #tpu.memory_space<vmem>>) semaphore(%run_scoped3A_86 : memref<!tpu.dma_semaphore, #tpu.memory_space<semaphore_mem>>) {add = true}
        %dma_wait3A_93 = arith.constant 0 : i32
        %dma_wait3A_94 = tpu.memref_slice %arg8[%add3A_85, %dma_wait3A_93] : memref<250x80xi32, #tpu.memory_space<vmem>> -> memref<1x80xi32, #tpu.memory_space<vmem>>
        %dma_wait3A_95 = tpu.memref_squeeze %dma_wait3A_94 : memref<1x80xi32, #tpu.memory_space<vmem>> -> memref<80xi32, #tpu.memory_space<vmem>>
        %dma_wait3A_96 = arith.constant 0 : i32
        %dma_wait3A_97 = arith.constant 0 : i32
        %dma_wait3A_98 = tpu.memref_slice %arg11[%dma_wait3A_96, %dma_wait3A_97] : memref<5008x128xf32, #tpu.memory_space<vmem_shared>> -> memref<5008x128xf32, #tpu.memory_space<vmem_shared>>
        tpu.wait_indirect_dma semaphore(%run_scoped3A_86 : memref<!tpu.dma_semaphore, #tpu.memory_space<semaphore_mem>>) src(%arg10 : memref<80x128xf32, #tpu.memory_space<vmem>>) dst(%dma_wait3A_98 : memref<5008x128xf32, #tpu.memory_space<vmem_shared>>)
        tpu.yield
      }) : () -> ()
    }
    %scan3A_21 = arith.constant 124 : i32
    %dma_start3A_22 = arith.constant 249 : i32
    %dma_start3A_23 = arith.constant 0 : i32
    %dma_start3A_24 = tpu.memref_slice %arg7[%dma_start3A_22, %dma_start3A_23] : memref<250x80xi32, #tpu.memory_space<vmem>> -> memref<1x80xi32, #tpu.memory_space<vmem>>
    %dma_start3A_25 = tpu.memref_squeeze %dma_start3A_24 : memref<1x80xi32, #tpu.memory_space<vmem>> -> memref<80xi32, #tpu.memory_space<vmem>>
    %dma_start3A_26 = arith.constant 0 : i32
    %dma_start3A_27 = arith.constant 0 : i32
    %dma_start3A_28 = tpu.memref_slice %arg2[%dma_start3A_26, %dma_start3A_27] : memref<10000x128xf32, #tpu.memory_space<hbm>> -> memref<10000x128xf32, #tpu.memory_space<hbm>>
    tpu.enqueue_indirect_dma source(%dma_start3A_28 : memref<10000x128xf32, #tpu.memory_space<hbm>>) target(%arg10 : memref<80x128xf32, #tpu.memory_space<vmem>>) offsets(%dma_start3A_25 : memref<80xi32, #tpu.memory_space<vmem>>) semaphore(%arg13 : memref<!tpu.dma_semaphore, #tpu.memory_space<semaphore_mem>>)
    %dma_wait3A = arith.constant 248 : i32
    %dma_wait3A_29 = arith.constant 0 : i32
    %dma_wait3A_30 = tpu.memref_slice %arg7[%dma_wait3A, %dma_wait3A_29] : memref<250x80xi32, #tpu.memory_space<vmem>> -> memref<1x80xi32, #tpu.memory_space<vmem>>
    %dma_wait3A_31 = tpu.memref_squeeze %dma_wait3A_30 : memref<1x80xi32, #tpu.memory_space<vmem>> -> memref<80xi32, #tpu.memory_space<vmem>>
    %dma_wait3A_32 = arith.constant 0 : i32
    %dma_wait3A_33 = arith.constant 0 : i32
    %dma_wait3A_34 = tpu.memref_slice %arg2[%dma_wait3A_32, %dma_wait3A_33] : memref<10000x128xf32, #tpu.memory_space<hbm>> -> memref<10000x128xf32, #tpu.memory_space<hbm>>
    tpu.wait_indirect_dma semaphore(%arg12 : memref<!tpu.dma_semaphore, #tpu.memory_space<semaphore_mem>>) src(%dma_wait3A_34 : memref<10000x128xf32, #tpu.memory_space<hbm>>) dst(%arg9 : memref<80x128xf32, #tpu.memory_space<vmem>>)
    %run_scoped3A = arith.constant 248 : i32
    "tpu.region"() ({
      %run_scoped3A_51 = tpu.sem_alloc : memref<!tpu.dma_semaphore, #tpu.memory_space<semaphore_mem>>
      %dma_start3A_52 = arith.constant 0 : i32
      %dma_start3A_53 = tpu.memref_slice %arg8[%run_scoped3A, %dma_start3A_52] : memref<250x80xi32, #tpu.memory_space<vmem>> -> memref<1x80xi32, #tpu.memory_space<vmem>>
      %dma_start3A_54 = tpu.memref_squeeze %dma_start3A_53 : memref<1x80xi32, #tpu.memory_space<vmem>> -> memref<80xi32, #tpu.memory_space<vmem>>
      %dma_start3A_55 = arith.constant 0 : i32
      %dma_start3A_56 = arith.constant 0 : i32
      %dma_start3A_57 = tpu.memref_slice %arg11[%dma_start3A_55, %dma_start3A_56] : memref<5008x128xf32, #tpu.memory_space<vmem_shared>> -> memref<5008x128xf32, #tpu.memory_space<vmem_shared>>
      tpu.enqueue_indirect_dma source(%arg9 : memref<80x128xf32, #tpu.memory_space<vmem>>) target(%dma_start3A_57 : memref<5008x128xf32, #tpu.memory_space<vmem_shared>>) offsets(%dma_start3A_54 : memref<80xi32, #tpu.memory_space<vmem>>) semaphore(%run_scoped3A_51 : memref<!tpu.dma_semaphore, #tpu.memory_space<semaphore_mem>>) {add = true}
      %dma_wait3A_58 = arith.constant 0 : i32
      %dma_wait3A_59 = tpu.memref_slice %arg8[%run_scoped3A, %dma_wait3A_58] : memref<250x80xi32, #tpu.memory_space<vmem>> -> memref<1x80xi32, #tpu.memory_space<vmem>>
      %dma_wait3A_60 = tpu.memref_squeeze %dma_wait3A_59 : memref<1x80xi32, #tpu.memory_space<vmem>> -> memref<80xi32, #tpu.memory_space<vmem>>
      %dma_wait3A_61 = arith.constant 0 : i32
      %dma_wait3A_62 = arith.constant 0 : i32
      %dma_wait3A_63 = tpu.memref_slice %arg11[%dma_wait3A_61, %dma_wait3A_62] : memref<5008x128xf32, #tpu.memory_space<vmem_shared>> -> memref<5008x128xf32, #tpu.memory_space<vmem_shared>>
      tpu.wait_indirect_dma semaphore(%run_scoped3A_51 : memref<!tpu.dma_semaphore, #tpu.memory_space<semaphore_mem>>) src(%arg9 : memref<80x128xf32, #tpu.memory_space<vmem>>) dst(%dma_wait3A_63 : memref<5008x128xf32, #tpu.memory_space<vmem_shared>>)
      tpu.yield
    }) : () -> ()
    %dma_wait3A_35 = arith.constant 249 : i32
    %dma_wait3A_36 = arith.constant 0 : i32
    %dma_wait3A_37 = tpu.memref_slice %arg7[%dma_wait3A_35, %dma_wait3A_36] : memref<250x80xi32, #tpu.memory_space<vmem>> -> memref<1x80xi32, #tpu.memory_space<vmem>>
    %dma_wait3A_38 = tpu.memref_squeeze %dma_wait3A_37 : memref<1x80xi32, #tpu.memory_space<vmem>> -> memref<80xi32, #tpu.memory_space<vmem>>
    %dma_wait3A_39 = arith.constant 0 : i32
    %dma_wait3A_40 = arith.constant 0 : i32
    %dma_wait3A_41 = tpu.memref_slice %arg2[%dma_wait3A_39, %dma_wait3A_40] : memref<10000x128xf32, #tpu.memory_space<hbm>> -> memref<10000x128xf32, #tpu.memory_space<hbm>>
    tpu.wait_indirect_dma semaphore(%arg13 : memref<!tpu.dma_semaphore, #tpu.memory_space<semaphore_mem>>) src(%dma_wait3A_41 : memref<10000x128xf32, #tpu.memory_space<hbm>>) dst(%arg10 : memref<80x128xf32, #tpu.memory_space<vmem>>)
    %run_scoped3A_42 = arith.constant 249 : i32
    "tpu.region"() ({
      %run_scoped3A_51 = tpu.sem_alloc : memref<!tpu.dma_semaphore, #tpu.memory_space<semaphore_mem>>
      %dma_start3A_52 = arith.constant 0 : i32
      %dma_start3A_53 = tpu.memref_slice %arg8[%run_scoped3A_42, %dma_start3A_52] : memref<250x80xi32, #tpu.memory_space<vmem>> -> memref<1x80xi32, #tpu.memory_space<vmem>>
      %dma_start3A_54 = tpu.memref_squeeze %dma_start3A_53 : memref<1x80xi32, #tpu.memory_space<vmem>> -> memref<80xi32, #tpu.memory_space<vmem>>
      %dma_start3A_55 = arith.constant 0 : i32
      %dma_start3A_56 = arith.constant 0 : i32
      %dma_start3A_57 = tpu.memref_slice %arg11[%dma_start3A_55, %dma_start3A_56] : memref<5008x128xf32, #tpu.memory_space<vmem_shared>> -> memref<5008x128xf32, #tpu.memory_space<vmem_shared>>
      tpu.enqueue_indirect_dma source(%arg10 : memref<80x128xf32, #tpu.memory_space<vmem>>) target(%dma_start3A_57 : memref<5008x128xf32, #tpu.memory_space<vmem_shared>>) offsets(%dma_start3A_54 : memref<80xi32, #tpu.memory_space<vmem>>) semaphore(%run_scoped3A_51 : memref<!tpu.dma_semaphore, #tpu.memory_space<semaphore_mem>>) {add = true}
      %dma_wait3A_58 = arith.constant 0 : i32
      %dma_wait3A_59 = tpu.memref_slice %arg8[%run_scoped3A_42, %dma_wait3A_58] : memref<250x80xi32, #tpu.memory_space<vmem>> -> memref<1x80xi32, #tpu.memory_space<vmem>>
      %dma_wait3A_60 = tpu.memref_squeeze %dma_wait3A_59 : memref<1x80xi32, #tpu.memory_space<vmem>> -> memref<80xi32, #tpu.memory_space<vmem>>
      %dma_wait3A_61 = arith.constant 0 : i32
      %dma_wait3A_62 = arith.constant 0 : i32
      %dma_wait3A_63 = tpu.memref_slice %arg11[%dma_wait3A_61, %dma_wait3A_62] : memref<5008x128xf32, #tpu.memory_space<vmem_shared>> -> memref<5008x128xf32, #tpu.memory_space<vmem_shared>>
      tpu.wait_indirect_dma semaphore(%run_scoped3A_51 : memref<!tpu.dma_semaphore, #tpu.memory_space<semaphore_mem>>) src(%arg10 : memref<80x128xf32, #tpu.memory_space<vmem>>) dst(%dma_wait3A_63 : memref<5008x128xf32, #tpu.memory_space<vmem_shared>>)
      tpu.yield
    }) : () -> ()
    %barrier3A_43 = arith.constant 0 : index
    tpu.barrier barrier_id(%barrier3A_43)
    %mul3A_44 = arith.constant 5000 : i32
    %mul3A_45 = arith.muli %arg0, %mul3A_44 : i32
    %add3A = arith.addi %mul3A_45, %mul3A_2 : i32
    "tpu.region"() ({
      %run_scoped3A_51 = tpu.sem_alloc : memref<!tpu.dma_semaphore, #tpu.memory_space<semaphore_mem>>
      %dma_start3A_52 = arith.constant 0 : i32
      %dma_start3A_53 = tpu.memref_slice %arg6[%add3A, %dma_start3A_52] : memref<10000x128xf32, #tpu.memory_space<hbm>> -> memref<312x128xf32, #tpu.memory_space<hbm>>
      %dma_start3A_54 = arith.constant 0 : i32
      %dma_start3A_55 = tpu.memref_slice %arg11[%mul3A_2, %dma_start3A_54] : memref<5008x128xf32, #tpu.memory_space<vmem_shared>> -> memref<312x128xf32, #tpu.memory_space<vmem_shared>>
      tpu.enqueue_dma source(%dma_start3A_55 : memref<312x128xf32, #tpu.memory_space<vmem_shared>>) target(%dma_start3A_53 : memref<312x128xf32, #tpu.memory_space<hbm>>) target_semaphore(%run_scoped3A_51 : memref<!tpu.dma_semaphore, #tpu.memory_space<semaphore_mem>>)
      %dma_wait3A_56 = arith.constant 0 : i32
      %dma_wait3A_57 = tpu.memref_slice %arg6[%add3A, %dma_wait3A_56] : memref<10000x128xf32, #tpu.memory_space<hbm>> -> memref<312x128xf32, #tpu.memory_space<hbm>>
      %dma_wait3A_58 = arith.constant 0 : i32
      %dma_wait3A_59 = tpu.memref_slice %arg11[%mul3A_2, %dma_wait3A_58] : memref<5008x128xf32, #tpu.memory_space<vmem_shared>> -> memref<312x128xf32, #tpu.memory_space<vmem_shared>>
      tpu.wait_dma2 semaphore(%run_scoped3A_51 : memref<!tpu.dma_semaphore, #tpu.memory_space<semaphore_mem>>) src(%dma_wait3A_59 : memref<312x128xf32, #tpu.memory_space<vmem_shared>>) dst(%dma_wait3A_57 : memref<312x128xf32, #tpu.memory_space<hbm>>)
      tpu.yield
    }) : () -> ()
    %eq3A_46 = arith.constant 15 : i32
    %eq3A_47 = arith.cmpi eq, %arg1, %eq3A_46 : i32
    %convert_element_type3A_48 = arith.extui %eq3A_47 : i1 to i32
    %cond3A_49 = arith.constant 0 : i32
    %cond3A_50 = arith.cmpi ne, %convert_element_type3A_48, %cond3A_49 : i32
    scf.if %cond3A_50 {
      %mul3A_51 = arith.constant 5000 : i32
      %mul3A_52 = arith.muli %arg0, %mul3A_51 : i32
      %add3A_53 = arith.constant 4992 : i32
      %add3A_54 = arith.addi %mul3A_52, %add3A_53 : i32
      "tpu.region"() ({
        %run_scoped3A_55 = tpu.sem_alloc : memref<!tpu.dma_semaphore, #tpu.memory_space<semaphore_mem>>
        %dma_start3A_56 = arith.constant 0 : i32
        %dma_start3A_57 = tpu.memref_slice %arg6[%add3A_54, %dma_start3A_56] : memref<10000x128xf32, #tpu.memory_space<hbm>> -> memref<8x128xf32, #tpu.memory_space<hbm>>
        %dma_start3A_58 = arith.constant 4992 : i32
        %dma_start3A_59 = arith.constant 0 : i32
        %dma_start3A_60 = tpu.memref_slice %arg11[%dma_start3A_58, %dma_start3A_59] : memref<5008x128xf32, #tpu.memory_space<vmem_shared>> -> memref<8x128xf32, #tpu.memory_space<vmem_shared>>
        tpu.enqueue_dma source(%dma_start3A_60 : memref<8x128xf32, #tpu.memory_space<vmem_shared>>) target(%dma_start3A_57 : memref<8x128xf32, #tpu.memory_space<hbm>>) target_semaphore(%run_scoped3A_55 : memref<!tpu.dma_semaphore, #tpu.memory_space<semaphore_mem>>)
        %dma_wait3A_61 = arith.constant 0 : i32
        %dma_wait3A_62 = tpu.memref_slice %arg6[%add3A_54, %dma_wait3A_61] : memref<10000x128xf32, #tpu.memory_space<hbm>> -> memref<8x128xf32, #tpu.memory_space<hbm>>
        %dma_wait3A_63 = arith.constant 4992 : i32
        %dma_wait3A_64 = arith.constant 0 : i32
        %dma_wait3A_65 = tpu.memref_slice %arg11[%dma_wait3A_63, %dma_wait3A_64] : memref<5008x128xf32, #tpu.memory_space<vmem_shared>> -> memref<8x128xf32, #tpu.memory_space<vmem_shared>>
        tpu.wait_dma2 semaphore(%run_scoped3A_55 : memref<!tpu.dma_semaphore, #tpu.memory_space<semaphore_mem>>) src(%dma_wait3A_65 : memref<8x128xf32, #tpu.memory_space<vmem_shared>>) dst(%dma_wait3A_62 : memref<8x128xf32, #tpu.memory_space<hbm>>)
        tpu.yield
      }) : () -> ()
    } else {
    }
    return
  }
}

module attributes {stable_mosaic.version = 14 : i64} {
  func.func @_init_body(%arg0: i32, %arg1: memref<1000x128xf32, #tpu.memory_space<vmem>>, %arg2: memref<128x128xf32, #tpu.memory_space<vmem>>, %arg3: memref<1x128xf32, #tpu.memory_space<vmem>>, %arg4: memref<1000x128xf32, #tpu.memory_space<vmem>>) attributes {dimension_semantics = [#tpu.dimension_semantics<arbitrary>], iteration_bounds = array<i64: 10>, scalar_prefetch = 0 : i64, scratch_operands = 0 : i64, tpu.core_type = #tpu.core_type<tc>, window_params = [{transform_indices = @transform_0, window_bounds = array<i64: 1000, 128>}, {pipeline_mode = #tpu.pipeline_mode<synchronous>, transform_indices = @transform_1, window_bounds = array<i64: 128, 128>}, {pipeline_mode = #tpu.pipeline_mode<synchronous>, transform_indices = @transform_2, window_bounds = array<i64: 1, 128>}, {transform_indices = @transform_3, window_bounds = array<i64: 1000, 128>}]} {
    %get3A = arith.constant 0 : index
    %get3A_0 = arith.constant 0 : index
    %get3A_1 = vector.load %arg1[%get3A, %get3A_0] : memref<1000x128xf32, #tpu.memory_space<vmem>>, vector<1000x128xf32>
    %get3A_2 = arith.constant 0 : index
    %get3A_3 = arith.constant 0 : index
    %get3A_4 = vector.load %arg2[%get3A_2, %get3A_3] : memref<128x128xf32, #tpu.memory_space<vmem>>, vector<128x128xf32>
    %dot_general3A = arith.constant dense<0.000000e+00> : vector<1000x128xf32>
    %dot_general3A_5 = tpu.matmul %get3A_1, %get3A_4, %dot_general3A {dimension_numbers = #tpu.dot_dimension_numbers<[1], [0], [0], [1], [0, 0, 1, 1], [], []>, transpose_lhs_hint = false} : vector<1000x128xf32>, vector<128x128xf32>, vector<1000x128xf32> -> vector<1000x128xf32>
    %get3A_6 = arith.constant 0 : index
    %get3A_7 = arith.constant 0 : index
    %get3A_8 = vector.load %arg3[%get3A_6, %get3A_7] : memref<1x128xf32, #tpu.memory_space<vmem>>, vector<1x128xf32>
    %add3A = vector.broadcast %get3A_8 : vector<1x128xf32> to vector<1000x128xf32>
    %add3A_9 = arith.addf %dot_general3A_5, %add3A : vector<1000x128xf32>
    %max3A = arith.constant 0.000000e+00 : f32
    %max3A_10 = vector.broadcast %max3A : f32 to vector<1000x128xf32>
    %max3A_11 = arith.maximumf %add3A_9, %max3A_10 : vector<1000x128xf32>
    %swap3A = arith.constant 0 : index
    %swap3A_12 = arith.constant 0 : index
    %swap3A_13 = vector.load %arg4[%swap3A, %swap3A_12] : memref<1000x128xf32, #tpu.memory_space<vmem>>, vector<1000x128xf32>
    tpu.vector_store %arg4[%swap3A, %swap3A_12], %max3A_11 {strides = array<i32>} : memref<1000x128xf32, #tpu.memory_space<vmem>>, vector<1000x128xf32>,
    return
  }
  func.func @transform_0(%arg0: i32) -> (i32, i32) {
    %c0_i32 = arith.constant 0 : i32
    %c0_i32_0 = arith.constant 0 : i32
    return %arg0, %c0_i32 : i32, i32
  }
  func.func @transform_1(%arg0: i32) -> (i32, i32) {
    %c0_i32 = arith.constant 0 : i32
    %c0_i32_0 = arith.constant 0 : i32
    %c0_i32_1 = arith.constant 0 : i32
    return %c0_i32, %c0_i32_0 : i32, i32
  }
  func.func @transform_2(%arg0: i32) -> (i32, i32) {
    %c0_i32 = arith.constant 0 : i32
    %c0_i32_0 = arith.constant 0 : i32
    %c0_i32_1 = arith.constant 0 : i32
    return %c0_i32, %c0_i32_0 : i32, i32
  }
  func.func @transform_3(%arg0: i32) -> (i32, i32) {
    %c0_i32 = arith.constant 0 : i32
    %c0_i32_0 = arith.constant 0 : i32
    return %arg0, %c0_i32 : i32, i32
  }
}

module attributes {stable_mosaic.version = 14 : i64} {
  func.func @_combine_body(%arg0: i32, %arg1: memref<1000x128xf32, #tpu.memory_space<vmem>>, %arg2: memref<1000x128xf32, #tpu.memory_space<vmem>>, %arg3: memref<1000x16xf32, #tpu.memory_space<vmem>>, %arg4: memref<128x128xf32, #tpu.memory_space<vmem>>, %arg5: memref<128x128xf32, #tpu.memory_space<vmem>>, %arg6: memref<1x128xf32, #tpu.memory_space<vmem>>, %arg7: memref<1000x128xf32, #tpu.memory_space<vmem>>) attributes {dimension_semantics = [#tpu.dimension_semantics<arbitrary>], iteration_bounds = array<i64: 10>, scalar_prefetch = 0 : i64, scratch_operands = 0 : i64, tpu.core_type = #tpu.core_type<tc>, window_params = [{transform_indices = @transform_0, window_bounds = array<i64: 1000, 128>}, {transform_indices = @transform_1, window_bounds = array<i64: 1000, 128>}, {transform_indices = @transform_2, window_bounds = array<i64: 1000, 16>}, {pipeline_mode = #tpu.pipeline_mode<synchronous>, transform_indices = @transform_3, window_bounds = array<i64: 128, 128>}, {pipeline_mode = #tpu.pipeline_mode<synchronous>, transform_indices = @transform_4, window_bounds = array<i64: 128, 128>}, {pipeline_mode = #tpu.pipeline_mode<synchronous>, transform_indices = @transform_5, window_bounds = array<i64: 1, 128>}, {transform_indices = @transform_6, window_bounds = array<i64: 1000, 128>}]} {
    %get3A = arith.constant 0 : index
    %get3A_0 = arith.constant 0 : index
    %get3A_1 = vector.load %arg2[%get3A, %get3A_0] : memref<1000x128xf32, #tpu.memory_space<vmem>>, vector<1000x128xf32>
    %get3A_2 = arith.constant 0 : index
    %get3A_3 = arith.constant 0 : index
    %get3A_4 = vector.load %arg3[%get3A_2, %get3A_3] : memref<1000x16xf32, #tpu.memory_space<vmem>>, vector<1000x1xf32>
    %max3A = arith.constant 1.000000e+00 : f32
    %max3A_5 = vector.broadcast %max3A : f32 to vector<1000x1xf32>
    %max3A_6 = arith.maximumf %get3A_4, %max3A_5 : vector<1000x1xf32>
    %div3A = vector.broadcast %max3A_6 : vector<1000x1xf32> to vector<1000x128xf32>
    %div3A_7 = arith.divf %get3A_1, %div3A : vector<1000x128xf32>
    %get3A_8 = arith.constant 0 : index
    %get3A_9 = arith.constant 0 : index
    %get3A_10 = vector.load %arg1[%get3A_8, %get3A_9] : memref<1000x128xf32, #tpu.memory_space<vmem>>, vector<1000x128xf32>
    %get3A_11 = arith.constant 0 : index
    %get3A_12 = arith.constant 0 : index
    %get3A_13 = vector.load %arg4[%get3A_11, %get3A_12] : memref<128x128xf32, #tpu.memory_space<vmem>>, vector<128x128xf32>
    %dot_general3A = arith.constant dense<0.000000e+00> : vector<1000x128xf32>
    %dot_general3A_14 = tpu.matmul %get3A_10, %get3A_13, %dot_general3A {dimension_numbers = #tpu.dot_dimension_numbers<[1], [0], [0], [1], [0, 0, 1, 1], [], []>, transpose_lhs_hint = false} : vector<1000x128xf32>, vector<128x128xf32>, vector<1000x128xf32> -> vector<1000x128xf32>
    %get3A_15 = arith.constant 0 : index
    %get3A_16 = arith.constant 0 : index
    %get3A_17 = vector.load %arg5[%get3A_15, %get3A_16] : memref<128x128xf32, #tpu.memory_space<vmem>>, vector<128x128xf32>
    %dot_general3A_18 = arith.constant dense<0.000000e+00> : vector<1000x128xf32>
    %dot_general3A_19 = tpu.matmul %div3A_7, %get3A_17, %dot_general3A_18 {dimension_numbers = #tpu.dot_dimension_numbers<[1], [0], [0], [1], [0, 0, 1, 1], [], []>, transpose_lhs_hint = false} : vector<1000x128xf32>, vector<128x128xf32>, vector<1000x128xf32> -> vector<1000x128xf32>
    %add3A = arith.addf %dot_general3A_14, %dot_general3A_19 : vector<1000x128xf32>
    %get3A_20 = arith.constant 0 : index
    %get3A_21 = arith.constant 0 : index
    %get3A_22 = vector.load %arg6[%get3A_20, %get3A_21] : memref<1x128xf32, #tpu.memory_space<vmem>>, vector<1x128xf32>
    %add3A_23 = vector.broadcast %get3A_22 : vector<1x128xf32> to vector<1000x128xf32>
    %add3A_24 = arith.addf %add3A, %add3A_23 : vector<1000x128xf32>
    %max3A_25 = arith.constant 0.000000e+00 : f32
    %max3A_26 = vector.broadcast %max3A_25 : f32 to vector<1000x128xf32>
    %max3A_27 = arith.maximumf %add3A_24, %max3A_26 : vector<1000x128xf32>
    %swap3A = arith.constant 0 : index
    %swap3A_28 = arith.constant 0 : index
    %swap3A_29 = vector.load %arg7[%swap3A, %swap3A_28] : memref<1000x128xf32, #tpu.memory_space<vmem>>, vector<1000x128xf32>
    tpu.vector_store %arg7[%swap3A, %swap3A_28], %max3A_27 {strides = array<i32>} : memref<1000x128xf32, #tpu.memory_space<vmem>>, vector<1000x128xf32>,
    return
  }
  func.func @transform_0(%arg0: i32) -> (i32, i32) {
    %c0_i32 = arith.constant 0 : i32
    %c0_i32_0 = arith.constant 0 : i32
    return %arg0, %c0_i32 : i32, i32
  }
  func.func @transform_1(%arg0: i32) -> (i32, i32) {
    %c0_i32 = arith.constant 0 : i32
    %c0_i32_0 = arith.constant 0 : i32
    return %arg0, %c0_i32 : i32, i32
  }
  func.func @transform_2(%arg0: i32) -> (i32, i32) {
    %c0_i32 = arith.constant 0 : i32
    %c0_i32_0 = arith.constant 0 : i32
    return %arg0, %c0_i32 : i32, i32
  }
  func.func @transform_3(%arg0: i32) -> (i32, i32) {
    %c0_i32 = arith.constant 0 : i32
    %c0_i32_0 = arith.constant 0 : i32
    %c0_i32_1 = arith.constant 0 : i32
    return %c0_i32, %c0_i32_0 : i32, i32
  }
  func.func @transform_4(%arg0: i32) -> (i32, i32) {
    %c0_i32 = arith.constant 0 : i32
    %c0_i32_0 = arith.constant 0 : i32
    %c0_i32_1 = arith.constant 0 : i32
    return %c0_i32, %c0_i32_0 : i32, i32
  }
  func.func @transform_5(%arg0: i32) -> (i32, i32) {
    %c0_i32 = arith.constant 0 : i32
    %c0_i32_0 = arith.constant 0 : i32
    %c0_i32_1 = arith.constant 0 : i32
    return %c0_i32, %c0_i32_0 : i32, i32
  }
  func.func @transform_6(%arg0: i32) -> (i32, i32) {
    %c0_i32 = arith.constant 0 : i32
    %c0_i32_0 = arith.constant 0 : i32
    return %arg0, %c0_i32 : i32, i32
  }
}

module attributes {stable_mosaic.version = 14 : i64} {
  func.func @_final_body(%arg0: i32, %arg1: memref<1000x128xf32, #tpu.memory_space<vmem>>, %arg2: memref<1000x128xf32, #tpu.memory_space<vmem>>, %arg3: memref<1000x16xf32, #tpu.memory_space<vmem>>, %arg4: memref<128x128xf32, #tpu.memory_space<vmem>>, %arg5: memref<128x128xf32, #tpu.memory_space<vmem>>, %arg6: memref<1x128xf32, #tpu.memory_space<vmem>>, %arg7: memref<128x128xf32, #tpu.memory_space<vmem>>, %arg8: memref<1x128xf32, #tpu.memory_space<vmem>>, %arg9: memref<1000x128xf32, #tpu.memory_space<vmem>>) attributes {dimension_semantics = [#tpu.dimension_semantics<arbitrary>], iteration_bounds = array<i64: 10>, scalar_prefetch = 0 : i64, scratch_operands = 0 : i64, tpu.core_type = #tpu.core_type<tc>, window_params = [{transform_indices = @transform_0, window_bounds = array<i64: 1000, 128>}, {transform_indices = @transform_1, window_bounds = array<i64: 1000, 128>}, {transform_indices = @transform_2, window_bounds = array<i64: 1000, 16>}, {pipeline_mode = #tpu.pipeline_mode<synchronous>, transform_indices = @transform_3, window_bounds = array<i64: 128, 128>}, {pipeline_mode = #tpu.pipeline_mode<synchronous>, transform_indices = @transform_4, window_bounds = array<i64: 128, 128>}, {pipeline_mode = #tpu.pipeline_mode<synchronous>, transform_indices = @transform_5, window_bounds = array<i64: 1, 128>}, {pipeline_mode = #tpu.pipeline_mode<synchronous>, transform_indices = @transform_6, window_bounds = array<i64: 128, 128>}, {pipeline_mode = #tpu.pipeline_mode<synchronous>, transform_indices = @transform_7, window_bounds = array<i64: 1, 128>}, {transform_indices = @transform_8, window_bounds = array<i64: 1000, 128>}]} {
    %get3A = arith.constant 0 : index
    %get3A_0 = arith.constant 0 : index
    %get3A_1 = vector.load %arg2[%get3A, %get3A_0] : memref<1000x128xf32, #tpu.memory_space<vmem>>, vector<1000x128xf32>
    %get3A_2 = arith.constant 0 : index
    %get3A_3 = arith.constant 0 : index
    %get3A_4 = vector.load %arg3[%get3A_2, %get3A_3] : memref<1000x16xf32, #tpu.memory_space<vmem>>, vector<1000x1xf32>
    %max3A = arith.constant 1.000000e+00 : f32
    %max3A_5 = vector.broadcast %max3A : f32 to vector<1000x1xf32>
    %max3A_6 = arith.maximumf %get3A_4, %max3A_5 : vector<1000x1xf32>
    %div3A = vector.broadcast %max3A_6 : vector<1000x1xf32> to vector<1000x128xf32>
    %div3A_7 = arith.divf %get3A_1, %div3A : vector<1000x128xf32>
    %get3A_8 = arith.constant 0 : index
    %get3A_9 = arith.constant 0 : index
    %get3A_10 = vector.load %arg1[%get3A_8, %get3A_9] : memref<1000x128xf32, #tpu.memory_space<vmem>>, vector<1000x128xf32>
    %get3A_11 = arith.constant 0 : index
    %get3A_12 = arith.constant 0 : index
    %get3A_13 = vector.load %arg4[%get3A_11, %get3A_12] : memref<128x128xf32, #tpu.memory_space<vmem>>, vector<128x128xf32>
    %dot_general3A = arith.constant dense<0.000000e+00> : vector<1000x128xf32>
    %dot_general3A_14 = tpu.matmul %get3A_10, %get3A_13, %dot_general3A {dimension_numbers = #tpu.dot_dimension_numbers<[1], [0], [0], [1], [0, 0, 1, 1], [], []>, transpose_lhs_hint = false} : vector<1000x128xf32>, vector<128x128xf32>, vector<1000x128xf32> -> vector<1000x128xf32>
    %get3A_15 = arith.constant 0 : index
    %get3A_16 = arith.constant 0 : index
    %get3A_17 = vector.load %arg5[%get3A_15, %get3A_16] : memref<128x128xf32, #tpu.memory_space<vmem>>, vector<128x128xf32>
    %dot_general3A_18 = arith.constant dense<0.000000e+00> : vector<1000x128xf32>
    %dot_general3A_19 = tpu.matmul %div3A_7, %get3A_17, %dot_general3A_18 {dimension_numbers = #tpu.dot_dimension_numbers<[1], [0], [0], [1], [0, 0, 1, 1], [], []>, transpose_lhs_hint = false} : vector<1000x128xf32>, vector<128x128xf32>, vector<1000x128xf32> -> vector<1000x128xf32>
    %add3A = arith.addf %dot_general3A_14, %dot_general3A_19 : vector<1000x128xf32>
    %get3A_20 = arith.constant 0 : index
    %get3A_21 = arith.constant 0 : index
    %get3A_22 = vector.load %arg6[%get3A_20, %get3A_21] : memref<1x128xf32, #tpu.memory_space<vmem>>, vector<1x128xf32>
    %add3A_23 = vector.broadcast %get3A_22 : vector<1x128xf32> to vector<1000x128xf32>
    %add3A_24 = arith.addf %add3A, %add3A_23 : vector<1000x128xf32>
    %max3A_25 = arith.constant 0.000000e+00 : f32
    %max3A_26 = vector.broadcast %max3A_25 : f32 to vector<1000x128xf32>
    %max3A_27 = arith.maximumf %add3A_24, %max3A_26 : vector<1000x128xf32>
    %get3A_28 = arith.constant 0 : index
    %get3A_29 = arith.constant 0 : index
    %get3A_30 = vector.load %arg7[%get3A_28, %get3A_29] : memref<128x128xf32, #tpu.memory_space<vmem>>, vector<128x128xf32>
    %dot_general3A_31 = arith.constant dense<0.000000e+00> : vector<1000x128xf32>
    %dot_general3A_32 = tpu.matmul %max3A_27, %get3A_30, %dot_general3A_31 {dimension_numbers = #tpu.dot_dimension_numbers<[1], [0], [0], [1], [0, 0, 1, 1], [], []>, transpose_lhs_hint = false} : vector<1000x128xf32>, vector<128x128xf32>, vector<1000x128xf32> -> vector<1000x128xf32>
    %get3A_33 = arith.constant 0 : index
    %get3A_34 = arith.constant 0 : index
    %get3A_35 = vector.load %arg8[%get3A_33, %get3A_34] : memref<1x128xf32, #tpu.memory_space<vmem>>, vector<1x128xf32>
    %add3A_36 = vector.broadcast %get3A_35 : vector<1x128xf32> to vector<1000x128xf32>
    %add3A_37 = arith.addf %dot_general3A_32, %add3A_36 : vector<1000x128xf32>
    %swap3A = arith.constant 0 : index
    %swap3A_38 = arith.constant 0 : index
    %swap3A_39 = vector.load %arg9[%swap3A, %swap3A_38] : memref<1000x128xf32, #tpu.memory_space<vmem>>, vector<1000x128xf32>
    tpu.vector_store %arg9[%swap3A, %swap3A_38], %add3A_37 {strides = array<i32>} : memref<1000x128xf32, #tpu.memory_space<vmem>>, vector<1000x128xf32>,
    return
  }
  func.func @transform_0(%arg0: i32) -> (i32, i32) {
    %c0_i32 = arith.constant 0 : i32
    %c0_i32_0 = arith.constant 0 : i32
    return %arg0, %c0_i32 : i32, i32
  }
  func.func @transform_1(%arg0: i32) -> (i32, i32) {
    %c0_i32 = arith.constant 0 : i32
    %c0_i32_0 = arith.constant 0 : i32
    return %arg0, %c0_i32 : i32, i32
  }
  func.func @transform_2(%arg0: i32) -> (i32, i32) {
    %c0_i32 = arith.constant 0 : i32
    %c0_i32_0 = arith.constant 0 : i32
    return %arg0, %c0_i32 : i32, i32
  }
  func.func @transform_3(%arg0: i32) -> (i32, i32) {
    %c0_i32 = arith.constant 0 : i32
    %c0_i32_0 = arith.constant 0 : i32
    %c0_i32_1 = arith.constant 0 : i32
    return %c0_i32, %c0_i32_0 : i32, i32
  }
  func.func @transform_4(%arg0: i32) -> (i32, i32) {
    %c0_i32 = arith.constant 0 : i32
    %c0_i32_0 = arith.constant 0 : i32
    %c0_i32_1 = arith.constant 0 : i32
    return %c0_i32, %c0_i32_0 : i32, i32
  }
  func.func @transform_5(%arg0: i32) -> (i32, i32) {
    %c0_i32 = arith.constant 0 : i32
    %c0_i32_0 = arith.constant 0 : i32
    %c0_i32_1 = arith.constant 0 : i32
    return %c0_i32, %c0_i32_0 : i32, i32
  }
  func.func @transform_6(%arg0: i32) -> (i32, i32) {
    %c0_i32 = arith.constant 0 : i32
    %c0_i32_0 = arith.constant 0 : i32
    %c0_i32_1 = arith.constant 0 : i32
    return %c0_i32, %c0_i32_0 : i32, i32
  }
  func.func @transform_7(%arg0: i32) -> (i32, i32) {
    %c0_i32 = arith.constant 0 : i32
    %c0_i32_0 = arith.constant 0 : i32
    %c0_i32_1 = arith.constant 0 : i32
    return %c0_i32, %c0_i32_0 : i32, i32
  }
  func.func @transform_8(%arg0: i32) -> (i32, i32) {
    %c0_i32 = arith.constant 0 : i32
    %c0_i32_0 = arith.constant 0 : i32
    return %arg0, %c0_i32 : i32, i32
  }
}

</mosaic_0001>

<sc_bundles>
// kernel: seg_counts.3.cloned.1.call-start
scs
__scs_entry_jumppad:
0x0: {  	(pc) =	sbr.rel $0x88, $3  }
0x1: {  	(tag) =	ssettag $0x0;
	lr =	simm.s32 $0x1  }
0x2: {  	[smem:$0x3F98] =	sst lr;
	_ =	strace $0xD0000000  }
0x3: {  	_ = 	snop  }
0x4: {  	_ = 	snop  }
0x5: {  	_ = 	snop  }
0x6: {  	_ = 	snop  }
0x7: {  	_ = 	snop  }
__scs_overlays_trampoline_lowered:
0x8: {  	[smem:$0x3FA7] =	sst s0  }
0x9: {  	[smem:$0x3FA8] =	sst s1  }
0xa: {  	[smem:$0x3FA9] =	sst s2  }
0xb: {  	[smem:$0x3FAA] =	sst s3  }
0xc: {  	[smem:$0x3FAB] =	sst s4  }
0xd: {  	[smem:$0x3FAC] =	sst s5  }
0xe: {  	[smem:$0x3FAD] =	sst s6  }
0xf: {  	[smem:$0x3FAE] =	sst s7  }
0x10: {  	[smem:$0x3FAF] =	sst s8  }
0x11: {  	[smem:$0x3FB0] =	sst s9;
	s0 =	simm.s32 @!p0 $0x0  }
0x12: {  	s1 =	sld [smem:$0x3F96];
	s0 =	simm.s32 @p0 $0x1  }
0x13: {  	[smem:$0x3FB1] =	sst s0;
	s0 =	simm.s32 @!p1 $0x0  }
0x14: {  	s2 =	sld [smem:$0x3F95];
	s0 =	simm.s32 @p1 $0x1  }
0x15: {  	[smem:$0x3FB2] =	sst s0;
	s0 =	simm.s32 @!p2 $0x0  }
0x16: {  	s3 =	sld [smem:$0x3FDB];
	s0 =	simm.s32 @p2 $0x1  }
0x17: {  	s4 =	simm.s32 $0x1BF5;
	[smem:$0x3FB4] =	sst s0  }
0x18: {  	s0 =	sld [smem:$0x3F97];
	_ =	swait.ge [sflag:s4], $0x0  }
0x19: {  	s7 =	sld [smem:$0x3F98]  }
0x1a: {  	s8 =	sadd.s32 $0xFFFFE003, lr  }
0x1b: {  	s9 =	sadd.s32 $0xFFFFFEF7, lr;
	s5 =	simm.s32 $0xFFFFFFFF;
	p2 =	slt.u32 s8, $0xFFFFF086  }
0x1c: {  	p1 =	slt.u32 s9, $0xF7A;
	s5 =	simm.s32 @!p2 $0x0  }
0x1d: {  	s5 =	simm.s32 @p1 $0x1;
	p0 =	seq.s32 s7, s2  }
0x1e: {  	s7 =	smul.u32 @!p0 $0xF7A, s2;
	p2 =	seq.s32 @!p0 s5, $0x0  }
0x1f: {  	s9 =	smul.u32 $0xF7A, s1;
	s8 =	simm.s32 @!p0 $0x1BF5;
	p2 =	por !p2, p0  }
0x20: {  	[sflag:s8] =	ssyncset.s32 @!p0 $0xFFFFF086;
	s6 =	sadd.s32 @!p0 s3, s7;
	s7 =	simm.s32 @!p0 $0x108  }
0x21: {  	s3 =	sadd.s32 s3, s9;
	s6 =	sadd.s32 @!p0 $0x88, s6;
	s7 =	simm.s32 @p2 $0x1082  }
0x22: {  	[simem:s7], [sflag:s8] =	dma.local @!p0 [hbm:s6], $0xF7A  }
0x23: {  	s9 =	sor.u32 $0xD0000000, s2;
	s6 =	simm.s32 $0x108;
	_ =	swait.ge @!p0 [sflag:s8], $0x0  }
0x24: {  	s3 =	sadd.s32 $0x88, s3;
	s6 =	simm.s32 @!p1 $0x1082;
	[sflag:s4] =	ssyncset.s32 $0xFFFFF086  }
0x25: {  	[simem:s6], [sflag:s4] =	dma.local [hbm:s3], $0xF7A  }
0x26: {  	[smem:$0x3F98] =	sst s1;
	(tag) =	ssettag s2;
	_ =	strace s9  }
0x27: {  	s1 =	sld [smem:$0x3FA8]  }
0x28: {  	s2 =	sld [smem:$0x3FA9]  }
0x29: {  	s4 =	sld [smem:$0x3FAB]  }
0x2a: {  	p0 =	seq.s32 s5, $0x0;
	s5 =	sld [smem:$0x3FAC]  }
0x2b: {  	s6 =	sld [smem:$0x3FAD]  }
0x2c: {  	s7 =	sld [smem:$0x3FAE]  }
0x2d: {  	s3 =	simm.s32 $0x108;
	s8 =	sld [smem:$0x3FAF]  }
0x2e: {  	s3 =	simm.s32 @!p0 $0x1082;
	s9 =	sld [smem:$0x3FB0]  }
0x2f: {  	lr =	sadd.s32 s0, s3;
	s0 =	sld [smem:$0x3FA7]  }
0x30: {  	s3 =	sld [smem:$0x3FAA]  }
0x31: {  	[smem:$0x3FB3] =	sst s10  }
0x32: {  	s10 =	sld [smem:$0x3FB1];
	_ =	sdelay $0x3  }
0x33: {  	p0 =	seq.s32 s10, $0x1;
	s10 =	sld [smem:$0x3FB3];
	_ =	sdelay $0x3  }
0x34: {  	[smem:$0x3FB3] =	sst s10  }
0x35: {  	s10 =	sld [smem:$0x3FB2];
	_ =	sdelay $0x3  }
0x36: {  	p1 =	seq.s32 s10, $0x1;
	s10 =	sld [smem:$0x3FB3];
	_ =	sdelay $0x3  }
0x37: {  	[smem:$0x3FB3] =	sst s10  }
0x38: {  	s10 =	sld [smem:$0x3FB4]  }
0x39: {  	_ = 	snop;
	(pc) =	sbr.ind lr, $3  }
0x3a: {  	_ = 	snop  }
0x3b: {  	_ = 	snop  }
0x3c: {  	p2 =	seq.s32 s10, $0x1;
	s10 =	sld [smem:$0x3FB3]  }
0x3d: {  	_ =	shalt  }
0x3e: {  	_ =	shalt  }
0x3f: {  	_ =	shalt  }
0x40: {  	_ =	shalt  }
0x41: {  	_ =	shalt  }
0x42: {  	_ =	shalt  }
0x43: {  	_ =	shalt  }
0x44: {  	_ =	shalt  }
0x45: {  	_ =	shalt  }
0x46: {  	_ =	shalt  }
0x47: {  	_ =	shalt  }
0x48: {  	_ =	shalt  }
0x49: {  	_ =	shalt  }
0x4a: {  	_ =	shalt  }
0x4b: {  	_ =	shalt  }
0x4c: {  	_ =	shalt  }
0x4d: {  	_ =	shalt  }
0x4e: {  	_ =	shalt  }
0x4f: {  	_ =	shalt  }
0x50: {  	_ =	shalt  }
0x51: {  	_ =	shalt  }
0x52: {  	_ =	shalt  }
0x53: {  	_ =	shalt  }
0x54: {  	_ =	shalt  }
0x55: {  	_ =	shalt  }
0x56: {  	_ =	shalt  }
0x57: {  	_ =	shalt  }
0x58: {  	_ =	shalt  }
0x59: {  	_ =	shalt  }
0x5a: {  	_ =	shalt  }
0x5b: {  	_ =	shalt  }
0x5c: {  	_ =	shalt  }
0x5d: {  	_ =	shalt  }
0x5e: {  	_ =	shalt  }
0x5f: {  	_ =	shalt  }
0x60: {  	_ =	shalt  }
0x61: {  	_ =	shalt  }
0x62: {  	_ =	shalt  }
0x63: {  	_ =	shalt  }
0x64: {  	_ =	shalt  }
0x65: {  	_ =	shalt  }
0x66: {  	_ =	shalt  }
0x67: {  	_ =	shalt  }
0x68: {  	_ =	shalt  }
0x69: {  	_ =	shalt  }
0x6a: {  	_ =	shalt  }
0x6b: {  	_ =	shalt  }
0x6c: {  	_ =	shalt  }
0x6d: {  	_ =	shalt  }
0x6e: {  	_ =	shalt  }
0x6f: {  	_ =	shalt  }
0x70: {  	_ =	shalt  }
0x71: {  	_ =	shalt  }
0x72: {  	_ =	shalt  }
0x73: {  	_ =	shalt  }
0x74: {  	_ =	shalt  }
0x75: {  	_ =	shalt  }
0x76: {  	_ =	shalt  }
0x77: {  	_ =	shalt  }
0x78: {  	_ =	shalt  }
0x79: {  	_ =	shalt  }
0x7a: {  	_ =	shalt  }
0x7b: {  	_ =	shalt  }
0x7c: {  	_ =	shalt  }
0x7d: {  	_ =	shalt  }
0x7e: {  	_ =	shalt  }
0x7f: {  	_ =	shalt  }
0x80: {  	_ =	shalt  }
0x81: {  	_ =	shalt  }
0x82: {  	_ =	shalt  }
0x83: {  	_ =	shalt  }
0x84: {  	_ =	shalt  }
0x85: {  	_ =	shalt  }
0x86: {  	_ =	shalt  }
0x87: {  	_ =	shalt  }
.Lfunc_end0:
.L_simem_size_0:
called_computation_lowered:
.L_overlay_start_0:
0x88: {  	s2 =	sld [smem:$0x3FD9]  }
0x89: {  	s3 =	sld [smem:$0x3FFE];
	_ =	sdelay $0x1  }
0x8a: {  	s1 =	srdreg.scid  }
0x8b: {  	s0 =	sand.u32 $0x1, s1  }
0x8c: {  	s17 =	sshll.u32 s0, $0xA;
	s2 =	sadd.s32 s3, s2  }
0x8d: {  	s2 =	sadd.s32 s2, s17  }
0x8e: {  	[smem:$0x3FBF] =	sst s2  }
0x8f: {  	_ = 	snop  }
0x90: {  	(tm) =	ssettm $0x1  }
0x91: {  	s18 =	sld [smem:$0x3FFB];
	_ =	sdelay $0x3  }
0x92: {  	_ =	strace s18  }
0x93: {  	s2 =	sld [smem:$0x3FFC];
	_ =	sdelay $0x3  }
0x94: {  	_ =	strace s2  }
0x95: {  	s2 =	sld [smem:$0x3FFD];
	_ =	sdelay $0x3  }
0x96: {  	_ =	strace s2  }
0x97: {  	_ =	strace $0x8FFFFFFF  }
0x98: {  	s19 =	sld [smem:$0x3FDB];
	_ =	sdelay $0x1  }
0x99: {  	s20 =	simm.s32 $_scs_section_size  }
0x9a: {  	s4 =	simm.s32 $_size__tile_overlayer_lowered;
	s5 =	simm.s32 $_tile_overlayer_lowered  }
0x9b: {  	s6 =	simm.s32 $0x1BFF;
	s21 =	sshll.u32 s5, $0x1;
	s3 =	sadd.s32 s20, s19  }
0x9c: {  	s22 =	simm.s32 $0x0;
	s4 =	sshll.u32 s4, $0x1;
	s5 =	sadd.s32 s21, s3  }
0x9d: {  	[timem:s22], [sflag:s6] =	dma.local [hbm:s5], s4  }
0x9e: {  	_ =	swait.ge [sflag:s6], s4  }
0x9f: {  	s4 =	ssub.s32 $0x0, s4;
	[sflag:s6] =	ssyncset.done $0x0  }
0xa0: {  	[sflag:s6] =	ssyncadd.s32 s4;
	_ =	sdelay $0x1  }
0xa1: {  	s23 =	simm.s32 $0x1B8B  }
0xa2: {  	_ =	swait.ge [sflag:s23], $0x1  }
0xa3: {  	[sflag:s23] =	ssyncset.done $0x0  }
0xa4: {  	[sflag:s23] =	ssyncadd.s32 $0xFFFFFFFF  }
0xa5: {  	s4 =	sld [smem:$0x0]  }
0xa6: {  	s5 =	sand.u32 $0xFFFFFFFE, s1  }
0xa7: {  	p0 =	sne.s32 s1, s5  }
0xa8: {  	s5 =	sshll.u32 @p0 s5, $0xE  }
0xa9: {  	s5 =	sadd.s32 @p0 $0x11B8D, s5;
	s6 =	sshll.u32 @p0 s4, $0x11  }
0xaa: {  	s5 =	sor.u32 @p0 s6, s5  }
0xab: {  	[sflag:s5] =	ssyncadd.remote.s32 @p0 $0x1;
	_ =	sdelay $0x1  }
0xac: {  	s5 =	simm.s32 @p0 $0x1B8D  }
0xad: {  	_ =	swait.eq @p0 [sflag:s5], $0x1  }
0xae: {  	[sflag:s5] =	ssyncadd.s32 @p0 $0xFFFFFFFF  }
0xaf: {  	s6 =	sshll.u32 @!p0 s1, $0xE  }
0xb0: {  	s6 =	sor.u32 @!p0 $0x4000, s6;
	s5 =	simm.s32 @!p0 $0x1B8D  }
0xb1: {  	s4 =	sshll.u32 @!p0 s4, $0x11;
	s6 =	sadd.s32 @!p0 $0x11B8D, s6;
	_ =	swait.eq @!p0 [sflag:s5], $0x1  }
0xb2: {  	s4 =	sor.u32 @!p0 s4, s6;
	[sflag:s5] =	ssyncadd.s32 @!p0 $0xFFFFFFFF  }
0xb3: {  	s25 =	simm.s32 $0x1B8E;
	s24 =	sld [smem:$0x3FFE];
	[sflag:s4] =	ssyncadd.remote.s32 @!p0 $0x1  }
0xb4: {  	s26 =	simm.s32 $execute0_lowered;
	[smem:$0x3FD2] =	sst s25  }
0xb5: {  	s5 =	sshll.u32 s26, $0x1;
	_ =	strace $0x80000049;
	[dreg:$0x1] =	wrdreg $0xFFFFFFFF  }
0xb6: {  	s28 =	simm.s32 $_size_execute0_lowered;
	s3 =	sadd.s32 s3, s5;
	[dreg:$0x0] =	wrdreg $0x0  }
0xb7: {  	s5 =	sshll.u32 s28, $0x1;
	[dreg:$0x2] =	wrdreg s3  }
0xb8: {  	[dreg:$0x3] =	wrdreg s5  }
0xb9: {  	[dreg:$0x4] =	wrdreg $0xC0  }
0xba: {  	_ =	task [dreg:s22], $0x5FFFF  }
0xbb: {  	[dreg:$0x1] =	wrdreg $0xFFFFFFFF  }
0xbc: {  	[dreg:$0x0] =	wrdreg $0x60  }
0xbd: {  	[dreg:$0x2] =	wrdreg s24  }
0xbe: {  	[dreg:$0x3] =	wrdreg $0xA8000  }
0xbf: {  	[dreg:$0x4] =	wrdreg $0x9  }
0xc0: {  	_ =	task.clear_ibuf [dreg:s22], $0x5FFFF;
	_ =	strace $0x90000049  }
0xc1: {  	s29 =	simm.s32 $0x9;
	_ =	strace $0x8000004B  }
0xc2: {  	_ =	swait.ge [sflag:s29], $0x1  }
0xc3: {  	[sflag:s29] =	ssyncadd.s32 $0xFFFFFFFF  }
0xc4: {  	_ =	strace $0x9000004B  }
0xc5: {  	_ =	sfence  }
0xc6: {  	s30 =	sld [smem:$0x0];
	_ =	sdelay $0x2  }
0xc7: {  	s31 =	sshll.u32 s1, $0xD;
	s1 =	sshrl.u32 s1, $0x2  }
0xc8: {  	s4 =	sand.u32 $0x4000, s31;
	s1 =	sadd.s32 s1, s30  }
0xc9: {  	s0 =	sor.u32 s4, s0;
	s1 =	sshll.u32 s1, $0x11  }
0xca: {  	s0 =	sor.u32 s1, s0  }
0xcb: {  	s0 =	sadd.s32 $0x8F2B, s0  }
0xcc: {  	[sflag:s0] =	ssyncadd.remote.s32 $0x1  }
0xcd: {  	_ =	sfence.sel $0xFFFF  }
0xce: {  	[dreg:$0x0] =	wrdreg $0xFFFFFFFF;
	(pc) =	sbr.abs _section_cstart, $3  }
0xcf: {  	[dreg:$0x1] =	wrdreg $0xFFFFFFFF  }
0xd0: {  	_ =	task.clear_ibuf [dreg:s22], $0x2FFFF;
	_ =	strace $0x9FFFFFFF  }
0xd1: {  	(tm) =	ssettm $0x7FFFFFFF  }
tec
execute0_lowered:
.L_overlay_start_1:
0x0: {  	(tag) =	ssettag $0x1  }
0x1: {  	s6 =	rddreg [dreg:$0x0]  }
0x2: {  	s2 =	rddreg [dreg:$0x1]  }
0x3: {  	s0 =	rddreg [dreg:$0x2];
	s3 =	simm.s32 $0x0;
	s1 =	stileid.u32  }
0x4: {  	s5 =	srdreg.scid;
	s15 =	simm.s32 $0x50;
	s16 =	simm.s32 $0x80  }
0x5: {  	s17 =	simm.s32 $0x100;
	s18 =	simm.s32 $0x180;
	s19 =	simm.s32 $0x200  }
0x6: {  	s20 =	simm.s32 $0x280;
	s21 =	simm.s32 $0x300;
	s24 =	simm.s32 $0x0  }
0x7: {  	[smem:$0x7FF] =	sst s3;
	s4 =	sshll.u32 s1, $0xC;
	s8 =	sand.u32 $0x1, s5  }
0x8: {  	s5 =	sadd.s32 $0x4B400, s6;
	s11 =	smul.u32 $0x27000, s1;
	s12 =	sadd.s32 $0x4D000, s6  }
0x9: {  	s28 =	smul.u32 $0x138, s1;
	s30 =	sshll.u32 s1, $0x6;
	s14 =	sadd.s32 $0x9C000, s2  }
0xa: {  	p0 =	sne.s32 s1, $0xF;
	_ =	strace $0x8000004A;
	s7 =	sadd.s32 s4, s6  }
0xb: {  	s4 =	sadd.s32 $0x4BA00, s6;
	s9 =	ssub.s32 $0x2, s8;
	s22 =	smul.u32 $0x1388, s8  }
0xc: {  	s8 =	smul.u32 $0x9C400, s8;
	s6 =	sor.u32 $0x1C02, s30;
	s10 =	sshrl.u32 s9, $0x1  }
0xd: {  	s29 =	sshrl.u32 s11, $0x2;
	s7 =	sadd.s32 $0x2C00, s7;
	s10 =	ssub.s32 s9, s10  }
0xe: {  	s13 =	sadd.s32 s29, s2;
	s9 =	sadd.s32 s28, s22;
	s8 =	sshrl.u32 s8, $0x3  }
0xf: {  	s23 =	sadd.s32 $0x1388, s22;
	v0 =	vmov s22;
	s22 =	simm.s32 $0x380;
	s9 =	sshll.u32 s9, $0x4  }
0x10: {  	s31 =	sadd.s32 s12, s8;
	s10 =	smax.u32 s10, $0x1;
	s11 =	sshrl.u32 s13, $0x3  }
0x11: {  	s13 =	sshrl.u32 @!p0 s14, $0x3;
	s14 =	simm.s32 $0x8000;
	v1 =	vmov s23;
	s23 =	simm.s32 $0x1  }
0x12: {  	s8 =	sadd.s32 s12, s9;
	s9 =	sadd.s32 $0x13800, s31;
	s12 =	simm.s32 $0x2  }
.LBB2_1:
0x13: {  	[spmem:s11], [sflag:s6] =	dma.local [hbm:s4], $0x1380  }
0x14: {  	_ =	swait.ge [sflag:s12], $0x1380  }
0x15: {  	[sflag:s12] =	ssyncset.done $0x0  }
0x16: {  	s25 =	simm.s32 @!p0 $0x2;
	[sflag:s12] =	ssyncadd.s32 $0xFFFFEC80  }
0x17: {  	[spmem:s13], [sflag:s6] =	dma.local @!p0 [hbm:s4], $0x100  }
0x18: {  	_ =	swait.ge @!p0 [sflag:s25], $0x100  }
0x19: {  	[sflag:s25] =	ssyncset.done @!p0 $0x0  }
0x1a: {  	[sflag:s25] =	ssyncadd.s32 @!p0 $0xFFFFFF00  }
0x1b: {  	[tilespmem:s14], [sflag:$0x2] =	stream.linear.gather [hbm4b:s5+s3], $0x2800, $0x38;
	[tilespmem:$0xBB90] =	vst v63  }
0x1c: {  	_ =	swait.ge [sflag:s12], $0x2800  }
0x1d: {  	[sflag:s12] =	ssyncset.done $0x0  }
0x1e: {  	[sflag:s12] =	ssyncadd.s32 $0xFFFFD800  }
0x1f: {  	[tilespmem:s3], [sflag:$0x2] =	stream.linear.gather [hbm4b:s7+s3], $0x7D00, $0x38;
	[tilespmem:$0xBB90] =	vst v63  }
0x20: {  	_ =	swait.ge [sflag:s12], $0x7D00  }
0x21: {  	[sflag:s12] =	ssyncset.done $0x0  }
0x22: {  	s25 =	simm.s32 $0x0;
	[sflag:s12] =	ssyncadd.s32 $0xFFFF8300  }
0x23: {  	v2 =	vld [tilespmem:s25+$0x40];
	_ =	sdelay $0x2  }
0x24: {  	v6 =	vld [tilespmem:s25+$0x20]  }
0x25: {  	v4 =	vld [tilespmem:s25+$0x10]  }
0x26: {  	vm0 =	vge.s32 v2, v0;
	vm1 =	vlt.s32 v2, v1  }
0x27: {  	v3 =	vld [tilespmem:s25+$0x0];
	v5 =	vsub.s32 v2, v0;
	vm0 =	vmand vm0, vm1  }
0x28: {  	v2 =	vld [tilespmem:s25+$0x30];
	v7 =	vnsel vm0, $0x1388, v5  }
0x29: {  	s26 =	simm.s32 $0x200;
	vm1 =	vlt.s32 v6, v1;
	v5 =	vsub.s32 v6, v0;
	vm0 =	vge.s32 v6, v0;
	[tilespmem:s25+$0x40] =	vst v7  }
.LBB2_2:
0x2a: {  	s28 =	sshra.s32 s26, $0x2;
	p1 =	sne.s32 s26, $0x1F200;
	s26 =	sadd.s32 $0x200, s26;
	v6 =	vsub.s32 v4, v0;
	vm2 =	vge.s32 v4, v0;
	vm3 =	vlt.s32 v4, v1  }
0x2b: {  	vm0 =	vmand vm0, vm1;
	v7 =	vld [tilespmem:s28+$0x40];
	vm2 =	vmand vm2, vm3  }
0x2c: {  	v5 =	vnsel vm0, $0x1388, v5;
	v4 =	vnsel vm2, $0x1388, v6  }
0x2d: {  	vm0 =	vge.s32 v3, v0;
	vm1 =	vlt.s32 v3, v1;
	[tilespmem:s25+$0x20] =	vst v5;
	vm2 =	vge.s32 v2, v0  }
0x2e: {  	v3 =	vsub.s32 v3, v0;
	vm0 =	vmand vm0, vm1;
	vm1 =	vlt.s32 v2, v1;
	v6 =	vld [tilespmem:s28+$0x20];
	[tilespmem:s25+$0x10] =	vst v4  }
.Ltmp0:
0x2f: {  	v2 =	vsub.s32 v2, v0;
	v3 =	vnsel vm0, $0x1388, v3;
	vm0 =	vmand vm2, vm1;
	v4 =	vld [tilespmem:s28+$0x10];
	(pc) =	sbr.rel @p1 .LBB2_2-.Ltmp0, $4  }
0x30: {  	v2 =	vnsel vm0, $0x1388, v2;
	vm1 =	vge.s32 v7, v0;
	vm2 =	vlt.s32 v7, v1;
	[tilespmem:s25+$0x0] =	vst v3  }
0x31: {  	v5 =	vsub.s32 v7, v0;
	v3 =	vld [tilespmem:s28+$0x0];
	vm0 =	vmand vm1, vm2;
	[tilespmem:s25+$0x30] =	vst v2;
	s25 =	smov.u32 s28  }
0x32: {  	v2 =	vld [tilespmem:s25+$0x30];
	v7 =	vnsel vm0, $0x1388, v5  }
0x33: {  	v5 =	vsub.s32 v6, v0;
	vm0 =	vge.s32 v6, v0;
	vm1 =	vlt.s32 v6, v1;
	[tilespmem:s25+$0x40] =	vst v7  }
0x34: {  	vm2 =	vge.s32 v4, v0;
	vm3 =	vlt.s32 v4, v1  }
0x35: {  	v63 =	vsub.s32 v4, v0;
	vm0 =	vmand vm0, vm1;
	vm2 =	vmand vm2, vm3  }
0x36: {  	v5 =	vnsel vm0, $0x1388, v5;
	v4 =	vnsel vm2, $0x1388, v63  }
0x37: {  	vm11 =	vge.s32 v3, v0;
	vm12 =	vlt.s32 v3, v1;
	v3 =	vsub.s32 v3, v0  }
0x38: {  	[tilespmem:s25+$0x20] =	vst v5;
	vm13 =	vge.s32 v2, v0;
	vm0 =	vmand vm11, vm12;
	vm14 =	vlt.s32 v2, v1  }
0x39: {  	[tilespmem:s25+$0x10] =	vst v4;
	v2 =	vsub.s32 v2, v0;
	v3 =	vnsel vm0, $0x1388, v3;
	vm15 =	vmand vm13, vm14  }
0x3a: {  	[tilespmem:s25+$0x0] =	vst v3;
	v2 =	vnsel vm15, $0x1388, v2  }
0x3b: {  	[tilespmem:s25+$0x30] =	vst v2  }
0x3c: {  	[bflag:$0x0] =	sbarrier.arrive $0xFFFF  }
0x3d: {  	[spmem:s2] =	stream.indirect.scatter.add.f32 [tilespmem:s14], [sflag:$0x1], $0x10, s3, s15, $0xb8;
	[tilespmem:$0xBB90] =	vst v63  }
0x3e: {  	_ = 	snop  }
0x3f: {  	[spmem:s2] =	stream.indirect.scatter.add.f32 [tilespmem:s14], [sflag:$0x1], $0x10, s16, s15, $0xb8;
	[tilespmem:$0xBB90] =	vst v63  }
0x40: {  	_ = 	snop  }
0x41: {  	[spmem:s2] =	stream.indirect.scatter.add.f32 [tilespmem:s14], [sflag:$0x1], $0x10, s17, s15, $0xb8;
	[tilespmem:$0xBB90] =	vst v63  }
0x42: {  	_ = 	snop  }
0x43: {  	[spmem:s2] =	stream.indirect.scatter.add.f32 [tilespmem:s14], [sflag:$0x1], $0x10, s18, s15, $0xb8;
	[tilespmem:$0xBB90] =	vst v63  }
0x44: {  	_ = 	snop  }
0x45: {  	[spmem:s2] =	stream.indirect.scatter.add.f32 [tilespmem:s14], [sflag:$0x1], $0x10, s19, s15, $0xb8;
	[tilespmem:$0xBB90] =	vst v63  }
0x46: {  	_ = 	snop  }
0x47: {  	[spmem:s2] =	stream.indirect.scatter.add.f32 [tilespmem:s14], [sflag:$0x1], $0x10, s20, s15, $0xb8;
	[tilespmem:$0xBB90] =	vst v63  }
0x48: {  	_ = 	snop  }
0x49: {  	[spmem:s2] =	stream.indirect.scatter.add.f32 [tilespmem:s14], [sflag:$0x1], $0x10, s21, s15, $0xb8;
	[tilespmem:$0xBB90] =	vst v63  }
0x4a: {  	_ = 	snop  }
0x4b: {  	[spmem:s2] =	stream.indirect.scatter.add.f32 [tilespmem:s14], [sflag:$0x1], $0x10, s22, s15, $0xb8;
	[tilespmem:$0xBB90] =	vst v63  }
0x4c: {  	_ =	swait.ge [sflag:s23], $0x500  }
0x4d: {  	[sflag:s23] =	ssyncset.done $0x0  }
0x4e: {  	s26 =	simm.s32 $0x400;
	s25 =	simm.s32 $0x1200;
	[sflag:s23] =	ssyncadd.s32 $0xFFFFFB00  }
.LBB2_4:
0x4f: {  	[spmem:s2] =	stream.indirect.scatter.add.f32 [tilespmem:s14], [sflag:$0x1], $0x10, s26, s15, $0xb8;
	[tilespmem:$0xBB90] =	vst v63  }
0x50: {  	s26 =	smov.u32 s25;
	p1 =	sne.s32 s25, $0x1F200  }
.Ltmp1:
0x51: {  	s25 =	sadd.s32 $0x200, s25;
	(pc) =	sbr.rel @p1 .LBB2_4-.Ltmp1, $4  }
0x52: {  	_ = 	snop  }
0x53: {  	_ =	swait.ge [sflag:s23], $0x500  }
0x54: {  	[sflag:s23] =	ssyncset.done $0x0  }
0x55: {  	s26 =	sshra.s32 s26, $0x2;
	[sflag:s23] =	ssyncadd.s32 $0xFFFFFB00  }
0x56: {  	[spmem:s2] =	stream.indirect.scatter.add.f32 [tilespmem:s14], [sflag:$0x1], $0x10, s26, s15, $0xb8;
	[tilespmem:$0xBB90] =	vst v63  }
0x57: {  	_ =	swait.ge [sflag:s23], $0x500  }
0x58: {  	[sflag:s23] =	ssyncset.done $0x0  }
0x59: {  	[sflag:s23] =	ssyncadd.s32 $0xFFFFFB00  }
0x5a: {  	_ =	swait.ge [sflag:s23], $0x500  }
0x5b: {  	[sflag:s23] =	ssyncset.done $0x0  }
0x5c: {  	[sflag:s23] =	ssyncadd.s32 $0xFFFFFB00  }
0x5d: {  	_ =	swait.ge [sflag:s23], $0x500  }
0x5e: {  	[sflag:s23] =	ssyncset.done $0x0  }
0x5f: {  	[sflag:s23] =	ssyncadd.s32 $0xFFFFFB00  }
0x60: {  	_ =	swait.ge [sflag:s23], $0x500  }
0x61: {  	[sflag:s23] =	ssyncset.done $0x0  }
0x62: {  	[sflag:s23] =	ssyncadd.s32 $0xFFFFFB00  }
0x63: {  	_ =	swait.ge [sflag:s23], $0x500  }
0x64: {  	[sflag:s23] =	ssyncset.done $0x0  }
0x65: {  	[sflag:s23] =	ssyncadd.s32 $0xFFFFFB00  }
0x66: {  	_ =	swait.ge [sflag:s23], $0x500  }
0x67: {  	[sflag:s23] =	ssyncset.done $0x0  }
0x68: {  	[sflag:s23] =	ssyncadd.s32 $0xFFFFFB00  }
0x69: {  	_ =	swait.ge [sflag:s23], $0x500  }
0x6a: {  	[sflag:s23] =	ssyncset.done $0x0  }
0x6b: {  	[sflag:s23] =	ssyncadd.s32 $0xFFFFFB00  }
0x6c: {  	_ =	swait.ge [sflag:s23], $0x500  }
0x6d: {  	[sflag:s23] =	ssyncset.done $0x0  }
0x6e: {  	[sflag:s23] =	ssyncadd.s32 $0xFFFFFB00  }
0x6f: {  	[bflag:$0x0] =	sbarrier.arrive $0xFFFF  }
0x70: {  	[hbm:s8], [sflag:s6] =	dma.local [spmem:s11], $0x1380  }
0x71: {  	s24 =	sadd.s32 $0x1, s24;
	_ =	swait.ge [sflag:s12], $0x1380  }
0x72: {  	p1 =	sne.s32 s24, s10;
	[sflag:s12] =	ssyncset.done $0x0  }
.Ltmp2:
0x73: {  	s25 =	simm.s32 @!p0 $0x2;
	[sflag:s12] =	ssyncadd.s32 $0xFFFFEC80;
	(pc) =	sbr.rel @p1 .LBB2_1-.Ltmp2, $4  }
0x74: {  	[hbm:s9], [sflag:s6] =	dma.local @!p0 [spmem:s13], $0x80  }
0x75: {  	_ =	swait.ge @!p0 [sflag:s25], $0x80  }
0x76: {  	[sflag:s25] =	ssyncset.done @!p0 $0x0  }
0x77: {  	[sflag:s25] =	ssyncadd.s32 @!p0 $0xFFFFFF80  }
0x78: {  	_ =	sfence.sel $0x180000  }
0x79: {  	[bflag:$0x0] =	sbarrier.arrive $0xFFFF  }
0x7a: {  	p0 =	sne.s32 s1, $0x0;
	_ =	strace $0x9000004A  }
0x7b: {  	s0 =	sadd.s32 @!p0 $0x100000, s0;
	[bflag:$0x2] =	sbarrier.arrive $0xFFFF  }
0x7c: {  	[sflag:s0] =	ssyncadd.tile.s32 @!p0 $0x1;
	_ =	shalt  }
.Lfunc_end2:
_tile_overlayer_lowered:
.L_overlay_start_2:
0x7d: {  	(tag) =	ssettag $0x2  }
0x7e: {  	s0 =	rddreg [dreg:$0x0];
	s2 =	stileid.u32  }
0x7f: {  	s1 =	rddreg [dreg:$0x1];
	p0 =	sne.s32 s2, $0x0  }
0x80: {  	s3 =	rddreg [dreg:$0x2];
	[bflag:$0x3] =	sbarrier.arrive $0xFFFF;
	s2 =	simm.s32 @!p0 $0x1C02  }
0x81: {  	[timem:s3], [sflag:s2] =	dma.local @!p0 [hbm:s0], s1  }
0x82: {  	s0 =	simm.s32 @!p0 $0x2  }
0x83: {  	_ =	swait.ge @!p0 [sflag:s0], s1  }
0x84: {  	s1 =	ssub.s32 @!p0 $0x0, s1;
	[sflag:s0] =	ssyncset.done @!p0 $0x0  }
0x85: {  	[sflag:s0] =	ssyncadd.s32 @!p0 s1  }
0x86: {  	[bflag:$0x3] =	sbarrier.arrive $0xFFFF  }
0x87: {  	_ =	shalt  }

// kernel: seg_sum.4.cloned.1.call-start
scs
__scs_entry_jumppad:
0x0: {  	(pc) =	sbr.rel $0x88, $3  }
0x1: {  	(tag) =	ssettag $0x0;
	lr =	simm.s32 $0x1  }
0x2: {  	[smem:$0x3F98] =	sst lr;
	_ =	strace $0xD0000000  }
0x3: {  	_ = 	snop  }
0x4: {  	_ = 	snop  }
0x5: {  	_ = 	snop  }
0x6: {  	_ = 	snop  }
0x7: {  	_ = 	snop  }
__scs_overlays_trampoline_lowered:
0x8: {  	[smem:$0x3FA7] =	sst s0  }
0x9: {  	[smem:$0x3FA8] =	sst s1  }
0xa: {  	[smem:$0x3FA9] =	sst s2  }
0xb: {  	[smem:$0x3FAA] =	sst s3  }
0xc: {  	[smem:$0x3FAB] =	sst s4  }
0xd: {  	[smem:$0x3FAC] =	sst s5  }
0xe: {  	[smem:$0x3FAD] =	sst s6  }
0xf: {  	[smem:$0x3FAE] =	sst s7  }
0x10: {  	[smem:$0x3FAF] =	sst s8  }
0x11: {  	[smem:$0x3FB0] =	sst s9;
	s0 =	simm.s32 @!p0 $0x0  }
0x12: {  	s1 =	sld [smem:$0x3F96];
	s0 =	simm.s32 @p0 $0x1  }
0x13: {  	[smem:$0x3FB1] =	sst s0;
	s0 =	simm.s32 @!p1 $0x0  }
0x14: {  	s2 =	sld [smem:$0x3F95];
	s0 =	simm.s32 @p1 $0x1  }
0x15: {  	[smem:$0x3FB2] =	sst s0;
	s0 =	simm.s32 @!p2 $0x0  }
0x16: {  	s3 =	sld [smem:$0x3FDB];
	s0 =	simm.s32 @p2 $0x1  }
0x17: {  	s4 =	simm.s32 $0x1BF5;
	[smem:$0x3FB4] =	sst s0  }
0x18: {  	s0 =	sld [smem:$0x3F97];
	_ =	swait.ge [sflag:s4], $0x0  }
0x19: {  	s7 =	sld [smem:$0x3F98]  }
0x1a: {  	s8 =	sadd.s32 $0xFFFFE003, lr  }
0x1b: {  	s9 =	sadd.s32 $0xFFFFFEF7, lr;
	s5 =	simm.s32 $0xFFFFFFFF;
	p2 =	slt.u32 s8, $0xFFFFF086  }
0x1c: {  	p1 =	slt.u32 s9, $0xF7A;
	s5 =	simm.s32 @!p2 $0x0  }
0x1d: {  	s5 =	simm.s32 @p1 $0x1;
	p0 =	seq.s32 s7, s2  }
0x1e: {  	s7 =	smul.u32 @!p0 $0xF7A, s2;
	p2 =	seq.s32 @!p0 s5, $0x0  }
0x1f: {  	s9 =	smul.u32 $0xF7A, s1;
	s8 =	simm.s32 @!p0 $0x1BF5;
	p2 =	por !p2, p0  }
0x20: {  	[sflag:s8] =	ssyncset.s32 @!p0 $0xFFFFF086;
	s6 =	sadd.s32 @!p0 s3, s7;
	s7 =	simm.s32 @!p0 $0x108  }
0x21: {  	s3 =	sadd.s32 s3, s9;
	s6 =	sadd.s32 @!p0 $0x88, s6;
	s7 =	simm.s32 @p2 $0x1082  }
0x22: {  	[simem:s7], [sflag:s8] =	dma.local @!p0 [hbm:s6], $0xF7A  }
0x23: {  	s9 =	sor.u32 $0xD0000000, s2;
	s6 =	simm.s32 $0x108;
	_ =	swait.ge @!p0 [sflag:s8], $0x0  }
0x24: {  	s3 =	sadd.s32 $0x88, s3;
	s6 =	simm.s32 @!p1 $0x1082;
	[sflag:s4] =	ssyncset.s32 $0xFFFFF086  }
0x25: {  	[simem:s6], [sflag:s4] =	dma.local [hbm:s3], $0xF7A  }
0x26: {  	[smem:$0x3F98] =	sst s1;
	(tag) =	ssettag s2;
	_ =	strace s9  }
0x27: {  	s1 =	sld [smem:$0x3FA8]  }
0x28: {  	s2 =	sld [smem:$0x3FA9]  }
0x29: {  	s4 =	sld [smem:$0x3FAB]  }
0x2a: {  	p0 =	seq.s32 s5, $0x0;
	s5 =	sld [smem:$0x3FAC]  }
0x2b: {  	s6 =	sld [smem:$0x3FAD]  }
0x2c: {  	s7 =	sld [smem:$0x3FAE]  }
0x2d: {  	s3 =	simm.s32 $0x108;
	s8 =	sld [smem:$0x3FAF]  }
0x2e: {  	s3 =	simm.s32 @!p0 $0x1082;
	s9 =	sld [smem:$0x3FB0]  }
0x2f: {  	lr =	sadd.s32 s0, s3;
	s0 =	sld [smem:$0x3FA7]  }
0x30: {  	s3 =	sld [smem:$0x3FAA]  }
0x31: {  	[smem:$0x3FB3] =	sst s10  }
0x32: {  	s10 =	sld [smem:$0x3FB1];
	_ =	sdelay $0x3  }
0x33: {  	p0 =	seq.s32 s10, $0x1;
	s10 =	sld [smem:$0x3FB3];
	_ =	sdelay $0x3  }
0x34: {  	[smem:$0x3FB3] =	sst s10  }
0x35: {  	s10 =	sld [smem:$0x3FB2];
	_ =	sdelay $0x3  }
0x36: {  	p1 =	seq.s32 s10, $0x1;
	s10 =	sld [smem:$0x3FB3];
	_ =	sdelay $0x3  }
0x37: {  	[smem:$0x3FB3] =	sst s10  }
0x38: {  	s10 =	sld [smem:$0x3FB4]  }
0x39: {  	_ = 	snop;
	(pc) =	sbr.ind lr, $3  }
0x3a: {  	_ = 	snop  }
0x3b: {  	_ = 	snop  }
0x3c: {  	p2 =	seq.s32 s10, $0x1;
	s10 =	sld [smem:$0x3FB3]  }
0x3d: {  	_ =	shalt  }
0x3e: {  	_ =	shalt  }
0x3f: {  	_ =	shalt  }
0x40: {  	_ =	shalt  }
0x41: {  	_ =	shalt  }
0x42: {  	_ =	shalt  }
0x43: {  	_ =	shalt  }
0x44: {  	_ =	shalt  }
0x45: {  	_ =	shalt  }
0x46: {  	_ =	shalt  }
0x47: {  	_ =	shalt  }
0x48: {  	_ =	shalt  }
0x49: {  	_ =	shalt  }
0x4a: {  	_ =	shalt  }
0x4b: {  	_ =	shalt  }
0x4c: {  	_ =	shalt  }
0x4d: {  	_ =	shalt  }
0x4e: {  	_ =	shalt  }
0x4f: {  	_ =	shalt  }
0x50: {  	_ =	shalt  }
0x51: {  	_ =	shalt  }
0x52: {  	_ =	shalt  }
0x53: {  	_ =	shalt  }
0x54: {  	_ =	shalt  }
0x55: {  	_ =	shalt  }
0x56: {  	_ =	shalt  }
0x57: {  	_ =	shalt  }
0x58: {  	_ =	shalt  }
0x59: {  	_ =	shalt  }
0x5a: {  	_ =	shalt  }
0x5b: {  	_ =	shalt  }
0x5c: {  	_ =	shalt  }
0x5d: {  	_ =	shalt  }
0x5e: {  	_ =	shalt  }
0x5f: {  	_ =	shalt  }
0x60: {  	_ =	shalt  }
0x61: {  	_ =	shalt  }
0x62: {  	_ =	shalt  }
0x63: {  	_ =	shalt  }
0x64: {  	_ =	shalt  }
0x65: {  	_ =	shalt  }
0x66: {  	_ =	shalt  }
0x67: {  	_ =	shalt  }
0x68: {  	_ =	shalt  }
0x69: {  	_ =	shalt  }
0x6a: {  	_ =	shalt  }
0x6b: {  	_ =	shalt  }
0x6c: {  	_ =	shalt  }
0x6d: {  	_ =	shalt  }
0x6e: {  	_ =	shalt  }
0x6f: {  	_ =	shalt  }
0x70: {  	_ =	shalt  }
0x71: {  	_ =	shalt  }
0x72: {  	_ =	shalt  }
0x73: {  	_ =	shalt  }
0x74: {  	_ =	shalt  }
0x75: {  	_ =	shalt  }
0x76: {  	_ =	shalt  }
0x77: {  	_ =	shalt  }
0x78: {  	_ =	shalt  }
0x79: {  	_ =	shalt  }
0x7a: {  	_ =	shalt  }
0x7b: {  	_ =	shalt  }
0x7c: {  	_ =	shalt  }
0x7d: {  	_ =	shalt  }
0x7e: {  	_ =	shalt  }
0x7f: {  	_ =	shalt  }
0x80: {  	_ =	shalt  }
0x81: {  	_ =	shalt  }
0x82: {  	_ =	shalt  }
0x83: {  	_ =	shalt  }
0x84: {  	_ =	shalt  }
0x85: {  	_ =	shalt  }
0x86: {  	_ =	shalt  }
0x87: {  	_ =	shalt  }
.Lfunc_end0:
.L_simem_size_0:
called_computation.1_lowered:
.L_overlay_start_0:
0x88: {  	s2 =	sld [smem:$0x3FD9]  }
0x89: {  	s3 =	sld [smem:$0x3FFE];
	_ =	sdelay $0x1  }
0x8a: {  	s1 =	srdreg.scid  }
0x8b: {  	s0 =	sand.u32 $0x1, s1  }
0x8c: {  	s17 =	sshll.u32 s0, $0xA;
	s2 =	sadd.s32 s3, s2  }
0x8d: {  	s2 =	sadd.s32 s2, s17  }
0x8e: {  	[smem:$0x3FBF] =	sst s2  }
0x8f: {  	_ = 	snop  }
0x90: {  	s2 =	sld [smem:$0x3FD0];
	(tm) =	ssettm $0x1  }
0x91: {  	s18 =	sld [smem:$0x3FFB];
	_ =	sdelay $0x3  }
0x92: {  	_ =	strace s18  }
0x93: {  	s3 =	sld [smem:$0x3FFC];
	_ =	sdelay $0x3  }
0x94: {  	_ =	strace s3  }
0x95: {  	s3 =	sld [smem:$0x3FFD];
	_ =	sdelay $0x3  }
0x96: {  	_ =	strace s3  }
0x97: {  	_ =	strace $0x8FFFFFFF  }
0x98: {  	s19 =	sld [smem:$0x3FDB];
	_ =	sdelay $0x1  }
0x99: {  	s4 =	simm.s32 $_scs_section_size  }
0x9a: {  	s5 =	simm.s32 $_size__tile_overlayer_lowered;
	s6 =	simm.s32 $_tile_overlayer_lowered  }
0x9b: {  	s22 =	simm.s32 $0x1BFF;
	s21 =	sshll.u32 s6, $0x1;
	s3 =	sadd.s32 s4, s19  }
0x9c: {  	s7 =	simm.s32 $0x0;
	s20 =	sshll.u32 s5, $0x1;
	s5 =	sadd.s32 s21, s3  }
0x9d: {  	[timem:s7], [sflag:s22] =	dma.local [hbm:s5], s20  }
0x9e: {  	_ =	swait.ge [sflag:s22], s20  }
0x9f: {  	s4 =	ssub.s32 $0x0, s20;
	[sflag:s22] =	ssyncset.done $0x0  }
0xa0: {  	[sflag:s22] =	ssyncadd.s32 s4;
	_ =	sdelay $0x1  }
0xa1: {  	s23 =	simm.s32 $0x1B8B  }
0xa2: {  	_ =	swait.ge [sflag:s23], $0x1  }
0xa3: {  	[sflag:s23] =	ssyncset.done $0x0  }
0xa4: {  	s25 =	simm.s32 $0x1B8E;
	s24 =	sld [smem:$0x3FFE];
	[sflag:s23] =	ssyncadd.s32 $0xFFFFFFFF  }
0xa5: {  	s26 =	simm.s32 $execute0_lowered;
	[smem:$0x3FD2] =	sst s25  }
0xa6: {  	s5 =	sshll.u32 s26, $0x1;
	_ =	strace $0x80000046;
	[dreg:$0x1] =	wrdreg $0xFFFFFFFF  }
0xa7: {  	s28 =	simm.s32 $_size_execute0_lowered;
	s3 =	sadd.s32 s3, s5;
	[dreg:$0x0] =	wrdreg $0x0  }
0xa8: {  	s5 =	sshll.u32 s28, $0x1;
	[dreg:$0x2] =	wrdreg s3  }
0xa9: {  	[dreg:$0x3] =	wrdreg s5  }
0xaa: {  	[dreg:$0x4] =	wrdreg $0xC0  }
0xab: {  	_ =	task [dreg:s7], $0x5FFFF  }
0xac: {  	[dreg:$0x1] =	wrdreg $0xFFFFFFFF  }
0xad: {  	[dreg:$0x0] =	wrdreg $0x60  }
0xae: {  	[dreg:$0x2] =	wrdreg s2  }
0xaf: {  	[dreg:$0x3] =	wrdreg s24  }
0xb0: {  	[dreg:$0x4] =	wrdreg $0x150000  }
0xb1: {  	[dreg:$0x5] =	wrdreg $0xA  }
0xb2: {  	_ =	task.clear_ibuf [dreg:s7], $0x6FFFF;
	_ =	strace $0x90000046  }
0xb3: {  	s29 =	simm.s32 $0xA;
	_ =	strace $0x80000048  }
0xb4: {  	_ =	swait.ge [sflag:s29], $0x1  }
0xb5: {  	[sflag:s29] =	ssyncadd.s32 $0xFFFFFFFF  }
0xb6: {  	_ =	strace $0x90000048  }
0xb7: {  	_ =	sfence  }
0xb8: {  	s30 =	sld [smem:$0x0];
	_ =	sdelay $0x2  }
0xb9: {  	s31 =	sshll.u32 s1, $0xD;
	s1 =	sshrl.u32 s1, $0x2  }
0xba: {  	s3 =	sand.u32 $0x4000, s31;
	s1 =	sadd.s32 s1, s30  }
0xbb: {  	s0 =	sor.u32 s3, s0;
	s1 =	sshll.u32 s1, $0x11  }
0xbc: {  	s0 =	sor.u32 s1, s0  }
0xbd: {  	s0 =	sadd.s32 $0x8F2B, s0  }
0xbe: {  	[sflag:s0] =	ssyncadd.remote.s32 $0x1  }
0xbf: {  	_ =	sfence.sel $0xFFFF  }
0xc0: {  	[dreg:$0x0] =	wrdreg $0xFFFFFFFF;
	(pc) =	sbr.abs _section_cstart, $3  }
0xc1: {  	[dreg:$0x1] =	wrdreg $0xFFFFFFFF  }
0xc2: {  	_ =	task.clear_ibuf [dreg:s7], $0x2FFFF;
	_ =	strace $0x9FFFFFFF  }
0xc3: {  	(tm) =	ssettm $0x7FFFFFFF  }
tec
execute0_lowered:
.L_overlay_start_1:
0x0: {  	(tag) =	ssettag $0x1  }
0x1: {  	s1 =	rddreg [dreg:$0x0]  }
0x2: {  	s6 =	rddreg [dreg:$0x1]  }
0x3: {  	s3 =	rddreg [dreg:$0x2]  }
0x4: {  	s0 =	rddreg [dreg:$0x3];
	s4 =	simm.s32 $0x0  }
0x5: {  	s2 =	stileid.u32;
	s5 =	srdreg.scid;
	s16 =	simm.s32 $0x50  }
0x6: {  	s17 =	simm.s32 $0x10000;
	s18 =	simm.s32 $0x12800;
	s19 =	simm.s32 $0x1  }
0x7: {  	s20 =	simm.s32 $0x2;
	s21 =	simm.s32 $0x7C80;
	[smem:$0x7FF] =	sst s4  }
0x8: {  	s7 =	sshll.u32 s2, $0xC;
	s8 =	sand.u32 $0x1, s5;
	s11 =	smul.u32 $0x27000, s2  }
0x9: {  	s5 =	sadd.s32 $0x22C00, s6;
	s12 =	sadd.s32 $0x24200, s6;
	s25 =	smul.u32 $0x138, s2  }
0xa: {  	s28 =	sshll.u32 s2, $0x6;
	s15 =	sadd.s32 $0x9C000, s3;
	p0 =	sne.s32 s2, $0xF  }
0xb: {  	_ =	strace $0x80000047;
	s9 =	sadd.s32 s7, s6;
	s22 =	smul.u32 $0x1388, s8  }
0xc: {  	s24 =	ssub.s32 $0x2, s8;
	s8 =	smul.u32 $0x9C400, s8;
	s6 =	sor.u32 $0x1C03, s28  }
0xd: {  	s10 =	sshrl.u32 s24, $0x1;
	s26 =	sshrl.u32 s11, $0x2;
	s7 =	sadd.s32 $0x12C00, s9  }
0xe: {  	s13 =	ssub.s32 s24, s10;
	s14 =	sadd.s32 s26, s3;
	s10 =	sadd.s32 s25, s22  }
0xf: {  	s29 =	sshrl.u32 s8, $0x3;
	s8 =	sadd.s32 $0x2C00, s9;
	s23 =	sadd.s32 $0x1388, s22  }
0x10: {  	v0 =	vmov s22;
	s22 =	simm.s32 $0xFC00;
	s24 =	simm.s32 $0x0;
	s30 =	sshll.u32 s10, $0x4  }
0x11: {  	s31 =	sadd.s32 s12, s29;
	s11 =	smax.u32 s13, $0x1;
	s13 =	simm.s32 $0x3  }
0x12: {  	v1 =	vmov s23;
	s23 =	simm.s32 $0xFC80;
	s9 =	sadd.s32 s12, s30;
	s10 =	sadd.s32 $0x13800, s31  }
0x13: {  	s12 =	sshrl.u32 s14, $0x3;
	s14 =	sshrl.u32 @!p0 s15, $0x3;
	s15 =	simm.s32 $0x8000  }
.LBB2_1:
0x14: {  	[spmem:s12], [sflag:s6] =	dma.local [hbm:s5], $0x1380  }
0x15: {  	_ =	swait.ge [sflag:s13], $0x1380  }
0x16: {  	[sflag:s13] =	ssyncset.done $0x0  }
0x17: {  	s25 =	simm.s32 @!p0 $0x3;
	[sflag:s13] =	ssyncadd.s32 $0xFFFFEC80  }
0x18: {  	[spmem:s14], [sflag:s6] =	dma.local @!p0 [hbm:s5], $0x100  }
0x19: {  	_ =	swait.ge @!p0 [sflag:s25], $0x100  }
0x1a: {  	[sflag:s25] =	ssyncset.done @!p0 $0x0  }
0x1b: {  	[sflag:s25] =	ssyncadd.s32 @!p0 $0xFFFFFF00  }
0x1c: {  	[tilespmem:s4], [sflag:$0x3] =	stream.linear.gather [hbm4b:s7+s4], $0x7D00, $0x38;
	[tilespmem:$0x1EC80] =	vst v63  }
0x1d: {  	_ =	swait.ge [sflag:s13], $0x7D00  }
0x1e: {  	[sflag:s13] =	ssyncset.done $0x0  }
0x1f: {  	[sflag:s13] =	ssyncadd.s32 $0xFFFF8300  }
0x20: {  	[tilespmem:s15], [sflag:$0x3] =	stream.linear.gather [hbm4b:s8+s4], $0x7D00, $0x38;
	[tilespmem:$0x1EC80] =	vst v63  }
0x21: {  	_ =	swait.ge [sflag:s13], $0x7D00  }
0x22: {  	[sflag:s13] =	ssyncset.done $0x0  }
0x23: {  	s25 =	simm.s32 $0x0;
	[sflag:s13] =	ssyncadd.s32 $0xFFFF8300  }
0x24: {  	v2 =	vld [tilespmem:s25+$0x8040];
	_ =	sdelay $0x2  }
0x25: {  	v6 =	vld [tilespmem:s25+$0x8020]  }
0x26: {  	v4 =	vld [tilespmem:s25+$0x8010]  }
0x27: {  	vm0 =	vge.s32 v2, v0;
	vm1 =	vlt.s32 v2, v1  }
0x28: {  	v3 =	vld [tilespmem:s25+$0x8000];
	v5 =	vsub.s32 v2, v0;
	vm0 =	vmand vm0, vm1  }
0x29: {  	v2 =	vld [tilespmem:s25+$0x8030];
	v7 =	vnsel vm0, $0x1388, v5  }
0x2a: {  	s26 =	simm.s32 $0x200;
	vm1 =	vlt.s32 v6, v1;
	v5 =	vsub.s32 v6, v0;
	vm0 =	vge.s32 v6, v0;
	[tilespmem:s25+$0x8040] =	vst v7  }
.LBB2_2:
0x2b: {  	s28 =	sshra.s32 s26, $0x2;
	p1 =	sne.s32 s26, $0x1F200;
	s26 =	sadd.s32 $0x200, s26;
	v6 =	vsub.s32 v4, v0;
	vm2 =	vge.s32 v4, v0;
	vm3 =	vlt.s32 v4, v1  }
0x2c: {  	vm0 =	vmand vm0, vm1;
	v7 =	vld [tilespmem:s28+$0x8040];
	vm2 =	vmand vm2, vm3  }
0x2d: {  	v5 =	vnsel vm0, $0x1388, v5;
	v4 =	vnsel vm2, $0x1388, v6  }
0x2e: {  	vm0 =	vge.s32 v3, v0;
	vm1 =	vlt.s32 v3, v1;
	[tilespmem:s25+$0x8020] =	vst v5;
	vm2 =	vge.s32 v2, v0  }
0x2f: {  	v3 =	vsub.s32 v3, v0;
	vm0 =	vmand vm0, vm1;
	vm1 =	vlt.s32 v2, v1;
	v6 =	vld [tilespmem:s28+$0x8020];
	[tilespmem:s25+$0x8010] =	vst v4  }
.Ltmp0:
0x30: {  	v2 =	vsub.s32 v2, v0;
	v3 =	vnsel vm0, $0x1388, v3;
	vm0 =	vmand vm2, vm1;
	v4 =	vld [tilespmem:s28+$0x8010];
	(pc) =	sbr.rel @p1 .LBB2_2-.Ltmp0, $4  }
0x31: {  	v2 =	vnsel vm0, $0x1388, v2;
	vm1 =	vge.s32 v7, v0;
	vm2 =	vlt.s32 v7, v1;
	[tilespmem:s25+$0x8000] =	vst v3  }
0x32: {  	v5 =	vsub.s32 v7, v0;
	v3 =	vld [tilespmem:s28+$0x8000];
	vm0 =	vmand vm1, vm2;
	[tilespmem:s25+$0x8030] =	vst v2;
	s25 =	smov.u32 s28  }
0x33: {  	v2 =	vld [tilespmem:s25+$0x8030];
	v7 =	vnsel vm0, $0x1388, v5  }
0x34: {  	v5 =	vsub.s32 v6, v0;
	vm0 =	vge.s32 v6, v0;
	vm1 =	vlt.s32 v6, v1;
	[tilespmem:s25+$0x8040] =	vst v7  }
0x35: {  	vm2 =	vge.s32 v4, v0;
	vm3 =	vlt.s32 v4, v1  }
0x36: {  	v63 =	vsub.s32 v4, v0;
	vm0 =	vmand vm0, vm1;
	vm2 =	vmand vm2, vm3  }
0x37: {  	v5 =	vnsel vm0, $0x1388, v5;
	v4 =	vnsel vm2, $0x1388, v63  }
0x38: {  	vm11 =	vge.s32 v3, v0;
	vm12 =	vlt.s32 v3, v1;
	v3 =	vsub.s32 v3, v0  }
0x39: {  	[tilespmem:s25+$0x8020] =	vst v5;
	vm13 =	vge.s32 v2, v0;
	vm0 =	vmand vm11, vm12;
	vm14 =	vlt.s32 v2, v1  }
0x3a: {  	[tilespmem:s25+$0x8010] =	vst v4;
	v2 =	vsub.s32 v2, v0;
	v3 =	vnsel vm0, $0x1388, v3;
	vm15 =	vmand vm13, vm14  }
0x3b: {  	[tilespmem:s25+$0x8000] =	vst v3;
	v2 =	vnsel vm15, $0x1388, v2  }
0x3c: {  	[tilespmem:s25+$0x8030] =	vst v2  }
0x3d: {  	s26 =	simm.s32 $0x0;
	[bflag:$0x0] =	sbarrier.arrive $0xFFFF  }
0x3e: {  	[tilespmem:s17], [sflag:$0x1] =	stream.indirect.gather [hbm4b:s1+s16], $0x80, s26, s16, $0xb8;
	[tilespmem:$0x1EC80] =	vst v63  }
0x3f: {  	s28 =	simm.s32 $0x80  }
0x40: {  	[tilespmem:s18], [sflag:$0x2] =	stream.indirect.gather [hbm4b:s1+s16], $0x80, s28, s16, $0xb8;
	[tilespmem:$0x1EC80] =	vst v63  }
0x41: {  	_ =	swait.ge [sflag:s19], $0x2800  }
0x42: {  	[sflag:s19] =	ssyncset.done $0x0  }
0x43: {  	s29 =	simm.s32 $0x8000;
	[sflag:s19] =	ssyncadd.s32 $0xFFFFD800  }
0x44: {  	[spmem:s3] =	stream.indirect.scatter.add.f32 [tilespmem:s17], [sflag:$0x3], $0x80, s29, s16, $0xb8;
	[tilespmem:$0x1EC80] =	vst v63  }
0x45: {  	_ =	swait.ge [sflag:s13], $0x2800  }
0x46: {  	[sflag:s13] =	ssyncset.done $0x0  }
0x47: {  	s30 =	simm.s32 $0x100;
	[sflag:s13] =	ssyncadd.s32 $0xFFFFD800  }
0x48: {  	[tilespmem:s17], [sflag:$0x1] =	stream.indirect.gather [hbm4b:s1+s16], $0x80, s30, s16, $0xb8;
	[tilespmem:$0x1EC80] =	vst v63  }
0x49: {  	_ =	swait.ge [sflag:s20], $0x2800  }
0x4a: {  	[sflag:s20] =	ssyncset.done $0x0  }
0x4b: {  	s31 =	simm.s32 $0x8080;
	[sflag:s20] =	ssyncadd.s32 $0xFFFFD800  }
0x4c: {  	[spmem:s3] =	stream.indirect.scatter.add.f32 [tilespmem:s18], [sflag:$0x3], $0x80, s31, s16, $0xb8;
	[tilespmem:$0x1EC80] =	vst v63  }
0x4d: {  	_ =	swait.ge [sflag:s13], $0x2800  }
0x4e: {  	s25 =	simm.s32 $0x100;
	s26 =	simm.s32 $0x800;
	[sflag:s13] =	ssyncset.done $0x0  }
.LBB2_4:
0x4f: {  	s28 =	sadd.s32 $0x80, s25  }
0x50: {  	[sflag:s13] =	ssyncadd.s32 $0xFFFFD800;
	s29 =	smov.u32 s26;
	s30 =	sadd.s32 $0x400, s26  }
0x51: {  	[tilespmem:s18], [sflag:$0x2] =	stream.indirect.gather [hbm4b:s1+s16], $0x80, s28, s16, $0xb8;
	[tilespmem:$0x1EC80] =	vst v63  }
0x52: {  	p1 =	sne.s32 s26, $0x1EC00;
	_ =	swait.ge [sflag:s19], $0x2800  }
0x53: {  	[sflag:s19] =	ssyncset.done $0x0  }
0x54: {  	s26 =	sadd.s32 $0x8000, s25;
	[sflag:s19] =	ssyncadd.s32 $0xFFFFD800  }
0x55: {  	[spmem:s3] =	stream.indirect.scatter.add.f32 [tilespmem:s17], [sflag:$0x3], $0x80, s26, s16, $0xb8;
	[tilespmem:$0x1EC80] =	vst v63  }
0x56: {  	_ =	swait.ge [sflag:s13], $0x2800  }
0x57: {  	[sflag:s13] =	ssyncset.done $0x0  }
0x58: {  	s26 =	sadd.s32 $0x100, s25;
	[sflag:s13] =	ssyncadd.s32 $0xFFFFD800  }
0x59: {  	[tilespmem:s17], [sflag:$0x1] =	stream.indirect.gather [hbm4b:s1+s16], $0x80, s26, s16, $0xb8;
	[tilespmem:$0x1EC80] =	vst v63  }
0x5a: {  	_ =	swait.ge [sflag:s20], $0x2800  }
.Ltmp1:
0x5b: {  	[sflag:s20] =	ssyncset.done $0x0;
	(pc) =	sbr.rel @p1 .LBB2_4-.Ltmp1, $4  }
0x5c: {  	s25 =	sadd.s32 $0x8080, s25;
	[sflag:s20] =	ssyncadd.s32 $0xFFFFD800  }
0x5d: {  	[spmem:s3] =	stream.indirect.scatter.add.f32 [tilespmem:s18], [sflag:$0x3], $0x80, s25, s16, $0xb8;
	[tilespmem:$0x1EC80] =	vst v63  }
0x5e: {  	_ =	swait.ge [sflag:s13], $0x2800  }
0x5f: {  	s26 =	smov.u32 s30;
	s25 =	sshra.s32 s29, $0x2;
	[sflag:s13] =	ssyncset.done $0x0  }
0x60: {  	s26 =	sadd.s32 $0x80, s25;
	[sflag:s13] =	ssyncadd.s32 $0xFFFFD800  }
0x61: {  	[tilespmem:s18], [sflag:$0x2] =	stream.indirect.gather [hbm4b:s1+s16], $0x80, s26, s16, $0xb8;
	[tilespmem:$0x1EC80] =	vst v63  }
0x62: {  	_ =	swait.ge [sflag:s19], $0x2800  }
0x63: {  	[sflag:s19] =	ssyncset.done $0x0  }
0x64: {  	s29 =	sadd.s32 $0x8000, s25;
	[sflag:s19] =	ssyncadd.s32 $0xFFFFD800  }
0x65: {  	[spmem:s3] =	stream.indirect.scatter.add.f32 [tilespmem:s17], [sflag:$0x3], $0x80, s29, s16, $0xb8;
	[tilespmem:$0x1EC80] =	vst v63  }
0x66: {  	_ =	swait.ge [sflag:s13], $0x2800  }
0x67: {  	[sflag:s13] =	ssyncset.done $0x0  }
0x68: {  	s30 =	sadd.s32 $0x100, s25;
	[sflag:s13] =	ssyncadd.s32 $0xFFFFD800  }
0x69: {  	[tilespmem:s17], [sflag:$0x1] =	stream.indirect.gather [hbm4b:s1+s16], $0x80, s30, s16, $0xb8;
	[tilespmem:$0x1EC80] =	vst v63  }
0x6a: {  	_ =	swait.ge [sflag:s20], $0x2800  }
0x6b: {  	[sflag:s20] =	ssyncset.done $0x0  }
0x6c: {  	s31 =	sadd.s32 $0x8080, s25;
	[sflag:s20] =	ssyncadd.s32 $0xFFFFD800  }
0x6d: {  	[spmem:s3] =	stream.indirect.scatter.add.f32 [tilespmem:s18], [sflag:$0x3], $0x80, s31, s16, $0xb8;
	[tilespmem:$0x1EC80] =	vst v63  }
0x6e: {  	_ =	swait.ge [sflag:s13], $0x2800  }
0x6f: {  	[sflag:s13] =	ssyncset.done $0x0  }
0x70: {  	[sflag:s13] =	ssyncadd.s32 $0xFFFFD800  }
0x71: {  	[tilespmem:s18], [sflag:$0x2] =	stream.indirect.gather [hbm4b:s1+s16], $0x80, s21, s16, $0xb8;
	[tilespmem:$0x1EC80] =	vst v63  }
0x72: {  	_ =	swait.ge [sflag:s19], $0x2800  }
0x73: {  	[sflag:s19] =	ssyncset.done $0x0  }
0x74: {  	[sflag:s19] =	ssyncadd.s32 $0xFFFFD800  }
0x75: {  	[spmem:s3] =	stream.indirect.scatter.add.f32 [tilespmem:s17], [sflag:$0x3], $0x80, s22, s16, $0xb8;
	[tilespmem:$0x1EC80] =	vst v63  }
0x76: {  	_ =	swait.ge [sflag:s13], $0x2800  }
0x77: {  	[sflag:s13] =	ssyncset.done $0x0  }
0x78: {  	[sflag:s13] =	ssyncadd.s32 $0xFFFFD800  }
0x79: {  	_ =	swait.ge [sflag:s20], $0x2800  }
0x7a: {  	[sflag:s20] =	ssyncset.done $0x0  }
0x7b: {  	[sflag:s20] =	ssyncadd.s32 $0xFFFFD800  }
0x7c: {  	[spmem:s3] =	stream.indirect.scatter.add.f32 [tilespmem:s18], [sflag:$0x3], $0x80, s23, s16, $0xb8;
	[tilespmem:$0x1EC80] =	vst v63  }
0x7d: {  	_ =	swait.ge [sflag:s13], $0x2800  }
0x7e: {  	[sflag:s13] =	ssyncset.done $0x0  }
0x7f: {  	[sflag:s13] =	ssyncadd.s32 $0xFFFFD800  }
0x80: {  	[bflag:$0x0] =	sbarrier.arrive $0xFFFF  }
0x81: {  	[hbm:s9], [sflag:s6] =	dma.local [spmem:s12], $0x1380  }
0x82: {  	s24 =	sadd.s32 $0x1, s24;
	_ =	swait.ge [sflag:s13], $0x1380  }
0x83: {  	p1 =	sne.s32 s24, s11;
	[sflag:s13] =	ssyncset.done $0x0  }
.Ltmp2:
0x84: {  	s25 =	simm.s32 @!p0 $0x3;
	[sflag:s13] =	ssyncadd.s32 $0xFFFFEC80;
	(pc) =	sbr.rel @p1 .LBB2_1-.Ltmp2, $4  }
0x85: {  	[hbm:s10], [sflag:s6] =	dma.local @!p0 [spmem:s14], $0x80  }
0x86: {  	_ =	swait.ge @!p0 [sflag:s25], $0x80  }
0x87: {  	[sflag:s25] =	ssyncset.done @!p0 $0x0  }
0x88: {  	[sflag:s25] =	ssyncadd.s32 @!p0 $0xFFFFFF80  }
0x89: {  	_ =	sfence.sel $0x180000  }
0x8a: {  	[bflag:$0x0] =	sbarrier.arrive $0xFFFF  }
0x8b: {  	p0 =	sne.s32 s2, $0x0;
	_ =	strace $0x90000047  }
0x8c: {  	s0 =	sadd.s32 @!p0 $0x100000, s0;
	[bflag:$0x2] =	sbarrier.arrive $0xFFFF  }
0x8d: {  	[sflag:s0] =	ssyncadd.tile.s32 @!p0 $0x1;
	_ =	shalt  }
.Lfunc_end2:
_tile_overlayer_lowered:
.L_overlay_start_2:
0x8e: {  	(tag) =	ssettag $0x2  }
0x8f: {  	s0 =	rddreg [dreg:$0x0];
	s2 =	stileid.u32  }
0x90: {  	s1 =	rddreg [dreg:$0x1];
	p0 =	sne.s32 s2, $0x0  }
0x91: {  	s3 =	rddreg [dreg:$0x2];
	[bflag:$0x3] =	sbarrier.arrive $0xFFFF;
	s2 =	simm.s32 @!p0 $0x1C03  }
0x92: {  	[timem:s3], [sflag:s2] =	dma.local @!p0 [hbm:s0], s1  }
0x93: {  	s0 =	simm.s32 @!p0 $0x3  }
0x94: {  	_ =	swait.ge @!p0 [sflag:s0], s1  }
0x95: {  	s1 =	ssub.s32 @!p0 $0x0, s1;
	[sflag:s0] =	ssyncset.done @!p0 $0x0  }
0x96: {  	[sflag:s0] =	ssyncadd.s32 @!p0 s1  }
0x97: {  	[bflag:$0x3] =	sbarrier.arrive $0xFFFF  }
0x98: {  	_ =	shalt  }

// kernel: seg_sum.7.cloned.1.call-start
scs
__scs_entry_jumppad:
0x0: {  	(pc) =	sbr.rel $0x88, $3  }
0x1: {  	(tag) =	ssettag $0x0;
	lr =	simm.s32 $0x1  }
0x2: {  	[smem:$0x3F98] =	sst lr;
	_ =	strace $0xD0000000  }
0x3: {  	_ = 	snop  }
0x4: {  	_ = 	snop  }
0x5: {  	_ = 	snop  }
0x6: {  	_ = 	snop  }
0x7: {  	_ = 	snop  }
__scs_overlays_trampoline_lowered:
0x8: {  	[smem:$0x3FA7] =	sst s0  }
0x9: {  	[smem:$0x3FA8] =	sst s1  }
0xa: {  	[smem:$0x3FA9] =	sst s2  }
0xb: {  	[smem:$0x3FAA] =	sst s3  }
0xc: {  	[smem:$0x3FAB] =	sst s4  }
0xd: {  	[smem:$0x3FAC] =	sst s5  }
0xe: {  	[smem:$0x3FAD] =	sst s6  }
0xf: {  	[smem:$0x3FAE] =	sst s7  }
0x10: {  	[smem:$0x3FAF] =	sst s8  }
0x11: {  	[smem:$0x3FB0] =	sst s9;
	s0 =	simm.s32 @!p0 $0x0  }
0x12: {  	s1 =	sld [smem:$0x3F96];
	s0 =	simm.s32 @p0 $0x1  }
0x13: {  	[smem:$0x3FB1] =	sst s0;
	s0 =	simm.s32 @!p1 $0x0  }
0x14: {  	s2 =	sld [smem:$0x3F95];
	s0 =	simm.s32 @p1 $0x1  }
0x15: {  	[smem:$0x3FB2] =	sst s0;
	s0 =	simm.s32 @!p2 $0x0  }
0x16: {  	s3 =	sld [smem:$0x3FDB];
	s0 =	simm.s32 @p2 $0x1  }
0x17: {  	s4 =	simm.s32 $0x1BF5;
	[smem:$0x3FB4] =	sst s0  }
0x18: {  	s0 =	sld [smem:$0x3F97];
	_ =	swait.ge [sflag:s4], $0x0  }
0x19: {  	s7 =	sld [smem:$0x3F98]  }
0x1a: {  	s8 =	sadd.s32 $0xFFFFE003, lr  }
0x1b: {  	s9 =	sadd.s32 $0xFFFFFEF7, lr;
	s5 =	simm.s32 $0xFFFFFFFF;
	p2 =	slt.u32 s8, $0xFFFFF086  }
0x1c: {  	p1 =	slt.u32 s9, $0xF7A;
	s5 =	simm.s32 @!p2 $0x0  }
0x1d: {  	s5 =	simm.s32 @p1 $0x1;
	p0 =	seq.s32 s7, s2  }
0x1e: {  	s7 =	smul.u32 @!p0 $0xF7A, s2;
	p2 =	seq.s32 @!p0 s5, $0x0  }
0x1f: {  	s9 =	smul.u32 $0xF7A, s1;
	s8 =	simm.s32 @!p0 $0x1BF5;
	p2 =	por !p2, p0  }
0x20: {  	[sflag:s8] =	ssyncset.s32 @!p0 $0xFFFFF086;
	s6 =	sadd.s32 @!p0 s3, s7;
	s7 =	simm.s32 @!p0 $0x108  }
0x21: {  	s3 =	sadd.s32 s3, s9;
	s6 =	sadd.s32 @!p0 $0x88, s6;
	s7 =	simm.s32 @p2 $0x1082  }
0x22: {  	[simem:s7], [sflag:s8] =	dma.local @!p0 [hbm:s6], $0xF7A  }
0x23: {  	s9 =	sor.u32 $0xD0000000, s2;
	s6 =	simm.s32 $0x108;
	_ =	swait.ge @!p0 [sflag:s8], $0x0  }
0x24: {  	s3 =	sadd.s32 $0x88, s3;
	s6 =	simm.s32 @!p1 $0x1082;
	[sflag:s4] =	ssyncset.s32 $0xFFFFF086  }
0x25: {  	[simem:s6], [sflag:s4] =	dma.local [hbm:s3], $0xF7A  }
0x26: {  	[smem:$0x3F98] =	sst s1;
	(tag) =	ssettag s2;
	_ =	strace s9  }
0x27: {  	s1 =	sld [smem:$0x3FA8]  }
0x28: {  	s2 =	sld [smem:$0x3FA9]  }
0x29: {  	s4 =	sld [smem:$0x3FAB]  }
0x2a: {  	p0 =	seq.s32 s5, $0x0;
	s5 =	sld [smem:$0x3FAC]  }
0x2b: {  	s6 =	sld [smem:$0x3FAD]  }
0x2c: {  	s7 =	sld [smem:$0x3FAE]  }
0x2d: {  	s3 =	simm.s32 $0x108;
	s8 =	sld [smem:$0x3FAF]  }
0x2e: {  	s3 =	simm.s32 @!p0 $0x1082;
	s9 =	sld [smem:$0x3FB0]  }
0x2f: {  	lr =	sadd.s32 s0, s3;
	s0 =	sld [smem:$0x3FA7]  }
0x30: {  	s3 =	sld [smem:$0x3FAA]  }
0x31: {  	[smem:$0x3FB3] =	sst s10  }
0x32: {  	s10 =	sld [smem:$0x3FB1];
	_ =	sdelay $0x3  }
0x33: {  	p0 =	seq.s32 s10, $0x1;
	s10 =	sld [smem:$0x3FB3];
	_ =	sdelay $0x3  }
0x34: {  	[smem:$0x3FB3] =	sst s10  }
0x35: {  	s10 =	sld [smem:$0x3FB2];
	_ =	sdelay $0x3  }
0x36: {  	p1 =	seq.s32 s10, $0x1;
	s10 =	sld [smem:$0x3FB3];
	_ =	sdelay $0x3  }
0x37: {  	[smem:$0x3FB3] =	sst s10  }
0x38: {  	s10 =	sld [smem:$0x3FB4]  }
0x39: {  	_ = 	snop;
	(pc) =	sbr.ind lr, $3  }
0x3a: {  	_ = 	snop  }
0x3b: {  	_ = 	snop  }
0x3c: {  	p2 =	seq.s32 s10, $0x1;
	s10 =	sld [smem:$0x3FB3]  }
0x3d: {  	_ =	shalt  }
0x3e: {  	_ =	shalt  }
0x3f: {  	_ =	shalt  }
0x40: {  	_ =	shalt  }
0x41: {  	_ =	shalt  }
0x42: {  	_ =	shalt  }
0x43: {  	_ =	shalt  }
0x44: {  	_ =	shalt  }
0x45: {  	_ =	shalt  }
0x46: {  	_ =	shalt  }
0x47: {  	_ =	shalt  }
0x48: {  	_ =	shalt  }
0x49: {  	_ =	shalt  }
0x4a: {  	_ =	shalt  }
0x4b: {  	_ =	shalt  }
0x4c: {  	_ =	shalt  }
0x4d: {  	_ =	shalt  }
0x4e: {  	_ =	shalt  }
0x4f: {  	_ =	shalt  }
0x50: {  	_ =	shalt  }
0x51: {  	_ =	shalt  }
0x52: {  	_ =	shalt  }
0x53: {  	_ =	shalt  }
0x54: {  	_ =	shalt  }
0x55: {  	_ =	shalt  }
0x56: {  	_ =	shalt  }
0x57: {  	_ =	shalt  }
0x58: {  	_ =	shalt  }
0x59: {  	_ =	shalt  }
0x5a: {  	_ =	shalt  }
0x5b: {  	_ =	shalt  }
0x5c: {  	_ =	shalt  }
0x5d: {  	_ =	shalt  }
0x5e: {  	_ =	shalt  }
0x5f: {  	_ =	shalt  }
0x60: {  	_ =	shalt  }
0x61: {  	_ =	shalt  }
0x62: {  	_ =	shalt  }
0x63: {  	_ =	shalt  }
0x64: {  	_ =	shalt  }
0x65: {  	_ =	shalt  }
0x66: {  	_ =	shalt  }
0x67: {  	_ =	shalt  }
0x68: {  	_ =	shalt  }
0x69: {  	_ =	shalt  }
0x6a: {  	_ =	shalt  }
0x6b: {  	_ =	shalt  }
0x6c: {  	_ =	shalt  }
0x6d: {  	_ =	shalt  }
0x6e: {  	_ =	shalt  }
0x6f: {  	_ =	shalt  }
0x70: {  	_ =	shalt  }
0x71: {  	_ =	shalt  }
0x72: {  	_ =	shalt  }
0x73: {  	_ =	shalt  }
0x74: {  	_ =	shalt  }
0x75: {  	_ =	shalt  }
0x76: {  	_ =	shalt  }
0x77: {  	_ =	shalt  }
0x78: {  	_ =	shalt  }
0x79: {  	_ =	shalt  }
0x7a: {  	_ =	shalt  }
0x7b: {  	_ =	shalt  }
0x7c: {  	_ =	shalt  }
0x7d: {  	_ =	shalt  }
0x7e: {  	_ =	shalt  }
0x7f: {  	_ =	shalt  }
0x80: {  	_ =	shalt  }
0x81: {  	_ =	shalt  }
0x82: {  	_ =	shalt  }
0x83: {  	_ =	shalt  }
0x84: {  	_ =	shalt  }
0x85: {  	_ =	shalt  }
0x86: {  	_ =	shalt  }
0x87: {  	_ =	shalt  }
.Lfunc_end0:
.L_simem_size_0:
called_computation.2_lowered:
.L_overlay_start_0:
0x88: {  	s2 =	sld [smem:$0x3FD9]  }
0x89: {  	s3 =	sld [smem:$0x3FFE];
	_ =	sdelay $0x1  }
0x8a: {  	s1 =	srdreg.scid  }
0x8b: {  	s0 =	sand.u32 $0x1, s1  }
0x8c: {  	s17 =	sshll.u32 s0, $0xA;
	s2 =	sadd.s32 s3, s2  }
0x8d: {  	s2 =	sadd.s32 s2, s17  }
0x8e: {  	[smem:$0x3FBF] =	sst s2  }
0x8f: {  	_ = 	snop  }
0x90: {  	s2 =	sld [smem:$0x3FD0];
	(tm) =	ssettm $0x1  }
0x91: {  	s18 =	sld [smem:$0x3FFB];
	_ =	sdelay $0x3  }
0x92: {  	_ =	strace s18  }
0x93: {  	s3 =	sld [smem:$0x3FFC];
	_ =	sdelay $0x3  }
0x94: {  	_ =	strace s3  }
0x95: {  	s3 =	sld [smem:$0x3FFD];
	_ =	sdelay $0x3  }
0x96: {  	_ =	strace s3  }
0x97: {  	_ =	strace $0x8FFFFFFF  }
0x98: {  	s19 =	sld [smem:$0x3FDB];
	_ =	sdelay $0x1  }
0x99: {  	s4 =	simm.s32 $_scs_section_size  }
0x9a: {  	s5 =	simm.s32 $_size__tile_overlayer_lowered;
	s6 =	simm.s32 $_tile_overlayer_lowered  }
0x9b: {  	s22 =	simm.s32 $0x1BFF;
	s21 =	sshll.u32 s6, $0x1;
	s3 =	sadd.s32 s4, s19  }
0x9c: {  	s7 =	simm.s32 $0x0;
	s20 =	sshll.u32 s5, $0x1;
	s5 =	sadd.s32 s21, s3  }
0x9d: {  	[timem:s7], [sflag:s22] =	dma.local [hbm:s5], s20  }
0x9e: {  	_ =	swait.ge [sflag:s22], s20  }
0x9f: {  	s4 =	ssub.s32 $0x0, s20;
	[sflag:s22] =	ssyncset.done $0x0  }
0xa0: {  	[sflag:s22] =	ssyncadd.s32 s4;
	_ =	sdelay $0x1  }
0xa1: {  	s23 =	simm.s32 $0x1B8B  }
0xa2: {  	_ =	swait.ge [sflag:s23], $0x1  }
0xa3: {  	[sflag:s23] =	ssyncset.done $0x0  }
0xa4: {  	s25 =	simm.s32 $0x1B8E;
	s24 =	sld [smem:$0x3FFE];
	[sflag:s23] =	ssyncadd.s32 $0xFFFFFFFF  }
0xa5: {  	s26 =	simm.s32 $execute0_lowered;
	[smem:$0x3FD2] =	sst s25  }
0xa6: {  	s5 =	sshll.u32 s26, $0x1;
	_ =	strace $0x8000004C;
	[dreg:$0x1] =	wrdreg $0xFFFFFFFF  }
0xa7: {  	s28 =	simm.s32 $_size_execute0_lowered;
	s3 =	sadd.s32 s3, s5;
	[dreg:$0x0] =	wrdreg $0x0  }
0xa8: {  	s5 =	sshll.u32 s28, $0x1;
	[dreg:$0x2] =	wrdreg s3  }
0xa9: {  	[dreg:$0x3] =	wrdreg s5  }
0xaa: {  	[dreg:$0x4] =	wrdreg $0xC0  }
0xab: {  	_ =	task [dreg:s7], $0x5FFFF  }
0xac: {  	[dreg:$0x1] =	wrdreg $0xFFFFFFFF  }
0xad: {  	[dreg:$0x0] =	wrdreg $0x60  }
0xae: {  	[dreg:$0x2] =	wrdreg s2  }
0xaf: {  	[dreg:$0x3] =	wrdreg s24  }
0xb0: {  	[dreg:$0x4] =	wrdreg $0x150000  }
0xb1: {  	[dreg:$0x5] =	wrdreg $0x9  }
0xb2: {  	_ =	task.clear_ibuf [dreg:s7], $0x6FFFF;
	_ =	strace $0x9000004C  }
0xb3: {  	s29 =	simm.s32 $0x9;
	_ =	strace $0x8000004E  }
0xb4: {  	_ =	swait.ge [sflag:s29], $0x1  }
0xb5: {  	[sflag:s29] =	ssyncadd.s32 $0xFFFFFFFF  }
0xb6: {  	_ =	strace $0x9000004E  }
0xb7: {  	_ =	sfence  }
0xb8: {  	s30 =	sld [smem:$0x0];
	_ =	sdelay $0x2  }
0xb9: {  	s31 =	sshll.u32 s1, $0xD;
	s1 =	sshrl.u32 s1, $0x2  }
0xba: {  	s3 =	sand.u32 $0x4000, s31;
	s1 =	sadd.s32 s1, s30  }
0xbb: {  	s0 =	sor.u32 s3, s0;
	s1 =	sshll.u32 s1, $0x11  }
0xbc: {  	s0 =	sor.u32 s1, s0  }
0xbd: {  	s0 =	sadd.s32 $0x8F2B, s0  }
0xbe: {  	[sflag:s0] =	ssyncadd.remote.s32 $0x1  }
0xbf: {  	_ =	sfence.sel $0xFFFF  }
0xc0: {  	[dreg:$0x0] =	wrdreg $0xFFFFFFFF;
	(pc) =	sbr.abs _section_cstart, $3  }
0xc1: {  	[dreg:$0x1] =	wrdreg $0xFFFFFFFF  }
0xc2: {  	_ =	task.clear_ibuf [dreg:s7], $0x2FFFF;
	_ =	strace $0x9FFFFFFF  }
0xc3: {  	(tm) =	ssettm $0x7FFFFFFF  }
tec
execute0_lowered:
.L_overlay_start_1:
0x0: {  	(tag) =	ssettag $0x1  }
0x1: {  	s1 =	rddreg [dreg:$0x0]  }
0x2: {  	s6 =	rddreg [dreg:$0x1]  }
0x3: {  	s3 =	rddreg [dreg:$0x2]  }
0x4: {  	s0 =	rddreg [dreg:$0x3];
	s4 =	simm.s32 $0x0  }
0x5: {  	s2 =	stileid.u32;
	s5 =	srdreg.scid;
	s16 =	simm.s32 $0x50  }
0x6: {  	s17 =	simm.s32 $0x10000;
	s18 =	simm.s32 $0x12800;
	s19 =	simm.s32 $0x1  }
0x7: {  	s20 =	simm.s32 $0x2;
	s21 =	simm.s32 $0x7C80;
	[smem:$0x7FF] =	sst s4  }
0x8: {  	s7 =	sshll.u32 s2, $0xC;
	s8 =	sand.u32 $0x1, s5;
	s11 =	smul.u32 $0x27000, s2  }
0x9: {  	s5 =	sadd.s32 $0x22C00, s6;
	s12 =	sadd.s32 $0x24200, s6;
	s25 =	smul.u32 $0x138, s2  }
0xa: {  	s28 =	sshll.u32 s2, $0x6;
	s15 =	sadd.s32 $0x9C000, s3;
	p0 =	sne.s32 s2, $0xF  }
0xb: {  	_ =	strace $0x8000004D;
	s9 =	sadd.s32 s7, s6;
	s22 =	smul.u32 $0x1388, s8  }
0xc: {  	s24 =	ssub.s32 $0x2, s8;
	s8 =	smul.u32 $0x9C400, s8;
	s6 =	sor.u32 $0x1C03, s28  }
0xd: {  	s10 =	sshrl.u32 s24, $0x1;
	s26 =	sshrl.u32 s11, $0x2;
	s7 =	sadd.s32 $0x12C00, s9  }
0xe: {  	s13 =	ssub.s32 s24, s10;
	s14 =	sadd.s32 s26, s3;
	s10 =	sadd.s32 s25, s22  }
0xf: {  	s29 =	sshrl.u32 s8, $0x3;
	s8 =	sadd.s32 $0x2C00, s9;
	s23 =	sadd.s32 $0x1388, s22  }
0x10: {  	v0 =	vmov s22;
	s22 =	simm.s32 $0xFC00;
	s24 =	simm.s32 $0x0;
	s30 =	sshll.u32 s10, $0x4  }
0x11: {  	s31 =	sadd.s32 s12, s29;
	s11 =	smax.u32 s13, $0x1;
	s13 =	simm.s32 $0x3  }
0x12: {  	v1 =	vmov s23;
	s23 =	simm.s32 $0xFC80;
	s9 =	sadd.s32 s12, s30;
	s10 =	sadd.s32 $0x13800, s31  }
0x13: {  	s12 =	sshrl.u32 s14, $0x3;
	s14 =	sshrl.u32 @!p0 s15, $0x3;
	s15 =	simm.s32 $0x8000  }
.LBB2_1:
0x14: {  	[spmem:s12], [sflag:s6] =	dma.local [hbm:s5], $0x1380  }
0x15: {  	_ =	swait.ge [sflag:s13], $0x1380  }
0x16: {  	[sflag:s13] =	ssyncset.done $0x0  }
0x17: {  	s25 =	simm.s32 @!p0 $0x3;
	[sflag:s13] =	ssyncadd.s32 $0xFFFFEC80  }
0x18: {  	[spmem:s14], [sflag:s6] =	dma.local @!p0 [hbm:s5], $0x100  }
0x19: {  	_ =	swait.ge @!p0 [sflag:s25], $0x100  }
0x1a: {  	[sflag:s25] =	ssyncset.done @!p0 $0x0  }
0x1b: {  	[sflag:s25] =	ssyncadd.s32 @!p0 $0xFFFFFF00  }
0x1c: {  	[tilespmem:s4], [sflag:$0x3] =	stream.linear.gather [hbm4b:s7+s4], $0x7D00, $0x38;
	[tilespmem:$0x1EC80] =	vst v63  }
0x1d: {  	_ =	swait.ge [sflag:s13], $0x7D00  }
0x1e: {  	[sflag:s13] =	ssyncset.done $0x0  }
0x1f: {  	[sflag:s13] =	ssyncadd.s32 $0xFFFF8300  }
0x20: {  	[tilespmem:s15], [sflag:$0x3] =	stream.linear.gather [hbm4b:s8+s4], $0x7D00, $0x38;
	[tilespmem:$0x1EC80] =	vst v63  }
0x21: {  	_ =	swait.ge [sflag:s13], $0x7D00  }
0x22: {  	[sflag:s13] =	ssyncset.done $0x0  }
0x23: {  	s25 =	simm.s32 $0x0;
	[sflag:s13] =	ssyncadd.s32 $0xFFFF8300  }
0x24: {  	v2 =	vld [tilespmem:s25+$0x8040];
	_ =	sdelay $0x2  }
0x25: {  	v6 =	vld [tilespmem:s25+$0x8020]  }
0x26: {  	v4 =	vld [tilespmem:s25+$0x8010]  }
0x27: {  	vm0 =	vge.s32 v2, v0;
	vm1 =	vlt.s32 v2, v1  }
0x28: {  	v3 =	vld [tilespmem:s25+$0x8000];
	v5 =	vsub.s32 v2, v0;
	vm0 =	vmand vm0, vm1  }
0x29: {  	v2 =	vld [tilespmem:s25+$0x8030];
	v7 =	vnsel vm0, $0x1388, v5  }
0x2a: {  	s26 =	simm.s32 $0x200;
	vm1 =	vlt.s32 v6, v1;
	v5 =	vsub.s32 v6, v0;
	vm0 =	vge.s32 v6, v0;
	[tilespmem:s25+$0x8040] =	vst v7  }
.LBB2_2:
0x2b: {  	s28 =	sshra.s32 s26, $0x2;
	p1 =	sne.s32 s26, $0x1F200;
	s26 =	sadd.s32 $0x200, s26;
	v6 =	vsub.s32 v4, v0;
	vm2 =	vge.s32 v4, v0;
	vm3 =	vlt.s32 v4, v1  }
0x2c: {  	vm0 =	vmand vm0, vm1;
	v7 =	vld [tilespmem:s28+$0x8040];
	vm2 =	vmand vm2, vm3  }
0x2d: {  	v5 =	vnsel vm0, $0x1388, v5;
	v4 =	vnsel vm2, $0x1388, v6  }
0x2e: {  	vm0 =	vge.s32 v3, v0;
	vm1 =	vlt.s32 v3, v1;
	[tilespmem:s25+$0x8020] =	vst v5;
	vm2 =	vge.s32 v2, v0  }
0x2f: {  	v3 =	vsub.s32 v3, v0;
	vm0 =	vmand vm0, vm1;
	vm1 =	vlt.s32 v2, v1;
	v6 =	vld [tilespmem:s28+$0x8020];
	[tilespmem:s25+$0x8010] =	vst v4  }
.Ltmp0:
0x30: {  	v2 =	vsub.s32 v2, v0;
	v3 =	vnsel vm0, $0x1388, v3;
	vm0 =	vmand vm2, vm1;
	v4 =	vld [tilespmem:s28+$0x8010];
	(pc) =	sbr.rel @p1 .LBB2_2-.Ltmp0, $4  }
0x31: {  	v2 =	vnsel vm0, $0x1388, v2;
	vm1 =	vge.s32 v7, v0;
	vm2 =	vlt.s32 v7, v1;
	[tilespmem:s25+$0x8000] =	vst v3  }
0x32: {  	v5 =	vsub.s32 v7, v0;
	v3 =	vld [tilespmem:s28+$0x8000];
	vm0 =	vmand vm1, vm2;
	[tilespmem:s25+$0x8030] =	vst v2;
	s25 =	smov.u32 s28  }
0x33: {  	v2 =	vld [tilespmem:s25+$0x8030];
	v7 =	vnsel vm0, $0x1388, v5  }
0x34: {  	v5 =	vsub.s32 v6, v0;
	vm0 =	vge.s32 v6, v0;
	vm1 =	vlt.s32 v6, v1;
	[tilespmem:s25+$0x8040] =	vst v7  }
0x35: {  	vm2 =	vge.s32 v4, v0;
	vm3 =	vlt.s32 v4, v1  }
0x36: {  	v63 =	vsub.s32 v4, v0;
	vm0 =	vmand vm0, vm1;
	vm2 =	vmand vm2, vm3  }
0x37: {  	v5 =	vnsel vm0, $0x1388, v5;
	v4 =	vnsel vm2, $0x1388, v63  }
0x38: {  	vm11 =	vge.s32 v3, v0;
	vm12 =	vlt.s32 v3, v1;
	v3 =	vsub.s32 v3, v0  }
0x39: {  	[tilespmem:s25+$0x8020] =	vst v5;
	vm13 =	vge.s32 v2, v0;
	vm0 =	vmand vm11, vm12;
	vm14 =	vlt.s32 v2, v1  }
0x3a: {  	[tilespmem:s25+$0x8010] =	vst v4;
	v2 =	vsub.s32 v2, v0;
	v3 =	vnsel vm0, $0x1388, v3;
	vm15 =	vmand vm13, vm14  }
0x3b: {  	[tilespmem:s25+$0x8000] =	vst v3;
	v2 =	vnsel vm15, $0x1388, v2  }
0x3c: {  	[tilespmem:s25+$0x8030] =	vst v2  }
0x3d: {  	s26 =	simm.s32 $0x0;
	[bflag:$0x0] =	sbarrier.arrive $0xFFFF  }
0x3e: {  	[tilespmem:s17], [sflag:$0x1] =	stream.indirect.gather [hbm4b:s1+s16], $0x80, s26, s16, $0xb8;
	[tilespmem:$0x1EC80] =	vst v63  }
0x3f: {  	s28 =	simm.s32 $0x80  }
0x40: {  	[tilespmem:s18], [sflag:$0x2] =	stream.indirect.gather [hbm4b:s1+s16], $0x80, s28, s16, $0xb8;
	[tilespmem:$0x1EC80] =	vst v63  }
0x41: {  	_ =	swait.ge [sflag:s19], $0x2800  }
0x42: {  	[sflag:s19] =	ssyncset.done $0x0  }
0x43: {  	s29 =	simm.s32 $0x8000;
	[sflag:s19] =	ssyncadd.s32 $0xFFFFD800  }
0x44: {  	[spmem:s3] =	stream.indirect.scatter.add.f32 [tilespmem:s17], [sflag:$0x3], $0x80, s29, s16, $0xb8;
	[tilespmem:$0x1EC80] =	vst v63  }
0x45: {  	_ =	swait.ge [sflag:s13], $0x2800  }
0x46: {  	[sflag:s13] =	ssyncset.done $0x0  }
0x47: {  	s30 =	simm.s32 $0x100;
	[sflag:s13] =	ssyncadd.s32 $0xFFFFD800  }
0x48: {  	[tilespmem:s17], [sflag:$0x1] =	stream.indirect.gather [hbm4b:s1+s16], $0x80, s30, s16, $0xb8;
	[tilespmem:$0x1EC80] =	vst v63  }
0x49: {  	_ =	swait.ge [sflag:s20], $0x2800  }
0x4a: {  	[sflag:s20] =	ssyncset.done $0x0  }
0x4b: {  	s31 =	simm.s32 $0x8080;
	[sflag:s20] =	ssyncadd.s32 $0xFFFFD800  }
0x4c: {  	[spmem:s3] =	stream.indirect.scatter.add.f32 [tilespmem:s18], [sflag:$0x3], $0x80, s31, s16, $0xb8;
	[tilespmem:$0x1EC80] =	vst v63  }
0x4d: {  	_ =	swait.ge [sflag:s13], $0x2800  }
0x4e: {  	s25 =	simm.s32 $0x100;
	s26 =	simm.s32 $0x800;
	[sflag:s13] =	ssyncset.done $0x0  }
.LBB2_4:
0x4f: {  	s28 =	sadd.s32 $0x80, s25  }
0x50: {  	[sflag:s13] =	ssyncadd.s32 $0xFFFFD800;
	s29 =	smov.u32 s26;
	s30 =	sadd.s32 $0x400, s26  }
0x51: {  	[tilespmem:s18], [sflag:$0x2] =	stream.indirect.gather [hbm4b:s1+s16], $0x80, s28, s16, $0xb8;
	[tilespmem:$0x1EC80] =	vst v63  }
0x52: {  	p1 =	sne.s32 s26, $0x1EC00;
	_ =	swait.ge [sflag:s19], $0x2800  }
0x53: {  	[sflag:s19] =	ssyncset.done $0x0  }
0x54: {  	s26 =	sadd.s32 $0x8000, s25;
	[sflag:s19] =	ssyncadd.s32 $0xFFFFD800  }
0x55: {  	[spmem:s3] =	stream.indirect.scatter.add.f32 [tilespmem:s17], [sflag:$0x3], $0x80, s26, s16, $0xb8;
	[tilespmem:$0x1EC80] =	vst v63  }
0x56: {  	_ =	swait.ge [sflag:s13], $0x2800  }
0x57: {  	[sflag:s13] =	ssyncset.done $0x0  }
0x58: {  	s26 =	sadd.s32 $0x100, s25;
	[sflag:s13] =	ssyncadd.s32 $0xFFFFD800  }
0x59: {  	[tilespmem:s17], [sflag:$0x1] =	stream.indirect.gather [hbm4b:s1+s16], $0x80, s26, s16, $0xb8;
	[tilespmem:$0x1EC80] =	vst v63  }
0x5a: {  	_ =	swait.ge [sflag:s20], $0x2800  }
.Ltmp1:
0x5b: {  	[sflag:s20] =	ssyncset.done $0x0;
	(pc) =	sbr.rel @p1 .LBB2_4-.Ltmp1, $4  }
0x5c: {  	s25 =	sadd.s32 $0x8080, s25;
	[sflag:s20] =	ssyncadd.s32 $0xFFFFD800  }
0x5d: {  	[spmem:s3] =	stream.indirect.scatter.add.f32 [tilespmem:s18], [sflag:$0x3], $0x80, s25, s16, $0xb8;
	[tilespmem:$0x1EC80] =	vst v63  }
0x5e: {  	_ =	swait.ge [sflag:s13], $0x2800  }
0x5f: {  	s26 =	smov.u32 s30;
	s25 =	sshra.s32 s29, $0x2;
	[sflag:s13] =	ssyncset.done $0x0  }
0x60: {  	s26 =	sadd.s32 $0x80, s25;
	[sflag:s13] =	ssyncadd.s32 $0xFFFFD800  }
0x61: {  	[tilespmem:s18], [sflag:$0x2] =	stream.indirect.gather [hbm4b:s1+s16], $0x80, s26, s16, $0xb8;
	[tilespmem:$0x1EC80] =	vst v63  }
0x62: {  	_ =	swait.ge [sflag:s19], $0x2800  }
0x63: {  	[sflag:s19] =	ssyncset.done $0x0  }
0x64: {  	s29 =	sadd.s32 $0x8000, s25;
	[sflag:s19] =	ssyncadd.s32 $0xFFFFD800  }
0x65: {  	[spmem:s3] =	stream.indirect.scatter.add.f32 [tilespmem:s17], [sflag:$0x3], $0x80, s29, s16, $0xb8;
	[tilespmem:$0x1EC80] =	vst v63  }
0x66: {  	_ =	swait.ge [sflag:s13], $0x2800  }
0x67: {  	[sflag:s13] =	ssyncset.done $0x0  }
0x68: {  	s30 =	sadd.s32 $0x100, s25;
	[sflag:s13] =	ssyncadd.s32 $0xFFFFD800  }
0x69: {  	[tilespmem:s17], [sflag:$0x1] =	stream.indirect.gather [hbm4b:s1+s16], $0x80, s30, s16, $0xb8;
	[tilespmem:$0x1EC80] =	vst v63  }
0x6a: {  	_ =	swait.ge [sflag:s20], $0x2800  }
0x6b: {  	[sflag:s20] =	ssyncset.done $0x0  }
0x6c: {  	s31 =	sadd.s32 $0x8080, s25;
	[sflag:s20] =	ssyncadd.s32 $0xFFFFD800  }
0x6d: {  	[spmem:s3] =	stream.indirect.scatter.add.f32 [tilespmem:s18], [sflag:$0x3], $0x80, s31, s16, $0xb8;
	[tilespmem:$0x1EC80] =	vst v63  }
0x6e: {  	_ =	swait.ge [sflag:s13], $0x2800  }
0x6f: {  	[sflag:s13] =	ssyncset.done $0x0  }
0x70: {  	[sflag:s13] =	ssyncadd.s32 $0xFFFFD800  }
0x71: {  	[tilespmem:s18], [sflag:$0x2] =	stream.indirect.gather [hbm4b:s1+s16], $0x80, s21, s16, $0xb8;
	[tilespmem:$0x1EC80] =	vst v63  }
0x72: {  	_ =	swait.ge [sflag:s19], $0x2800  }
0x73: {  	[sflag:s19] =	ssyncset.done $0x0  }
0x74: {  	[sflag:s19] =	ssyncadd.s32 $0xFFFFD800  }
0x75: {  	[spmem:s3] =	stream.indirect.scatter.add.f32 [tilespmem:s17], [sflag:$0x3], $0x80, s22, s16, $0xb8;
	[tilespmem:$0x1EC80] =	vst v63  }
0x76: {  	_ =	swait.ge [sflag:s13], $0x2800  }
0x77: {  	[sflag:s13] =	ssyncset.done $0x0  }
0x78: {  	[sflag:s13] =	ssyncadd.s32 $0xFFFFD800  }
0x79: {  	_ =	swait.ge [sflag:s20], $0x2800  }
0x7a: {  	[sflag:s20] =	ssyncset.done $0x0  }
0x7b: {  	[sflag:s20] =	ssyncadd.s32 $0xFFFFD800  }
0x7c: {  	[spmem:s3] =	stream.indirect.scatter.add.f32 [tilespmem:s18], [sflag:$0x3], $0x80, s23, s16, $0xb8;
	[tilespmem:$0x1EC80] =	vst v63  }
0x7d: {  	_ =	swait.ge [sflag:s13], $0x2800  }
0x7e: {  	[sflag:s13] =	ssyncset.done $0x0  }
0x7f: {  	[sflag:s13] =	ssyncadd.s32 $0xFFFFD800  }
0x80: {  	[bflag:$0x0] =	sbarrier.arrive $0xFFFF  }
0x81: {  	[hbm:s9], [sflag:s6] =	dma.local [spmem:s12], $0x1380  }
0x82: {  	s24 =	sadd.s32 $0x1, s24;
	_ =	swait.ge [sflag:s13], $0x1380  }
0x83: {  	p1 =	sne.s32 s24, s11;
	[sflag:s13] =	ssyncset.done $0x0  }
.Ltmp2:
0x84: {  	s25 =	simm.s32 @!p0 $0x3;
	[sflag:s13] =	ssyncadd.s32 $0xFFFFEC80;
	(pc) =	sbr.rel @p1 .LBB2_1-.Ltmp2, $4  }
0x85: {  	[hbm:s10], [sflag:s6] =	dma.local @!p0 [spmem:s14], $0x80  }
0x86: {  	_ =	swait.ge @!p0 [sflag:s25], $0x80  }
0x87: {  	[sflag:s25] =	ssyncset.done @!p0 $0x0  }
0x88: {  	[sflag:s25] =	ssyncadd.s32 @!p0 $0xFFFFFF80  }
0x89: {  	_ =	sfence.sel $0x180000  }
0x8a: {  	[bflag:$0x0] =	sbarrier.arrive $0xFFFF  }
0x8b: {  	p0 =	sne.s32 s2, $0x0;
	_ =	strace $0x9000004D  }
0x8c: {  	s0 =	sadd.s32 @!p0 $0x100000, s0;
	[bflag:$0x2] =	sbarrier.arrive $0xFFFF  }
0x8d: {  	[sflag:s0] =	ssyncadd.tile.s32 @!p0 $0x1;
	_ =	shalt  }
.Lfunc_end2:
_tile_overlayer_lowered:
.L_overlay_start_2:
0x8e: {  	(tag) =	ssettag $0x2  }
0x8f: {  	s0 =	rddreg [dreg:$0x0];
	s2 =	stileid.u32  }
0x90: {  	s1 =	rddreg [dreg:$0x1];
	p0 =	sne.s32 s2, $0x0  }
0x91: {  	s3 =	rddreg [dreg:$0x2];
	[bflag:$0x3] =	sbarrier.arrive $0xFFFF;
	s2 =	simm.s32 @!p0 $0x1C03  }
0x92: {  	[timem:s3], [sflag:s2] =	dma.local @!p0 [hbm:s0], s1  }
0x93: {  	s0 =	simm.s32 @!p0 $0x3  }
0x94: {  	_ =	swait.ge @!p0 [sflag:s0], s1  }
0x95: {  	s1 =	ssub.s32 @!p0 $0x0, s1;
	[sflag:s0] =	ssyncset.done @!p0 $0x0  }
0x96: {  	[sflag:s0] =	ssyncadd.s32 @!p0 s1  }
0x97: {  	[bflag:$0x3] =	sbarrier.arrive $0xFFFF  }
0x98: {  	_ =	shalt  }

</sc_bundles>
